<compile_context>
chip_gen: v7x
topology: tpu7x:2x2x1
jax: 0.10.2.dev20260603
libtpu: 0.0.44.dev20260713+nightly
codegen_flags: <defaults>
</compile_context>

<pallas_src>
import jax
import jax.numpy as jnp
from jax import lax
from jax.experimental import pallas as pl
from jax.experimental.pallas import tpu as pltpu
from jax.experimental.pallas import tpu_sc as plsc

N = 100000
NUM_TYPES = 119
C0 = 256
C1 = 128
M1 = 5
LANES = 16

B = 80
NB = N // B
NW = 32
BLK_PER, BLK_REM = NB // NW, NB % NW
IDX_MAIN = BLK_PER * B
IDX_MAX = (BLK_PER + 1) * B

CB = 2000
CNB = N // CB


def _sc_body(f0_hbm, types_hbm, emb0_hbm, out0_hbm,
             idx_all,
             e0a, e0b, e0c, f0a, f0b, f0c,
             sia, sib, sic, soa, sob, soc):
    info = plsc.get_sparse_core_info()
    nc = info.num_cores
    wid = lax.axis_index("s") * nc + lax.axis_index("c")

    e0 = (e0a, e0b, e0c)
    f0 = (f0a, f0b, f0c)
    sin = (sia, sib, sic)
    sout = (soa, sob, soc)

    count = BLK_PER + jnp.where(wid < BLK_REM, 1, 0)
    start_blk = BLK_PER * wid + jnp.minimum(wid, BLK_REM)
    start_atom = start_blk * B

    pltpu.sync_copy(types_hbm.at[pl.ds(start_atom, IDX_MAIN)],
                    idx_all.at[pl.ds(0, IDX_MAIN)])

    @pl.when(count == BLK_PER + 1)
    def _():
        pltpu.sync_copy(types_hbm.at[pl.ds(start_atom + IDX_MAIN, B)],
                        idx_all.at[pl.ds(IDX_MAIN, B)])

    def in_descs(j, r):
        base = (start_blk + j) * B
        idx_ref = idx_all.at[pl.ds(j * B, B)]
        return (
            pltpu.make_async_copy(emb0_hbm.at[idx_ref], e0[r], sin[r]),
            pltpu.make_async_copy(f0_hbm.at[pl.ds(base, B)], f0[r], sin[r]),
        )

    def out_descs(j, r):
        base = (start_blk + j) * B
        return (
            pltpu.make_async_copy(f0[r], out0_hbm.at[pl.ds(base, B)], sout[r]),
        )

    def prefetch(j, r):
        for d in in_descs(j, r):
            d.start()

    def wait_in(j, r):
        for d in in_descs(j, r):
            d.wait()

    def issue_out(j, r):
        for d in out_descs(j, r):
            d.start()

    def wait_out(j, r):
        for d in out_descs(j, r):
            d.wait()

    def compute(r):
        f0r, e0r = f0[r], e0[r]

        def row_body(row, rc):
            for c in range(C0 // LANES):
                sl = pl.ds(c * LANES, LANES)
                f0r[row, sl] = f0r[row, sl] * e0r[row, sl]
            return rc

        lax.fori_loop(0, B, row_body, 0)

    prefetch(0, 0)

    def outer(g, carry):
        for b in range(3):
            j = g * 3 + b
            rn = (b + 1) % 3

            @pl.when(j + 1 < count)
            def _():
                @pl.when(j >= 2)
                def _():
                    wait_out(j - 2, rn)
                prefetch(j + 1, rn)

            @pl.when(j < count)
            def _():
                wait_in(j, b)
                compute(b)
                issue_out(j, b)
        return carry

    lax.fori_loop(0, (count + 2) // 3, outer, 0)

    for r in range(3):
        last = jnp.where((count - 1) % 3 == r, count - 1, count - 2)
        pending = jnp.logical_or((count - 1) % 3 == r, (count - 2) % 3 == r)

        @pl.when(pending)
        def _():
            wait_out(last, r)


def _tc_body_classic(types_ref, emb1_ref, f1_ref, out1_ref):
    t = types_ref[0, 0, :]
    onehot = (t[:, None] == lax.broadcasted_iota(
        jnp.int32, (CB, NUM_TYPES), 1)).astype(jnp.float32)
    e1r = jnp.dot(onehot, emb1_ref[...],
                  preferred_element_type=jnp.float32,
                  precision=lax.Precision.HIGHEST)
    for m in range(M1):
        out1_ref[m, :, :] = f1_ref[m, :, :] * e1r


def _tc_body(types_ref, emb1_ref, f1_hbm, out1_hbm, fbuf, obuf, sin, sout):
    def in_copy(j, r):
        return pltpu.make_async_copy(
            f1_hbm.at[:, pl.ds(j * TB, TB), :], fbuf.at[r], sin.at[r])

    def out_copy(j, r):
        return pltpu.make_async_copy(
            obuf.at[r], out1_hbm.at[:, pl.ds(j * TB, TB), :], sout.at[r])

    def compute(j, r):
        t = types_ref[j, :]
        onehot = (t[:, None] == lax.broadcasted_iota(
            jnp.int32, (TB, NUM_TYPES), 1)).astype(jnp.float32)
        e1r = jnp.dot(onehot, emb1_ref[...],
                      preferred_element_type=jnp.float32,
                      precision=lax.Precision.HIGHEST)
        for m in range(M1):
            obuf[r, m, :, :] = fbuf[r, m, :, :] * e1r

    for b in range(RING - 1):
        in_copy(b, b).start()

    def outer(g, carry):
        for b in range(RING):
            j = g * RING + b

            @pl.when(j + RING - 1 < TNB)
            def _():
                in_copy(j + RING - 1, (b + RING - 1) % RING).start()

            in_copy(j, b).wait()

            @pl.when(j >= RING)
            def _():
                out_copy(j - RING, b).wait()

            compute(j, b)
            out_copy(j, b).start()
        return carry

    lax.fori_loop(0, TNB // RING, outer, 0, unroll=False)

    for b in range(RING):
        out_copy(TNB - RING + b, b).wait()


def kernel(features_0, features_1, atomic_types, emb_0, emb_1):
    types32 = atomic_types.astype(jnp.int32)

    sc = pl.kernel(
        _sc_body,
        mesh=plsc.VectorSubcoreMesh(core_axis_name="c", subcore_axis_name="s"),
        out_type=[jax.ShapeDtypeStruct((N, C0), jnp.float32)],
        scratch_types=(
            [pltpu.VMEM((IDX_MAX,), jnp.int32)]
            + [pltpu.VMEM((B, C0), jnp.float32) for _ in range(3)]
            + [pltpu.VMEM((B, C0), jnp.float32) for _ in range(3)]
            + [pltpu.SemaphoreType.DMA for _ in range(6)]
        ),
    )
    (out0,) = sc(features_0, types32, emb_0)

    types3d = types32.reshape(CNB, 1, CB)
    f1t = jnp.transpose(features_1, (1, 0, 2))
    out1t = pl.pallas_call(
        _tc_body_classic,
        grid=(CNB,),
        in_specs=[
            pl.BlockSpec((1, 1, CB), lambda i: (i, 0, 0)),
            pl.BlockSpec((NUM_TYPES, C1), lambda i: (0, 0)),
            pl.BlockSpec((M1, CB, C1), lambda i: (0, i, 0)),
        ],
        out_specs=pl.BlockSpec((M1, CB, C1), lambda i: (0, i, 0)),
        out_shape=jax.ShapeDtypeStruct((M1, N, C1), jnp.float32),
    )(types3d, emb_1, f1t)
    out1 = jnp.transpose(out1t, (1, 0, 2))

    return (out0, out1)

# --- scband reference (transcript-rebuilt; emitter-appended) ---
"""Pipeline reference for scband-center-embedder-80101140070675 (READ-ONLY COPY).

The authoritative reference and input builder live on the scoring server;
editing this copy changes nothing except your own understanding.
"""

import jax, jax.numpy as jnp
import numpy as np

N = 100000
NUM_TYPES = 119
C0 = 256
C1 = 128
M1 = 5


def setup_inputs(seed: int = 0) -> dict:
    key = jax.random.key(seed)
    k1, k2, k3, k4, k5 = jax.random.split(key, 5)
    features_0 = jax.random.normal(k1, (N, C0), dtype=jnp.float32)
    features_1 = jax.random.normal(k2, (N, M1, C1), dtype=jnp.float32)
    atomic_types = jax.random.randint(k3, (N,), 0, NUM_TYPES, dtype=jnp.int64 if jax.config.jax_enable_x64 else jnp.int32)
    # learned embedding tables, one per feature tensor (nn.Embedding weights)
    emb_0 = jax.random.normal(k4, (NUM_TYPES, C0), dtype=jnp.float32)
    emb_1 = jax.random.normal(k5, (NUM_TYPES, C1), dtype=jnp.float32)
    return {"features_0": features_0, "features_1": features_1, "atomic_types": atomic_types, "emb_0": emb_0, "emb_1": emb_1}


def reference(features_0, features_1, atomic_types, emb_0, emb_1):
    # embedder 0: features_0 has dim 2 -> no unsqueeze
    e0 = jnp.take(emb_0, atomic_types, axis=0)          # [N, C0]
    out0 = features_0 * e0
    # embedder 1: features_1 has dim 3 -> one unsqueeze at axis 1
    e1 = jnp.take(emb_1, atomic_types, axis=0)          # [N, C1]
    e1 = e1[:, None, :]                                  # [N, 1, C1]
    out1 = features_1 * e1
    return (out0, out1)

if __name__ == "__main__":
    import jax
    _d = setup_inputs()
    print(jax.jit(kernel)(*tuple(_d.values())))

</pallas_src>

<mosaic_0001>
#map = affine_map<(d0, d1) -> (0, 0)>
#map1 = affine_map<(d0, d1) -> (0)>
module attributes {stable_mosaic.version = 14 : i64} {
  func.func @_sc_body(%arg0: i32, %arg1: i32, %arg2: memref<100000x256xf32, #tpu.memory_space<hbm>>, %arg3: memref<100000xi32, #tpu.memory_space<hbm>>, %arg4: memref<119x256xf32, #tpu.memory_space<hbm>>, %arg5: memref<100000x256xf32, #tpu.memory_space<hbm>>, %arg6: memref<3200xi32, #tpu.memory_space<vmem>>, %arg7: memref<80x256xf32, #tpu.memory_space<vmem>>, %arg8: memref<80x256xf32, #tpu.memory_space<vmem>>, %arg9: memref<80x256xf32, #tpu.memory_space<vmem>>, %arg10: memref<80x256xf32, #tpu.memory_space<vmem>>, %arg11: memref<80x256xf32, #tpu.memory_space<vmem>>, %arg12: memref<80x256xf32, #tpu.memory_space<vmem>>, %arg13: memref<!tpu.dma_semaphore, #tpu.memory_space<semaphore_mem>>, %arg14: memref<!tpu.dma_semaphore, #tpu.memory_space<semaphore_mem>>, %arg15: memref<!tpu.dma_semaphore, #tpu.memory_space<semaphore_mem>>, %arg16: memref<!tpu.dma_semaphore, #tpu.memory_space<semaphore_mem>>, %arg17: memref<!tpu.dma_semaphore, #tpu.memory_space<semaphore_mem>>, %arg18: memref<!tpu.dma_semaphore, #tpu.memory_space<semaphore_mem>>) attributes {dimension_semantics = [#tpu.dimension_semantics<core_parallel>, #tpu.dimension_semantics<subcore_parallel>], iteration_bounds = array<i64: 2, 16>, scalar_prefetch = 0 : i64, scratch_operands = 13 : i64, tpu.core_type = #tpu.core_type<sc_vector_subcore>, window_params = [{transform_indices = #map}, {transform_indices = #map1}, {transform_indices = #map}, {transform_indices = #map}]} {
    %mul3A = arith.constant 2 : i32
    %mul3A_0 = arith.muli %arg1, %mul3A : i32
    %add3A = arith.addi %mul3A_0, %arg0 : i32
    %lt3A = arith.constant 2 : i32
    %lt3A_1 = arith.cmpi slt, %add3A, %lt3A : i32
    %jit3A = arith.constant 1 : i32
    %jit3A_2 = arith.constant 0 : i32
    %select_n3A = arith.select %lt3A_1, %jit3A, %jit3A_2 : i32
    %add3A_3 = arith.constant 39 : i32
    %add3A_4 = arith.addi %add3A_3, %select_n3A : i32
    %mul3A_5 = arith.constant 39 : i32
    %mul3A_6 = arith.muli %mul3A_5, %add3A : i32
    %min3A = arith.constant 2 : i32
    %min3A_7 = arith.minsi %add3A, %min3A : i32
    %add3A_8 = arith.addi %mul3A_6, %min3A_7 : i32
    %mul3A_9 = arith.constant 80 : i32
    %mul3A_10 = arith.muli %add3A_8, %mul3A_9 : i32
    "tpu.region"() ({
      %run_scoped3A = tpu.sem_alloc : memref<!tpu.dma_semaphore, #tpu.memory_space<semaphore_mem>>
      %dma_start3A_260 = arith.constant 0 : i32
      %dma_start3A_261 = tpu.memref_slice %arg6[%dma_start3A_260] : memref<3200xi32, #tpu.memory_space<vmem>> -> memref<3120xi32, #tpu.memory_space<vmem>>
      %dma_start3A_262 = tpu.memref_slice %arg3[%mul3A_10] : memref<100000xi32, #tpu.memory_space<hbm>> -> memref<3120xi32, #tpu.memory_space<hbm>>
      %dma_start3A_263 = arith.constant 0 : i32
      %dma_start3A_264 = tpu.memref_slice %arg6[%dma_start3A_263] : memref<3200xi32, #tpu.memory_space<vmem>> -> memref<3120xi32, #tpu.memory_space<vmem>>
      %dma_start3A_265 = tpu.memref_slice %arg3[%mul3A_10] : memref<100000xi32, #tpu.memory_space<hbm>> -> memref<3120xi32, #tpu.memory_space<hbm>>
      tpu.enqueue_dma source(%dma_start3A_265 : memref<3120xi32, #tpu.memory_space<hbm>>) target(%dma_start3A_264 : memref<3120xi32, #tpu.memory_space<vmem>>) target_semaphore(%run_scoped3A : memref<!tpu.dma_semaphore, #tpu.memory_space<semaphore_mem>>)
      %dma_wait3A = arith.constant 0 : i32
      %dma_wait3A_266 = tpu.memref_slice %arg6[%dma_wait3A] : memref<3200xi32, #tpu.memory_space<vmem>> -> memref<3120xi32, #tpu.memory_space<vmem>>
      %dma_wait3A_267 = tpu.memref_slice %arg3[%mul3A_10] : memref<100000xi32, #tpu.memory_space<hbm>> -> memref<3120xi32, #tpu.memory_space<hbm>>
      %dma_wait3A_268 = arith.constant 0 : i32
      %dma_wait3A_269 = tpu.memref_slice %arg6[%dma_wait3A_268] : memref<3200xi32, #tpu.memory_space<vmem>> -> memref<3120xi32, #tpu.memory_space<vmem>>
      %dma_wait3A_270 = tpu.memref_slice %arg3[%mul3A_10] : memref<100000xi32, #tpu.memory_space<hbm>> -> memref<3120xi32, #tpu.memory_space<hbm>>
      tpu.wait_dma2 semaphore(%run_scoped3A : memref<!tpu.dma_semaphore, #tpu.memory_space<semaphore_mem>>) src(%dma_wait3A_270 : memref<3120xi32, #tpu.memory_space<hbm>>) dst(%dma_wait3A_269 : memref<3120xi32, #tpu.memory_space<vmem>>)
      tpu.yield
    }) : () -> ()
    %eq3A = arith.constant 40 : i32
    %eq3A_11 = arith.cmpi eq, %add3A_4, %eq3A : i32
    %convert_element_type3A = arith.extui %eq3A_11 : i1 to i32
    %cond3A = arith.constant 0 : i32
    %cond3A_12 = arith.cmpi ne, %convert_element_type3A, %cond3A : i32
    scf.if %cond3A_12 {
      %add3A_260 = arith.constant 3120 : i32
      %add3A_261 = arith.addi %mul3A_10, %add3A_260 : i32
      "tpu.region"() ({
        %run_scoped3A = tpu.sem_alloc : memref<!tpu.dma_semaphore, #tpu.memory_space<semaphore_mem>>
        %dma_start3A_262 = arith.constant 3120 : i32
        %dma_start3A_263 = tpu.memref_slice %arg6[%dma_start3A_262] : memref<3200xi32, #tpu.memory_space<vmem>> -> memref<80xi32, #tpu.memory_space<vmem>>
        %dma_start3A_264 = tpu.memref_slice %arg3[%add3A_261] : memref<100000xi32, #tpu.memory_space<hbm>> -> memref<80xi32, #tpu.memory_space<hbm>>
        %dma_start3A_265 = arith.constant 3120 : i32
        %dma_start3A_266 = tpu.memref_slice %arg6[%dma_start3A_265] : memref<3200xi32, #tpu.memory_space<vmem>> -> memref<80xi32, #tpu.memory_space<vmem>>
        %dma_start3A_267 = tpu.memref_slice %arg3[%add3A_261] : memref<100000xi32, #tpu.memory_space<hbm>> -> memref<80xi32, #tpu.memory_space<hbm>>
        tpu.enqueue_dma source(%dma_start3A_267 : memref<80xi32, #tpu.memory_space<hbm>>) target(%dma_start3A_266 : memref<80xi32, #tpu.memory_space<vmem>>) target_semaphore(%run_scoped3A : memref<!tpu.dma_semaphore, #tpu.memory_space<semaphore_mem>>)
        %dma_wait3A = arith.constant 3120 : i32
        %dma_wait3A_268 = tpu.memref_slice %arg6[%dma_wait3A] : memref<3200xi32, #tpu.memory_space<vmem>> -> memref<80xi32, #tpu.memory_space<vmem>>
        %dma_wait3A_269 = tpu.memref_slice %arg3[%add3A_261] : memref<100000xi32, #tpu.memory_space<hbm>> -> memref<80xi32, #tpu.memory_space<hbm>>
        %dma_wait3A_270 = arith.constant 3120 : i32
        %dma_wait3A_271 = tpu.memref_slice %arg6[%dma_wait3A_270] : memref<3200xi32, #tpu.memory_space<vmem>> -> memref<80xi32, #tpu.memory_space<vmem>>
        %dma_wait3A_272 = tpu.memref_slice %arg3[%add3A_261] : memref<100000xi32, #tpu.memory_space<hbm>> -> memref<80xi32, #tpu.memory_space<hbm>>
        tpu.wait_dma2 semaphore(%run_scoped3A : memref<!tpu.dma_semaphore, #tpu.memory_space<semaphore_mem>>) src(%dma_wait3A_272 : memref<80xi32, #tpu.memory_space<hbm>>) dst(%dma_wait3A_271 : memref<80xi32, #tpu.memory_space<vmem>>)
        tpu.yield
      }) : () -> ()
    } else {
    }
    %add3A_13 = arith.constant 0 : i32
    %add3A_14 = arith.addi %add3A_8, %add3A_13 : i32
    %mul3A_15 = arith.constant 80 : i32
    %mul3A_16 = arith.muli %add3A_14, %mul3A_15 : i32
    %dma_start3A = arith.constant 0 : i32
    %dma_start3A_17 = tpu.memref_slice %arg6[%dma_start3A] : memref<3200xi32, #tpu.memory_space<vmem>> -> memref<80xi32, #tpu.memory_space<vmem>>
    %dma_start3A_18 = arith.constant 0 : i32
    %dma_start3A_19 = arith.constant 0 : i32
    %dma_start3A_20 = tpu.memref_slice %arg4[%dma_start3A_18, %dma_start3A_19] : memref<119x256xf32, #tpu.memory_space<hbm>> -> memref<119x256xf32, #tpu.memory_space<hbm>>
    tpu.enqueue_indirect_dma source(%dma_start3A_20 : memref<119x256xf32, #tpu.memory_space<hbm>>) target(%arg7 : memref<80x256xf32, #tpu.memory_space<vmem>>) offsets(%dma_start3A_17 : memref<80xi32, #tpu.memory_space<vmem>>) semaphore(%arg13 : memref<!tpu.dma_semaphore, #tpu.memory_space<semaphore_mem>>)
    %dma_start3A_21 = arith.constant 0 : i32
    %dma_start3A_22 = tpu.memref_slice %arg2[%mul3A_16, %dma_start3A_21] : memref<100000x256xf32, #tpu.memory_space<hbm>> -> memref<80x256xf32, #tpu.memory_space<hbm>>
    %dma_start3A_23 = arith.constant 0 : i32
    %dma_start3A_24 = tpu.memref_slice %arg2[%mul3A_16, %dma_start3A_23] : memref<100000x256xf32, #tpu.memory_space<hbm>> -> memref<80x256xf32, #tpu.memory_space<hbm>>
    tpu.enqueue_dma source(%dma_start3A_24 : memref<80x256xf32, #tpu.memory_space<hbm>>) target(%arg10 : memref<80x256xf32, #tpu.memory_space<vmem>>) target_semaphore(%arg13 : memref<!tpu.dma_semaphore, #tpu.memory_space<semaphore_mem>>)
    %add3A_25 = arith.constant 2 : i32
    %add3A_26 = arith.addi %add3A_4, %add3A_25 : i32
    %jit3A_27 = arith.constant 3 : i32
    %div3A = arith.divsi %add3A_26, %jit3A_27 : i32
    %sign3A = arith.constant 0 : i32
    %sign3A_28 = arith.cmpi sgt, %add3A_26, %sign3A : i32
    %sign3A_29 = arith.extui %sign3A_28 : i1 to i32
    %sign3A_30 = arith.constant 0 : i32
    %sign3A_31 = arith.cmpi slt, %add3A_26, %sign3A_30 : i32
    %sign3A_32 = arith.extui %sign3A_31 : i1 to i32
    %sign3A_33 = arith.subi %sign3A_29, %sign3A_32 : i32
    %sign3A_34 = arith.constant 0 : i32
    %sign3A_35 = arith.cmpi sgt, %jit3A_27, %sign3A_34 : i32
    %sign3A_36 = arith.extui %sign3A_35 : i1 to i32
    %sign3A_37 = arith.constant 0 : i32
    %sign3A_38 = arith.cmpi slt, %jit3A_27, %sign3A_37 : i32
    %sign3A_39 = arith.extui %sign3A_38 : i1 to i32
    %sign3A_40 = arith.subi %sign3A_36, %sign3A_39 : i32
    %ne3A = arith.cmpi ne, %sign3A_33, %sign3A_40 : i32
    %rem3A = arith.remsi %add3A_26, %jit3A_27 : i32
    %ne3A_41 = arith.constant 0 : i32
    %ne3A_42 = arith.cmpi ne, %rem3A, %ne3A_41 : i32
    %and3A = arith.andi %ne3A, %ne3A_42 : i1
    %sub3A = arith.constant 1 : i32
    %sub3A_43 = arith.subi %div3A, %sub3A : i32
    %select_n3A_44 = arith.select %and3A, %sub3A_43, %div3A : i32
    %while3A = arith.constant 0 : i32
    %while3A_45 = arith.constant 0 : i32
    %while3A_46 = arith.subi %select_n3A_44, %while3A_45 : i32
    %while3A_47 = arith.addi %while3A_45, %while3A_46 : i32
    %while3A_48 = arith.constant 1 : i32
    %while3A_49 = arith.divsi %while3A_46, %while3A_48 : i32
    %while3A_50 = arith.muli %while3A_49, %while3A_48 : i32
    %while3A_51 = arith.addi %while3A_45, %while3A_50 : i32
    %while3A_52 = arith.constant 1 : i32
    scf.for %while3A_260 = %while3A_45 to %while3A_51 step %while3A_52  : i32 {
      %mul3A_261 = arith.constant 3 : i32
      %mul3A_262 = arith.muli %while3A_260, %mul3A_261 : i32
      %add3A_263 = arith.constant 0 : i32
      %add3A_264 = arith.addi %mul3A_262, %add3A_263 : i32
      %add3A_265 = arith.constant 1 : i32
      %add3A_266 = arith.addi %add3A_264, %add3A_265 : i32
      %lt3A_267 = arith.cmpi slt, %add3A_266, %add3A_4 : i32
      %convert_element_type3A_268 = arith.extui %lt3A_267 : i1 to i32
      %cond3A_269 = arith.constant 0 : i32
      %cond3A_270 = arith.cmpi ne, %convert_element_type3A_268, %cond3A_269 : i32
      scf.if %cond3A_270 {
        %ge3A = arith.constant 2 : i32
        %ge3A_303 = arith.cmpi sge, %add3A_264, %ge3A : i32
        %convert_element_type3A_304 = arith.extui %ge3A_303 : i1 to i32
        %cond3A_305 = arith.constant 0 : i32
        %cond3A_306 = arith.cmpi ne, %convert_element_type3A_304, %cond3A_305 : i32
        scf.if %cond3A_306 {
          %sub3A_322 = arith.constant 2 : i32
          %sub3A_323 = arith.subi %add3A_264, %sub3A_322 : i32
          %add3A_324 = arith.addi %add3A_8, %sub3A_323 : i32
          %mul3A_325 = arith.constant 80 : i32
          %mul3A_326 = arith.muli %add3A_324, %mul3A_325 : i32
          %dma_wait3A = arith.constant 0 : i32
          %dma_wait3A_327 = tpu.memref_slice %arg5[%mul3A_326, %dma_wait3A] : memref<100000x256xf32, #tpu.memory_space<hbm>> -> memref<80x256xf32, #tpu.memory_space<hbm>>
          %dma_wait3A_328 = arith.constant 0 : i32
          %dma_wait3A_329 = tpu.memref_slice %arg5[%mul3A_326, %dma_wait3A_328] : memref<100000x256xf32, #tpu.memory_space<hbm>> -> memref<80x256xf32, #tpu.memory_space<hbm>>
          tpu.wait_dma2 semaphore(%arg17 : memref<!tpu.dma_semaphore, #tpu.memory_space<semaphore_mem>>) src(%arg11 : memref<80x256xf32, #tpu.memory_space<vmem>>) dst(%dma_wait3A_329 : memref<80x256xf32, #tpu.memory_space<hbm>>)
        } else {
        }
        %add3A_307 = arith.constant 1 : i32
        %add3A_308 = arith.addi %add3A_264, %add3A_307 : i32
        %add3A_309 = arith.addi %add3A_8, %add3A_308 : i32
        %mul3A_310 = arith.constant 80 : i32
        %mul3A_311 = arith.muli %add3A_309, %mul3A_310 : i32
        %mul3A_312 = arith.constant 80 : i32
        %mul3A_313 = arith.muli %add3A_308, %mul3A_312 : i32
        %dma_start3A_314 = tpu.memref_slice %arg6[%mul3A_313] : memref<3200xi32, #tpu.memory_space<vmem>> -> memref<80xi32, #tpu.memory_space<vmem>>
        %dma_start3A_315 = arith.constant 0 : i32
        %dma_start3A_316 = arith.constant 0 : i32
        %dma_start3A_317 = tpu.memref_slice %arg4[%dma_start3A_315, %dma_start3A_316] : memref<119x256xf32, #tpu.memory_space<hbm>> -> memref<119x256xf32, #tpu.memory_space<hbm>>
        tpu.enqueue_indirect_dma source(%dma_start3A_317 : memref<119x256xf32, #tpu.memory_space<hbm>>) target(%arg8 : memref<80x256xf32, #tpu.memory_space<vmem>>) offsets(%dma_start3A_314 : memref<80xi32, #tpu.memory_space<vmem>>) semaphore(%arg14 : memref<!tpu.dma_semaphore, #tpu.memory_space<semaphore_mem>>)
        %dma_start3A_318 = arith.constant 0 : i32
        %dma_start3A_319 = tpu.memref_slice %arg2[%mul3A_311, %dma_start3A_318] : memref<100000x256xf32, #tpu.memory_space<hbm>> -> memref<80x256xf32, #tpu.memory_space<hbm>>
        %dma_start3A_320 = arith.constant 0 : i32
        %dma_start3A_321 = tpu.memref_slice %arg2[%mul3A_311, %dma_start3A_320] : memref<100000x256xf32, #tpu.memory_space<hbm>> -> memref<80x256xf32, #tpu.memory_space<hbm>>
        tpu.enqueue_dma source(%dma_start3A_321 : memref<80x256xf32, #tpu.memory_space<hbm>>) target(%arg11 : memref<80x256xf32, #tpu.memory_space<vmem>>) target_semaphore(%arg14 : memref<!tpu.dma_semaphore, #tpu.memory_space<semaphore_mem>>)
      } else {
      }
      %lt3A_271 = arith.cmpi slt, %add3A_264, %add3A_4 : i32
      %convert_element_type3A_272 = arith.extui %lt3A_271 : i1 to i32
      %cond3A_273 = arith.constant 0 : i32
      %cond3A_274 = arith.cmpi ne, %convert_element_type3A_272, %cond3A_273 : i32
      scf.if %cond3A_274 {
        %add3A_303 = arith.addi %add3A_8, %add3A_264 : i32
        %mul3A_304 = arith.constant 80 : i32
        %mul3A_305 = arith.muli %add3A_303, %mul3A_304 : i32
        %mul3A_306 = arith.constant 80 : i32
        %mul3A_307 = arith.muli %add3A_264, %mul3A_306 : i32
        %dma_wait3A = tpu.memref_slice %arg6[%mul3A_307] : memref<3200xi32, #tpu.memory_space<vmem>> -> memref<80xi32, #tpu.memory_space<vmem>>
        %dma_wait3A_308 = arith.constant 0 : i32
        %dma_wait3A_309 = arith.constant 0 : i32
        %dma_wait3A_310 = tpu.memref_slice %arg4[%dma_wait3A_308, %dma_wait3A_309] : memref<119x256xf32, #tpu.memory_space<hbm>> -> memref<119x256xf32, #tpu.memory_space<hbm>>
        tpu.wait_indirect_dma semaphore(%arg13 : memref<!tpu.dma_semaphore, #tpu.memory_space<semaphore_mem>>) src(%dma_wait3A_310 : memref<119x256xf32, #tpu.memory_space<hbm>>) dst(%arg7 : memref<80x256xf32, #tpu.memory_space<vmem>>)
        %dma_wait3A_311 = arith.constant 0 : i32
        %dma_wait3A_312 = tpu.memref_slice %arg2[%mul3A_305, %dma_wait3A_311] : memref<100000x256xf32, #tpu.memory_space<hbm>> -> memref<80x256xf32, #tpu.memory_space<hbm>>
        %dma_wait3A_313 = arith.constant 0 : i32
        %dma_wait3A_314 = tpu.memref_slice %arg2[%mul3A_305, %dma_wait3A_313] : memref<100000x256xf32, #tpu.memory_space<hbm>> -> memref<80x256xf32, #tpu.memory_space<hbm>>
        tpu.wait_dma2 semaphore(%arg13 : memref<!tpu.dma_semaphore, #tpu.memory_space<semaphore_mem>>) src(%dma_wait3A_314 : memref<80x256xf32, #tpu.memory_space<hbm>>) dst(%arg10 : memref<80x256xf32, #tpu.memory_space<vmem>>)
        %scan3A = arith.constant 0 : i32
        %scan3A_315 = arith.constant 0 : i32
        %scan3A_316 = arith.constant 80 : i32
        %scan3A_317 = arith.addi %scan3A_315, %scan3A_316 : i32
        %scan3A_318 = arith.constant 1 : i32
        scf.for %scan3A_327 = %scan3A_315 to %scan3A_317 step %scan3A_318  : i32 {
          %get3A = arith.index_cast %scan3A_327 : i32 to index
          %get3A_328 = arith.constant 0 : index
          %get3A_329 = tpu.vector_load %arg10[%get3A, %get3A_328] {strides = array<i32>} : memref<80x256xf32, #tpu.memory_space<vmem>>, vector<1x16xf32>,
          %get3A_330 = vector.shape_cast %get3A_329 : vector<1x16xf32> to vector<16xf32>
          %get3A_331 = arith.index_cast %scan3A_327 : i32 to index
          %get3A_332 = arith.constant 0 : index
          %get3A_333 = tpu.vector_load %arg7[%get3A_331, %get3A_332] {strides = array<i32>} : memref<80x256xf32, #tpu.memory_space<vmem>>, vector<1x16xf32>,
          %get3A_334 = vector.shape_cast %get3A_333 : vector<1x16xf32> to vector<16xf32>
          %mul3A_335 = arith.mulf %get3A_330, %get3A_334 : vector<16xf32>
          %swap3A = arith.index_cast %scan3A_327 : i32 to index
          %swap3A_336 = arith.constant 0 : index
          %swap3A_337 = tpu.vector_load %arg10[%swap3A, %swap3A_336] {strides = array<i32>} : memref<80x256xf32, #tpu.memory_space<vmem>>, vector<1x16xf32>,
          %swap3A_338 = vector.shape_cast %swap3A_337 : vector<1x16xf32> to vector<16xf32>
          %swap3A_339 = vector.shape_cast %mul3A_335 : vector<16xf32> to vector<1x16xf32>
          tpu.vector_store %arg10[%swap3A, %swap3A_336], %swap3A_339 {strides = array<i32>} : memref<80x256xf32, #tpu.memory_space<vmem>>, vector<1x16xf32>,
          %get3A_340 = arith.index_cast %scan3A_327 : i32 to index
          %get3A_341 = arith.constant 16 : index
          %get3A_342 = tpu.vector_load %arg10[%get3A_340, %get3A_341] {strides = array<i32>} : memref<80x256xf32, #tpu.memory_space<vmem>>, vector<1x16xf32>,
          %get3A_343 = vector.shape_cast %get3A_342 : vector<1x16xf32> to vector<16xf32>
          %get3A_344 = arith.index_cast %scan3A_327 : i32 to index
          %get3A_345 = arith.constant 16 : index
          %get3A_346 = tpu.vector_load %arg7[%get3A_344, %get3A_345] {strides = array<i32>} : memref<80x256xf32, #tpu.memory_space<vmem>>, vector<1x16xf32>,
          %get3A_347 = vector.shape_cast %get3A_346 : vector<1x16xf32> to vector<16xf32>
          %mul3A_348 = arith.mulf %get3A_343, %get3A_347 : vector<16xf32>
          %swap3A_349 = arith.index_cast %scan3A_327 : i32 to index
          %swap3A_350 = arith.constant 16 : index
          %swap3A_351 = tpu.vector_load %arg10[%swap3A_349, %swap3A_350] {strides = array<i32>} : memref<80x256xf32, #tpu.memory_space<vmem>>, vector<1x16xf32>,
          %swap3A_352 = vector.shape_cast %swap3A_351 : vector<1x16xf32> to vector<16xf32>
          %swap3A_353 = vector.shape_cast %mul3A_348 : vector<16xf32> to vector<1x16xf32>
          tpu.vector_store %arg10[%swap3A_349, %swap3A_350], %swap3A_353 {strides = array<i32>} : memref<80x256xf32, #tpu.memory_space<vmem>>, vector<1x16xf32>,
          %get3A_354 = arith.index_cast %scan3A_327 : i32 to index
          %get3A_355 = arith.constant 32 : index
          %get3A_356 = tpu.vector_load %arg10[%get3A_354, %get3A_355] {strides = array<i32>} : memref<80x256xf32, #tpu.memory_space<vmem>>, vector<1x16xf32>,
          %get3A_357 = vector.shape_cast %get3A_356 : vector<1x16xf32> to vector<16xf32>
          %get3A_358 = arith.index_cast %scan3A_327 : i32 to index
          %get3A_359 = arith.constant 32 : index
          %get3A_360 = tpu.vector_load %arg7[%get3A_358, %get3A_359] {strides = array<i32>} : memref<80x256xf32, #tpu.memory_space<vmem>>, vector<1x16xf32>,
          %get3A_361 = vector.shape_cast %get3A_360 : vector<1x16xf32> to vector<16xf32>
          %mul3A_362 = arith.mulf %get3A_357, %get3A_361 : vector<16xf32>
          %swap3A_363 = arith.index_cast %scan3A_327 : i32 to index
          %swap3A_364 = arith.constant 32 : index
          %swap3A_365 = tpu.vector_load %arg10[%swap3A_363, %swap3A_364] {strides = array<i32>} : memref<80x256xf32, #tpu.memory_space<vmem>>, vector<1x16xf32>,
          %swap3A_366 = vector.shape_cast %swap3A_365 : vector<1x16xf32> to vector<16xf32>
          %swap3A_367 = vector.shape_cast %mul3A_362 : vector<16xf32> to vector<1x16xf32>
          tpu.vector_store %arg10[%swap3A_363, %swap3A_364], %swap3A_367 {strides = array<i32>} : memref<80x256xf32, #tpu.memory_space<vmem>>, vector<1x16xf32>,
          %get3A_368 = arith.index_cast %scan3A_327 : i32 to index
          %get3A_369 = arith.constant 48 : index
          %get3A_370 = tpu.vector_load %arg10[%get3A_368, %get3A_369] {strides = array<i32>} : memref<80x256xf32, #tpu.memory_space<vmem>>, vector<1x16xf32>,
          %get3A_371 = vector.shape_cast %get3A_370 : vector<1x16xf32> to vector<16xf32>
          %get3A_372 = arith.index_cast %scan3A_327 : i32 to index
          %get3A_373 = arith.constant 48 : index
          %get3A_374 = tpu.vector_load %arg7[%get3A_372, %get3A_373] {strides = array<i32>} : memref<80x256xf32, #tpu.memory_space<vmem>>, vector<1x16xf32>,
          %get3A_375 = vector.shape_cast %get3A_374 : vector<1x16xf32> to vector<16xf32>
          %mul3A_376 = arith.mulf %get3A_371, %get3A_375 : vector<16xf32>
          %swap3A_377 = arith.index_cast %scan3A_327 : i32 to index
          %swap3A_378 = arith.constant 48 : index
          %swap3A_379 = tpu.vector_load %arg10[%swap3A_377, %swap3A_378] {strides = array<i32>} : memref<80x256xf32, #tpu.memory_space<vmem>>, vector<1x16xf32>,
          %swap3A_380 = vector.shape_cast %swap3A_379 : vector<1x16xf32> to vector<16xf32>
          %swap3A_381 = vector.shape_cast %mul3A_376 : vector<16xf32> to vector<1x16xf32>
          tpu.vector_store %arg10[%swap3A_377, %swap3A_378], %swap3A_381 {strides = array<i32>} : memref<80x256xf32, #tpu.memory_space<vmem>>, vector<1x16xf32>,
          %get3A_382 = arith.index_cast %scan3A_327 : i32 to index
          %get3A_383 = arith.constant 64 : index
          %get3A_384 = tpu.vector_load %arg10[%get3A_382, %get3A_383] {strides = array<i32>} : memref<80x256xf32, #tpu.memory_space<vmem>>, vector<1x16xf32>,
          %get3A_385 = vector.shape_cast %get3A_384 : vector<1x16xf32> to vector<16xf32>
          %get3A_386 = arith.index_cast %scan3A_327 : i32 to index
          %get3A_387 = arith.constant 64 : index
          %get3A_388 = tpu.vector_load %arg7[%get3A_386, %get3A_387] {strides = array<i32>} : memref<80x256xf32, #tpu.memory_space<vmem>>, vector<1x16xf32>,
          %get3A_389 = vector.shape_cast %get3A_388 : vector<1x16xf32> to vector<16xf32>
          %mul3A_390 = arith.mulf %get3A_385, %get3A_389 : vector<16xf32>
          %swap3A_391 = arith.index_cast %scan3A_327 : i32 to index
          %swap3A_392 = arith.constant 64 : index
          %swap3A_393 = tpu.vector_load %arg10[%swap3A_391, %swap3A_392] {strides = array<i32>} : memref<80x256xf32, #tpu.memory_space<vmem>>, vector<1x16xf32>,
          %swap3A_394 = vector.shape_cast %swap3A_393 : vector<1x16xf32> to vector<16xf32>
          %swap3A_395 = vector.shape_cast %mul3A_390 : vector<16xf32> to vector<1x16xf32>
          tpu.vector_store %arg10[%swap3A_391, %swap3A_392], %swap3A_395 {strides = array<i32>} : memref<80x256xf32, #tpu.memory_space<vmem>>, vector<1x16xf32>,
          %get3A_396 = arith.index_cast %scan3A_327 : i32 to index
          %get3A_397 = arith.constant 80 : index
          %get3A_398 = tpu.vector_load %arg10[%get3A_396, %get3A_397] {strides = array<i32>} : memref<80x256xf32, #tpu.memory_space<vmem>>, vector<1x16xf32>,
          %get3A_399 = vector.shape_cast %get3A_398 : vector<1x16xf32> to vector<16xf32>
          %get3A_400 = arith.index_cast %scan3A_327 : i32 to index
          %get3A_401 = arith.constant 80 : index
          %get3A_402 = tpu.vector_load %arg7[%get3A_400, %get3A_401] {strides = array<i32>} : memref<80x256xf32, #tpu.memory_space<vmem>>, vector<1x16xf32>,
          %get3A_403 = vector.shape_cast %get3A_402 : vector<1x16xf32> to vector<16xf32>
          %mul3A_404 = arith.mulf %get3A_399, %get3A_403 : vector<16xf32>
          %swap3A_405 = arith.index_cast %scan3A_327 : i32 to index
          %swap3A_406 = arith.constant 80 : index
          %swap3A_407 = tpu.vector_load %arg10[%swap3A_405, %swap3A_406] {strides = array<i32>} : memref<80x256xf32, #tpu.memory_space<vmem>>, vector<1x16xf32>,
          %swap3A_408 = vector.shape_cast %swap3A_407 : vector<1x16xf32> to vector<16xf32>
          %swap3A_409 = vector.shape_cast %mul3A_404 : vector<16xf32> to vector<1x16xf32>
          tpu.vector_store %arg10[%swap3A_405, %swap3A_406], %swap3A_409 {strides = array<i32>} : memref<80x256xf32, #tpu.memory_space<vmem>>, vector<1x16xf32>,
          %get3A_410 = arith.index_cast %scan3A_327 : i32 to index
          %get3A_411 = arith.constant 96 : index
          %get3A_412 = tpu.vector_load %arg10[%get3A_410, %get3A_411] {strides = array<i32>} : memref<80x256xf32, #tpu.memory_space<vmem>>, vector<1x16xf32>,
          %get3A_413 = vector.shape_cast %get3A_412 : vector<1x16xf32> to vector<16xf32>
          %get3A_414 = arith.index_cast %scan3A_327 : i32 to index
          %get3A_415 = arith.constant 96 : index
          %get3A_416 = tpu.vector_load %arg7[%get3A_414, %get3A_415] {strides = array<i32>} : memref<80x256xf32, #tpu.memory_space<vmem>>, vector<1x16xf32>,
          %get3A_417 = vector.shape_cast %get3A_416 : vector<1x16xf32> to vector<16xf32>
          %mul3A_418 = arith.mulf %get3A_413, %get3A_417 : vector<16xf32>
          %swap3A_419 = arith.index_cast %scan3A_327 : i32 to index
          %swap3A_420 = arith.constant 96 : index
          %swap3A_421 = tpu.vector_load %arg10[%swap3A_419, %swap3A_420] {strides = array<i32>} : memref<80x256xf32, #tpu.memory_space<vmem>>, vector<1x16xf32>,
          %swap3A_422 = vector.shape_cast %swap3A_421 : vector<1x16xf32> to vector<16xf32>
          %swap3A_423 = vector.shape_cast %mul3A_418 : vector<16xf32> to vector<1x16xf32>
          tpu.vector_store %arg10[%swap3A_419, %swap3A_420], %swap3A_423 {strides = array<i32>} : memref<80x256xf32, #tpu.memory_space<vmem>>, vector<1x16xf32>,
          %get3A_424 = arith.index_cast %scan3A_327 : i32 to index
          %get3A_425 = arith.constant 112 : index
          %get3A_426 = tpu.vector_load %arg10[%get3A_424, %get3A_425] {strides = array<i32>} : memref<80x256xf32, #tpu.memory_space<vmem>>, vector<1x16xf32>,
          %get3A_427 = vector.shape_cast %get3A_426 : vector<1x16xf32> to vector<16xf32>
          %get3A_428 = arith.index_cast %scan3A_327 : i32 to index
          %get3A_429 = arith.constant 112 : index
          %get3A_430 = tpu.vector_load %arg7[%get3A_428, %get3A_429] {strides = array<i32>} : memref<80x256xf32, #tpu.memory_space<vmem>>, vector<1x16xf32>,
          %get3A_431 = vector.shape_cast %get3A_430 : vector<1x16xf32> to vector<16xf32>
          %mul3A_432 = arith.mulf %get3A_427, %get3A_431 : vector<16xf32>
          %swap3A_433 = arith.index_cast %scan3A_327 : i32 to index
          %swap3A_434 = arith.constant 112 : index
          %swap3A_435 = tpu.vector_load %arg10[%swap3A_433, %swap3A_434] {strides = array<i32>} : memref<80x256xf32, #tpu.memory_space<vmem>>, vector<1x16xf32>,
          %swap3A_436 = vector.shape_cast %swap3A_435 : vector<1x16xf32> to vector<16xf32>
          %swap3A_437 = vector.shape_cast %mul3A_432 : vector<16xf32> to vector<1x16xf32>
          tpu.vector_store %arg10[%swap3A_433, %swap3A_434], %swap3A_437 {strides = array<i32>} : memref<80x256xf32, #tpu.memory_space<vmem>>, vector<1x16xf32>,
          %get3A_438 = arith.index_cast %scan3A_327 : i32 to index
          %get3A_439 = arith.constant 128 : index
          %get3A_440 = tpu.vector_load %arg10[%get3A_438, %get3A_439] {strides = array<i32>} : memref<80x256xf32, #tpu.memory_space<vmem>>, vector<1x16xf32>,
          %get3A_441 = vector.shape_cast %get3A_440 : vector<1x16xf32> to vector<16xf32>
          %get3A_442 = arith.index_cast %scan3A_327 : i32 to index
          %get3A_443 = arith.constant 128 : index
          %get3A_444 = tpu.vector_load %arg7[%get3A_442, %get3A_443] {strides = array<i32>} : memref<80x256xf32, #tpu.memory_space<vmem>>, vector<1x16xf32>,
          %get3A_445 = vector.shape_cast %get3A_444 : vector<1x16xf32> to vector<16xf32>
          %mul3A_446 = arith.mulf %get3A_441, %get3A_445 : vector<16xf32>
          %swap3A_447 = arith.index_cast %scan3A_327 : i32 to index
          %swap3A_448 = arith.constant 128 : index
          %swap3A_449 = tpu.vector_load %arg10[%swap3A_447, %swap3A_448] {strides = array<i32>} : memref<80x256xf32, #tpu.memory_space<vmem>>, vector<1x16xf32>,
          %swap3A_450 = vector.shape_cast %swap3A_449 : vector<1x16xf32> to vector<16xf32>
          %swap3A_451 = vector.shape_cast %mul3A_446 : vector<16xf32> to vector<1x16xf32>
          tpu.vector_store %arg10[%swap3A_447, %swap3A_448], %swap3A_451 {strides = array<i32>} : memref<80x256xf32, #tpu.memory_space<vmem>>, vector<1x16xf32>,
          %get3A_452 = arith.index_cast %scan3A_327 : i32 to index
          %get3A_453 = arith.constant 144 : index
          %get3A_454 = tpu.vector_load %arg10[%get3A_452, %get3A_453] {strides = array<i32>} : memref<80x256xf32, #tpu.memory_space<vmem>>, vector<1x16xf32>,
          %get3A_455 = vector.shape_cast %get3A_454 : vector<1x16xf32> to vector<16xf32>
          %get3A_456 = arith.index_cast %scan3A_327 : i32 to index
          %get3A_457 = arith.constant 144 : index
          %get3A_458 = tpu.vector_load %arg7[%get3A_456, %get3A_457] {strides = array<i32>} : memref<80x256xf32, #tpu.memory_space<vmem>>, vector<1x16xf32>,
          %get3A_459 = vector.shape_cast %get3A_458 : vector<1x16xf32> to vector<16xf32>
          %mul3A_460 = arith.mulf %get3A_455, %get3A_459 : vector<16xf32>
          %swap3A_461 = arith.index_cast %scan3A_327 : i32 to index
          %swap3A_462 = arith.constant 144 : index
          %swap3A_463 = tpu.vector_load %arg10[%swap3A_461, %swap3A_462] {strides = array<i32>} : memref<80x256xf32, #tpu.memory_space<vmem>>, vector<1x16xf32>,
          %swap3A_464 = vector.shape_cast %swap3A_463 : vector<1x16xf32> to vector<16xf32>
          %swap3A_465 = vector.shape_cast %mul3A_460 : vector<16xf32> to vector<1x16xf32>
          tpu.vector_store %arg10[%swap3A_461, %swap3A_462], %swap3A_465 {strides = array<i32>} : memref<80x256xf32, #tpu.memory_space<vmem>>, vector<1x16xf32>,
          %get3A_466 = arith.index_cast %scan3A_327 : i32 to index
          %get3A_467 = arith.constant 160 : index
          %get3A_468 = tpu.vector_load %arg10[%get3A_466, %get3A_467] {strides = array<i32>} : memref<80x256xf32, #tpu.memory_space<vmem>>, vector<1x16xf32>,
          %get3A_469 = vector.shape_cast %get3A_468 : vector<1x16xf32> to vector<16xf32>
          %get3A_470 = arith.index_cast %scan3A_327 : i32 to index
          %get3A_471 = arith.constant 160 : index
          %get3A_472 = tpu.vector_load %arg7[%get3A_470, %get3A_471] {strides = array<i32>} : memref<80x256xf32, #tpu.memory_space<vmem>>, vector<1x16xf32>,
          %get3A_473 = vector.shape_cast %get3A_472 : vector<1x16xf32> to vector<16xf32>
          %mul3A_474 = arith.mulf %get3A_469, %get3A_473 : vector<16xf32>
          %swap3A_475 = arith.index_cast %scan3A_327 : i32 to index
          %swap3A_476 = arith.constant 160 : index
          %swap3A_477 = tpu.vector_load %arg10[%swap3A_475, %swap3A_476] {strides = array<i32>} : memref<80x256xf32, #tpu.memory_space<vmem>>, vector<1x16xf32>,
          %swap3A_478 = vector.shape_cast %swap3A_477 : vector<1x16xf32> to vector<16xf32>
          %swap3A_479 = vector.shape_cast %mul3A_474 : vector<16xf32> to vector<1x16xf32>
          tpu.vector_store %arg10[%swap3A_475, %swap3A_476], %swap3A_479 {strides = array<i32>} : memref<80x256xf32, #tpu.memory_space<vmem>>, vector<1x16xf32>,
          %get3A_480 = arith.index_cast %scan3A_327 : i32 to index
          %get3A_481 = arith.constant 176 : index
          %get3A_482 = tpu.vector_load %arg10[%get3A_480, %get3A_481] {strides = array<i32>} : memref<80x256xf32, #tpu.memory_space<vmem>>, vector<1x16xf32>,
          %get3A_483 = vector.shape_cast %get3A_482 : vector<1x16xf32> to vector<16xf32>
          %get3A_484 = arith.index_cast %scan3A_327 : i32 to index
          %get3A_485 = arith.constant 176 : index
          %get3A_486 = tpu.vector_load %arg7[%get3A_484, %get3A_485] {strides = array<i32>} : memref<80x256xf32, #tpu.memory_space<vmem>>, vector<1x16xf32>,
          %get3A_487 = vector.shape_cast %get3A_486 : vector<1x16xf32> to vector<16xf32>
          %mul3A_488 = arith.mulf %get3A_483, %get3A_487 : vector<16xf32>
          %swap3A_489 = arith.index_cast %scan3A_327 : i32 to index
          %swap3A_490 = arith.constant 176 : index
          %swap3A_491 = tpu.vector_load %arg10[%swap3A_489, %swap3A_490] {strides = array<i32>} : memref<80x256xf32, #tpu.memory_space<vmem>>, vector<1x16xf32>,
          %swap3A_492 = vector.shape_cast %swap3A_491 : vector<1x16xf32> to vector<16xf32>
          %swap3A_493 = vector.shape_cast %mul3A_488 : vector<16xf32> to vector<1x16xf32>
          tpu.vector_store %arg10[%swap3A_489, %swap3A_490], %swap3A_493 {strides = array<i32>} : memref<80x256xf32, #tpu.memory_space<vmem>>, vector<1x16xf32>,
          %get3A_494 = arith.index_cast %scan3A_327 : i32 to index
          %get3A_495 = arith.constant 192 : index
          %get3A_496 = tpu.vector_load %arg10[%get3A_494, %get3A_495] {strides = array<i32>} : memref<80x256xf32, #tpu.memory_space<vmem>>, vector<1x16xf32>,
          %get3A_497 = vector.shape_cast %get3A_496 : vector<1x16xf32> to vector<16xf32>
          %get3A_498 = arith.index_cast %scan3A_327 : i32 to index
          %get3A_499 = arith.constant 192 : index
          %get3A_500 = tpu.vector_load %arg7[%get3A_498, %get3A_499] {strides = array<i32>} : memref<80x256xf32, #tpu.memory_space<vmem>>, vector<1x16xf32>,
          %get3A_501 = vector.shape_cast %get3A_500 : vector<1x16xf32> to vector<16xf32>
          %mul3A_502 = arith.mulf %get3A_497, %get3A_501 : vector<16xf32>
          %swap3A_503 = arith.index_cast %scan3A_327 : i32 to index
          %swap3A_504 = arith.constant 192 : index
          %swap3A_505 = tpu.vector_load %arg10[%swap3A_503, %swap3A_504] {strides = array<i32>} : memref<80x256xf32, #tpu.memory_space<vmem>>, vector<1x16xf32>,
          %swap3A_506 = vector.shape_cast %swap3A_505 : vector<1x16xf32> to vector<16xf32>
          %swap3A_507 = vector.shape_cast %mul3A_502 : vector<16xf32> to vector<1x16xf32>
          tpu.vector_store %arg10[%swap3A_503, %swap3A_504], %swap3A_507 {strides = array<i32>} : memref<80x256xf32, #tpu.memory_space<vmem>>, vector<1x16xf32>,
          %get3A_508 = arith.index_cast %scan3A_327 : i32 to index
          %get3A_509 = arith.constant 208 : index
          %get3A_510 = tpu.vector_load %arg10[%get3A_508, %get3A_509] {strides = array<i32>} : memref<80x256xf32, #tpu.memory_space<vmem>>, vector<1x16xf32>,
          %get3A_511 = vector.shape_cast %get3A_510 : vector<1x16xf32> to vector<16xf32>
          %get3A_512 = arith.index_cast %scan3A_327 : i32 to index
          %get3A_513 = arith.constant 208 : index
          %get3A_514 = tpu.vector_load %arg7[%get3A_512, %get3A_513] {strides = array<i32>} : memref<80x256xf32, #tpu.memory_space<vmem>>, vector<1x16xf32>,
          %get3A_515 = vector.shape_cast %get3A_514 : vector<1x16xf32> to vector<16xf32>
          %mul3A_516 = arith.mulf %get3A_511, %get3A_515 : vector<16xf32>
          %swap3A_517 = arith.index_cast %scan3A_327 : i32 to index
          %swap3A_518 = arith.constant 208 : index
          %swap3A_519 = tpu.vector_load %arg10[%swap3A_517, %swap3A_518] {strides = array<i32>} : memref<80x256xf32, #tpu.memory_space<vmem>>, vector<1x16xf32>,
          %swap3A_520 = vector.shape_cast %swap3A_519 : vector<1x16xf32> to vector<16xf32>
          %swap3A_521 = vector.shape_cast %mul3A_516 : vector<16xf32> to vector<1x16xf32>
          tpu.vector_store %arg10[%swap3A_517, %swap3A_518], %swap3A_521 {strides = array<i32>} : memref<80x256xf32, #tpu.memory_space<vmem>>, vector<1x16xf32>,
          %get3A_522 = arith.index_cast %scan3A_327 : i32 to index
          %get3A_523 = arith.constant 224 : index
          %get3A_524 = tpu.vector_load %arg10[%get3A_522, %get3A_523] {strides = array<i32>} : memref<80x256xf32, #tpu.memory_space<vmem>>, vector<1x16xf32>,
          %get3A_525 = vector.shape_cast %get3A_524 : vector<1x16xf32> to vector<16xf32>
          %get3A_526 = arith.index_cast %scan3A_327 : i32 to index
          %get3A_527 = arith.constant 224 : index
          %get3A_528 = tpu.vector_load %arg7[%get3A_526, %get3A_527] {strides = array<i32>} : memref<80x256xf32, #tpu.memory_space<vmem>>, vector<1x16xf32>,
          %get3A_529 = vector.shape_cast %get3A_528 : vector<1x16xf32> to vector<16xf32>
          %mul3A_530 = arith.mulf %get3A_525, %get3A_529 : vector<16xf32>
          %swap3A_531 = arith.index_cast %scan3A_327 : i32 to index
          %swap3A_532 = arith.constant 224 : index
          %swap3A_533 = tpu.vector_load %arg10[%swap3A_531, %swap3A_532] {strides = array<i32>} : memref<80x256xf32, #tpu.memory_space<vmem>>, vector<1x16xf32>,
          %swap3A_534 = vector.shape_cast %swap3A_533 : vector<1x16xf32> to vector<16xf32>
          %swap3A_535 = vector.shape_cast %mul3A_530 : vector<16xf32> to vector<1x16xf32>
          tpu.vector_store %arg10[%swap3A_531, %swap3A_532], %swap3A_535 {strides = array<i32>} : memref<80x256xf32, #tpu.memory_space<vmem>>, vector<1x16xf32>,
          %get3A_536 = arith.index_cast %scan3A_327 : i32 to index
          %get3A_537 = arith.constant 240 : index
          %get3A_538 = tpu.vector_load %arg10[%get3A_536, %get3A_537] {strides = array<i32>} : memref<80x256xf32, #tpu.memory_space<vmem>>, vector<1x16xf32>,
          %get3A_539 = vector.shape_cast %get3A_538 : vector<1x16xf32> to vector<16xf32>
          %get3A_540 = arith.index_cast %scan3A_327 : i32 to index
          %get3A_541 = arith.constant 240 : index
          %get3A_542 = tpu.vector_load %arg7[%get3A_540, %get3A_541] {strides = array<i32>} : memref<80x256xf32, #tpu.memory_space<vmem>>, vector<1x16xf32>,
          %get3A_543 = vector.shape_cast %get3A_542 : vector<1x16xf32> to vector<16xf32>
          %mul3A_544 = arith.mulf %get3A_539, %get3A_543 : vector<16xf32>
          %swap3A_545 = arith.index_cast %scan3A_327 : i32 to index
          %swap3A_546 = arith.constant 240 : index
          %swap3A_547 = tpu.vector_load %arg10[%swap3A_545, %swap3A_546] {strides = array<i32>} : memref<80x256xf32, #tpu.memory_space<vmem>>, vector<1x16xf32>,
          %swap3A_548 = vector.shape_cast %swap3A_547 : vector<1x16xf32> to vector<16xf32>
          %swap3A_549 = vector.shape_cast %mul3A_544 : vector<16xf32> to vector<1x16xf32>
          tpu.vector_store %arg10[%swap3A_545, %swap3A_546], %swap3A_549 {strides = array<i32>} : memref<80x256xf32, #tpu.memory_space<vmem>>, vector<1x16xf32>,
        }
        %scan3A_319 = arith.constant 80 : i32
        %add3A_320 = arith.addi %add3A_8, %add3A_264 : i32
        %mul3A_321 = arith.constant 80 : i32
        %mul3A_322 = arith.muli %add3A_320, %mul3A_321 : i32
        %dma_start3A_323 = arith.constant 0 : i32
        %dma_start3A_324 = tpu.memref_slice %arg5[%mul3A_322, %dma_start3A_323] : memref<100000x256xf32, #tpu.memory_space<hbm>> -> memref<80x256xf32, #tpu.memory_space<hbm>>
        %dma_start3A_325 = arith.constant 0 : i32
        %dma_start3A_326 = tpu.memref_slice %arg5[%mul3A_322, %dma_start3A_325] : memref<100000x256xf32, #tpu.memory_space<hbm>> -> memref<80x256xf32, #tpu.memory_space<hbm>>
        tpu.enqueue_dma source(%arg10 : memref<80x256xf32, #tpu.memory_space<vmem>>) target(%dma_start3A_326 : memref<80x256xf32, #tpu.memory_space<hbm>>) target_semaphore(%arg16 : memref<!tpu.dma_semaphore, #tpu.memory_space<semaphore_mem>>)
      } else {
      }
      %mul3A_275 = arith.constant 3 : i32
      %mul3A_276 = arith.muli %while3A_260, %mul3A_275 : i32
      %add3A_277 = arith.constant 1 : i32
      %add3A_278 = arith.addi %mul3A_276, %add3A_277 : i32
      %add3A_279 = arith.constant 1 : i32
      %add3A_280 = arith.addi %add3A_278, %add3A_279 : i32
      %lt3A_281 = arith.cmpi slt, %add3A_280, %add3A_4 : i32
      %convert_element_type3A_282 = arith.extui %lt3A_281 : i1 to i32
      %cond3A_283 = arith.constant 0 : i32
      %cond3A_284 = arith.cmpi ne, %convert_element_type3A_282, %cond3A_283 : i32
      scf.if %cond3A_284 {
        %ge3A = arith.constant 2 : i32
        %ge3A_303 = arith.cmpi sge, %add3A_278, %ge3A : i32
        %convert_element_type3A_304 = arith.extui %ge3A_303 : i1 to i32
        %cond3A_305 = arith.constant 0 : i32
        %cond3A_306 = arith.cmpi ne, %convert_element_type3A_304, %cond3A_305 : i32
        scf.if %cond3A_306 {
          %sub3A_322 = arith.constant 2 : i32
          %sub3A_323 = arith.subi %add3A_278, %sub3A_322 : i32
          %add3A_324 = arith.addi %add3A_8, %sub3A_323 : i32
          %mul3A_325 = arith.constant 80 : i32
          %mul3A_326 = arith.muli %add3A_324, %mul3A_325 : i32
          %dma_wait3A = arith.constant 0 : i32
          %dma_wait3A_327 = tpu.memref_slice %arg5[%mul3A_326, %dma_wait3A] : memref<100000x256xf32, #tpu.memory_space<hbm>> -> memref<80x256xf32, #tpu.memory_space<hbm>>
          %dma_wait3A_328 = arith.constant 0 : i32
          %dma_wait3A_329 = tpu.memref_slice %arg5[%mul3A_326, %dma_wait3A_328] : memref<100000x256xf32, #tpu.memory_space<hbm>> -> memref<80x256xf32, #tpu.memory_space<hbm>>
          tpu.wait_dma2 semaphore(%arg18 : memref<!tpu.dma_semaphore, #tpu.memory_space<semaphore_mem>>) src(%arg12 : memref<80x256xf32, #tpu.memory_space<vmem>>) dst(%dma_wait3A_329 : memref<80x256xf32, #tpu.memory_space<hbm>>)
        } else {
        }
        %add3A_307 = arith.constant 1 : i32
        %add3A_308 = arith.addi %add3A_278, %add3A_307 : i32
        %add3A_309 = arith.addi %add3A_8, %add3A_308 : i32
        %mul3A_310 = arith.constant 80 : i32
        %mul3A_311 = arith.muli %add3A_309, %mul3A_310 : i32
        %mul3A_312 = arith.constant 80 : i32
        %mul3A_313 = arith.muli %add3A_308, %mul3A_312 : i32
        %dma_start3A_314 = tpu.memref_slice %arg6[%mul3A_313] : memref<3200xi32, #tpu.memory_space<vmem>> -> memref<80xi32, #tpu.memory_space<vmem>>
        %dma_start3A_315 = arith.constant 0 : i32
        %dma_start3A_316 = arith.constant 0 : i32
        %dma_start3A_317 = tpu.memref_slice %arg4[%dma_start3A_315, %dma_start3A_316] : memref<119x256xf32, #tpu.memory_space<hbm>> -> memref<119x256xf32, #tpu.memory_space<hbm>>
        tpu.enqueue_indirect_dma source(%dma_start3A_317 : memref<119x256xf32, #tpu.memory_space<hbm>>) target(%arg9 : memref<80x256xf32, #tpu.memory_space<vmem>>) offsets(%dma_start3A_314 : memref<80xi32, #tpu.memory_space<vmem>>) semaphore(%arg15 : memref<!tpu.dma_semaphore, #tpu.memory_space<semaphore_mem>>)
        %dma_start3A_318 = arith.constant 0 : i32
        %dma_start3A_319 = tpu.memref_slice %arg2[%mul3A_311, %dma_start3A_318] : memref<100000x256xf32, #tpu.memory_space<hbm>> -> memref<80x256xf32, #tpu.memory_space<hbm>>
        %dma_start3A_320 = arith.constant 0 : i32
        %dma_start3A_321 = tpu.memref_slice %arg2[%mul3A_311, %dma_start3A_320] : memref<100000x256xf32, #tpu.memory_space<hbm>> -> memref<80x256xf32, #tpu.memory_space<hbm>>
        tpu.enqueue_dma source(%dma_start3A_321 : memref<80x256xf32, #tpu.memory_space<hbm>>) target(%arg12 : memref<80x256xf32, #tpu.memory_space<vmem>>) target_semaphore(%arg15 : memref<!tpu.dma_semaphore, #tpu.memory_space<semaphore_mem>>)
      } else {
      }
      %lt3A_285 = arith.cmpi slt, %add3A_278, %add3A_4 : i32
      %convert_element_type3A_286 = arith.extui %lt3A_285 : i1 to i32
      %cond3A_287 = arith.constant 0 : i32
      %cond3A_288 = arith.cmpi ne, %convert_element_type3A_286, %cond3A_287 : i32
      scf.if %cond3A_288 {
        %add3A_303 = arith.addi %add3A_8, %add3A_278 : i32
        %mul3A_304 = arith.constant 80 : i32
        %mul3A_305 = arith.muli %add3A_303, %mul3A_304 : i32
        %mul3A_306 = arith.constant 80 : i32
        %mul3A_307 = arith.muli %add3A_278, %mul3A_306 : i32
        %dma_wait3A = tpu.memref_slice %arg6[%mul3A_307] : memref<3200xi32, #tpu.memory_space<vmem>> -> memref<80xi32, #tpu.memory_space<vmem>>
        %dma_wait3A_308 = arith.constant 0 : i32
        %dma_wait3A_309 = arith.constant 0 : i32
        %dma_wait3A_310 = tpu.memref_slice %arg4[%dma_wait3A_308, %dma_wait3A_309] : memref<119x256xf32, #tpu.memory_space<hbm>> -> memref<119x256xf32, #tpu.memory_space<hbm>>
        tpu.wait_indirect_dma semaphore(%arg14 : memref<!tpu.dma_semaphore, #tpu.memory_space<semaphore_mem>>) src(%dma_wait3A_310 : memref<119x256xf32, #tpu.memory_space<hbm>>) dst(%arg8 : memref<80x256xf32, #tpu.memory_space<vmem>>)
        %dma_wait3A_311 = arith.constant 0 : i32
        %dma_wait3A_312 = tpu.memref_slice %arg2[%mul3A_305, %dma_wait3A_311] : memref<100000x256xf32, #tpu.memory_space<hbm>> -> memref<80x256xf32, #tpu.memory_space<hbm>>
        %dma_wait3A_313 = arith.constant 0 : i32
        %dma_wait3A_314 = tpu.memref_slice %arg2[%mul3A_305, %dma_wait3A_313] : memref<100000x256xf32, #tpu.memory_space<hbm>> -> memref<80x256xf32, #tpu.memory_space<hbm>>
        tpu.wait_dma2 semaphore(%arg14 : memref<!tpu.dma_semaphore, #tpu.memory_space<semaphore_mem>>) src(%dma_wait3A_314 : memref<80x256xf32, #tpu.memory_space<hbm>>) dst(%arg11 : memref<80x256xf32, #tpu.memory_space<vmem>>)
        %scan3A = arith.constant 0 : i32
        %scan3A_315 = arith.constant 0 : i32
        %scan3A_316 = arith.constant 80 : i32
        %scan3A_317 = arith.addi %scan3A_315, %scan3A_316 : i32
        %scan3A_318 = arith.constant 1 : i32
        scf.for %scan3A_327 = %scan3A_315 to %scan3A_317 step %scan3A_318  : i32 {
          %get3A = arith.index_cast %scan3A_327 : i32 to index
          %get3A_328 = arith.constant 0 : index
          %get3A_329 = tpu.vector_load %arg11[%get3A, %get3A_328] {strides = array<i32>} : memref<80x256xf32, #tpu.memory_space<vmem>>, vector<1x16xf32>,
          %get3A_330 = vector.shape_cast %get3A_329 : vector<1x16xf32> to vector<16xf32>
          %get3A_331 = arith.index_cast %scan3A_327 : i32 to index
          %get3A_332 = arith.constant 0 : index
          %get3A_333 = tpu.vector_load %arg8[%get3A_331, %get3A_332] {strides = array<i32>} : memref<80x256xf32, #tpu.memory_space<vmem>>, vector<1x16xf32>,
          %get3A_334 = vector.shape_cast %get3A_333 : vector<1x16xf32> to vector<16xf32>
          %mul3A_335 = arith.mulf %get3A_330, %get3A_334 : vector<16xf32>
          %swap3A = arith.index_cast %scan3A_327 : i32 to index
          %swap3A_336 = arith.constant 0 : index
          %swap3A_337 = tpu.vector_load %arg11[%swap3A, %swap3A_336] {strides = array<i32>} : memref<80x256xf32, #tpu.memory_space<vmem>>, vector<1x16xf32>,
          %swap3A_338 = vector.shape_cast %swap3A_337 : vector<1x16xf32> to vector<16xf32>
          %swap3A_339 = vector.shape_cast %mul3A_335 : vector<16xf32> to vector<1x16xf32>
          tpu.vector_store %arg11[%swap3A, %swap3A_336], %swap3A_339 {strides = array<i32>} : memref<80x256xf32, #tpu.memory_space<vmem>>, vector<1x16xf32>,
          %get3A_340 = arith.index_cast %scan3A_327 : i32 to index
          %get3A_341 = arith.constant 16 : index
          %get3A_342 = tpu.vector_load %arg11[%get3A_340, %get3A_341] {strides = array<i32>} : memref<80x256xf32, #tpu.memory_space<vmem>>, vector<1x16xf32>,
          %get3A_343 = vector.shape_cast %get3A_342 : vector<1x16xf32> to vector<16xf32>
          %get3A_344 = arith.index_cast %scan3A_327 : i32 to index
          %get3A_345 = arith.constant 16 : index
          %get3A_346 = tpu.vector_load %arg8[%get3A_344, %get3A_345] {strides = array<i32>} : memref<80x256xf32, #tpu.memory_space<vmem>>, vector<1x16xf32>,
          %get3A_347 = vector.shape_cast %get3A_346 : vector<1x16xf32> to vector<16xf32>
          %mul3A_348 = arith.mulf %get3A_343, %get3A_347 : vector<16xf32>
          %swap3A_349 = arith.index_cast %scan3A_327 : i32 to index
          %swap3A_350 = arith.constant 16 : index
          %swap3A_351 = tpu.vector_load %arg11[%swap3A_349, %swap3A_350] {strides = array<i32>} : memref<80x256xf32, #tpu.memory_space<vmem>>, vector<1x16xf32>,
          %swap3A_352 = vector.shape_cast %swap3A_351 : vector<1x16xf32> to vector<16xf32>
          %swap3A_353 = vector.shape_cast %mul3A_348 : vector<16xf32> to vector<1x16xf32>
          tpu.vector_store %arg11[%swap3A_349, %swap3A_350], %swap3A_353 {strides = array<i32>} : memref<80x256xf32, #tpu.memory_space<vmem>>, vector<1x16xf32>,
          %get3A_354 = arith.index_cast %scan3A_327 : i32 to index
          %get3A_355 = arith.constant 32 : index
          %get3A_356 = tpu.vector_load %arg11[%get3A_354, %get3A_355] {strides = array<i32>} : memref<80x256xf32, #tpu.memory_space<vmem>>, vector<1x16xf32>,
          %get3A_357 = vector.shape_cast %get3A_356 : vector<1x16xf32> to vector<16xf32>
          %get3A_358 = arith.index_cast %scan3A_327 : i32 to index
          %get3A_359 = arith.constant 32 : index
          %get3A_360 = tpu.vector_load %arg8[%get3A_358, %get3A_359] {strides = array<i32>} : memref<80x256xf32, #tpu.memory_space<vmem>>, vector<1x16xf32>,
          %get3A_361 = vector.shape_cast %get3A_360 : vector<1x16xf32> to vector<16xf32>
          %mul3A_362 = arith.mulf %get3A_357, %get3A_361 : vector<16xf32>
          %swap3A_363 = arith.index_cast %scan3A_327 : i32 to index
          %swap3A_364 = arith.constant 32 : index
          %swap3A_365 = tpu.vector_load %arg11[%swap3A_363, %swap3A_364] {strides = array<i32>} : memref<80x256xf32, #tpu.memory_space<vmem>>, vector<1x16xf32>,
          %swap3A_366 = vector.shape_cast %swap3A_365 : vector<1x16xf32> to vector<16xf32>
          %swap3A_367 = vector.shape_cast %mul3A_362 : vector<16xf32> to vector<1x16xf32>
          tpu.vector_store %arg11[%swap3A_363, %swap3A_364], %swap3A_367 {strides = array<i32>} : memref<80x256xf32, #tpu.memory_space<vmem>>, vector<1x16xf32>,
          %get3A_368 = arith.index_cast %scan3A_327 : i32 to index
          %get3A_369 = arith.constant 48 : index
          %get3A_370 = tpu.vector_load %arg11[%get3A_368, %get3A_369] {strides = array<i32>} : memref<80x256xf32, #tpu.memory_space<vmem>>, vector<1x16xf32>,
          %get3A_371 = vector.shape_cast %get3A_370 : vector<1x16xf32> to vector<16xf32>
          %get3A_372 = arith.index_cast %scan3A_327 : i32 to index
          %get3A_373 = arith.constant 48 : index
          %get3A_374 = tpu.vector_load %arg8[%get3A_372, %get3A_373] {strides = array<i32>} : memref<80x256xf32, #tpu.memory_space<vmem>>, vector<1x16xf32>,
          %get3A_375 = vector.shape_cast %get3A_374 : vector<1x16xf32> to vector<16xf32>
          %mul3A_376 = arith.mulf %get3A_371, %get3A_375 : vector<16xf32>
          %swap3A_377 = arith.index_cast %scan3A_327 : i32 to index
          %swap3A_378 = arith.constant 48 : index
          %swap3A_379 = tpu.vector_load %arg11[%swap3A_377, %swap3A_378] {strides = array<i32>} : memref<80x256xf32, #tpu.memory_space<vmem>>, vector<1x16xf32>,
          %swap3A_380 = vector.shape_cast %swap3A_379 : vector<1x16xf32> to vector<16xf32>
          %swap3A_381 = vector.shape_cast %mul3A_376 : vector<16xf32> to vector<1x16xf32>
          tpu.vector_store %arg11[%swap3A_377, %swap3A_378], %swap3A_381 {strides = array<i32>} : memref<80x256xf32, #tpu.memory_space<vmem>>, vector<1x16xf32>,
          %get3A_382 = arith.index_cast %scan3A_327 : i32 to index
          %get3A_383 = arith.constant 64 : index
          %get3A_384 = tpu.vector_load %arg11[%get3A_382, %get3A_383] {strides = array<i32>} : memref<80x256xf32, #tpu.memory_space<vmem>>, vector<1x16xf32>,
          %get3A_385 = vector.shape_cast %get3A_384 : vector<1x16xf32> to vector<16xf32>
          %get3A_386 = arith.index_cast %scan3A_327 : i32 to index
          %get3A_387 = arith.constant 64 : index
          %get3A_388 = tpu.vector_load %arg8[%get3A_386, %get3A_387] {strides = array<i32>} : memref<80x256xf32, #tpu.memory_space<vmem>>, vector<1x16xf32>,
          %get3A_389 = vector.shape_cast %get3A_388 : vector<1x16xf32> to vector<16xf32>
          %mul3A_390 = arith.mulf %get3A_385, %get3A_389 : vector<16xf32>
          %swap3A_391 = arith.index_cast %scan3A_327 : i32 to index
          %swap3A_392 = arith.constant 64 : index
          %swap3A_393 = tpu.vector_load %arg11[%swap3A_391, %swap3A_392] {strides = array<i32>} : memref<80x256xf32, #tpu.memory_space<vmem>>, vector<1x16xf32>,
          %swap3A_394 = vector.shape_cast %swap3A_393 : vector<1x16xf32> to vector<16xf32>
          %swap3A_395 = vector.shape_cast %mul3A_390 : vector<16xf32> to vector<1x16xf32>
          tpu.vector_store %arg11[%swap3A_391, %swap3A_392], %swap3A_395 {strides = array<i32>} : memref<80x256xf32, #tpu.memory_space<vmem>>, vector<1x16xf32>,
          %get3A_396 = arith.index_cast %scan3A_327 : i32 to index
          %get3A_397 = arith.constant 80 : index
          %get3A_398 = tpu.vector_load %arg11[%get3A_396, %get3A_397] {strides = array<i32>} : memref<80x256xf32, #tpu.memory_space<vmem>>, vector<1x16xf32>,
          %get3A_399 = vector.shape_cast %get3A_398 : vector<1x16xf32> to vector<16xf32>
          %get3A_400 = arith.index_cast %scan3A_327 : i32 to index
          %get3A_401 = arith.constant 80 : index
          %get3A_402 = tpu.vector_load %arg8[%get3A_400, %get3A_401] {strides = array<i32>} : memref<80x256xf32, #tpu.memory_space<vmem>>, vector<1x16xf32>,
          %get3A_403 = vector.shape_cast %get3A_402 : vector<1x16xf32> to vector<16xf32>
          %mul3A_404 = arith.mulf %get3A_399, %get3A_403 : vector<16xf32>
          %swap3A_405 = arith.index_cast %scan3A_327 : i32 to index
          %swap3A_406 = arith.constant 80 : index
          %swap3A_407 = tpu.vector_load %arg11[%swap3A_405, %swap3A_406] {strides = array<i32>} : memref<80x256xf32, #tpu.memory_space<vmem>>, vector<1x16xf32>,
          %swap3A_408 = vector.shape_cast %swap3A_407 : vector<1x16xf32> to vector<16xf32>
          %swap3A_409 = vector.shape_cast %mul3A_404 : vector<16xf32> to vector<1x16xf32>
          tpu.vector_store %arg11[%swap3A_405, %swap3A_406], %swap3A_409 {strides = array<i32>} : memref<80x256xf32, #tpu.memory_space<vmem>>, vector<1x16xf32>,
          %get3A_410 = arith.index_cast %scan3A_327 : i32 to index
          %get3A_411 = arith.constant 96 : index
          %get3A_412 = tpu.vector_load %arg11[%get3A_410, %get3A_411] {strides = array<i32>} : memref<80x256xf32, #tpu.memory_space<vmem>>, vector<1x16xf32>,
          %get3A_413 = vector.shape_cast %get3A_412 : vector<1x16xf32> to vector<16xf32>
          %get3A_414 = arith.index_cast %scan3A_327 : i32 to index
          %get3A_415 = arith.constant 96 : index
          %get3A_416 = tpu.vector_load %arg8[%get3A_414, %get3A_415] {strides = array<i32>} : memref<80x256xf32, #tpu.memory_space<vmem>>, vector<1x16xf32>,
          %get3A_417 = vector.shape_cast %get3A_416 : vector<1x16xf32> to vector<16xf32>
          %mul3A_418 = arith.mulf %get3A_413, %get3A_417 : vector<16xf32>
          %swap3A_419 = arith.index_cast %scan3A_327 : i32 to index
          %swap3A_420 = arith.constant 96 : index
          %swap3A_421 = tpu.vector_load %arg11[%swap3A_419, %swap3A_420] {strides = array<i32>} : memref<80x256xf32, #tpu.memory_space<vmem>>, vector<1x16xf32>,
          %swap3A_422 = vector.shape_cast %swap3A_421 : vector<1x16xf32> to vector<16xf32>
          %swap3A_423 = vector.shape_cast %mul3A_418 : vector<16xf32> to vector<1x16xf32>
          tpu.vector_store %arg11[%swap3A_419, %swap3A_420], %swap3A_423 {strides = array<i32>} : memref<80x256xf32, #tpu.memory_space<vmem>>, vector<1x16xf32>,
          %get3A_424 = arith.index_cast %scan3A_327 : i32 to index
          %get3A_425 = arith.constant 112 : index
          %get3A_426 = tpu.vector_load %arg11[%get3A_424, %get3A_425] {strides = array<i32>} : memref<80x256xf32, #tpu.memory_space<vmem>>, vector<1x16xf32>,
          %get3A_427 = vector.shape_cast %get3A_426 : vector<1x16xf32> to vector<16xf32>
          %get3A_428 = arith.index_cast %scan3A_327 : i32 to index
          %get3A_429 = arith.constant 112 : index
          %get3A_430 = tpu.vector_load %arg8[%get3A_428, %get3A_429] {strides = array<i32>} : memref<80x256xf32, #tpu.memory_space<vmem>>, vector<1x16xf32>,
          %get3A_431 = vector.shape_cast %get3A_430 : vector<1x16xf32> to vector<16xf32>
          %mul3A_432 = arith.mulf %get3A_427, %get3A_431 : vector<16xf32>
          %swap3A_433 = arith.index_cast %scan3A_327 : i32 to index
          %swap3A_434 = arith.constant 112 : index
          %swap3A_435 = tpu.vector_load %arg11[%swap3A_433, %swap3A_434] {strides = array<i32>} : memref<80x256xf32, #tpu.memory_space<vmem>>, vector<1x16xf32>,
          %swap3A_436 = vector.shape_cast %swap3A_435 : vector<1x16xf32> to vector<16xf32>
          %swap3A_437 = vector.shape_cast %mul3A_432 : vector<16xf32> to vector<1x16xf32>
          tpu.vector_store %arg11[%swap3A_433, %swap3A_434], %swap3A_437 {strides = array<i32>} : memref<80x256xf32, #tpu.memory_space<vmem>>, vector<1x16xf32>,
          %get3A_438 = arith.index_cast %scan3A_327 : i32 to index
          %get3A_439 = arith.constant 128 : index
          %get3A_440 = tpu.vector_load %arg11[%get3A_438, %get3A_439] {strides = array<i32>} : memref<80x256xf32, #tpu.memory_space<vmem>>, vector<1x16xf32>,
          %get3A_441 = vector.shape_cast %get3A_440 : vector<1x16xf32> to vector<16xf32>
          %get3A_442 = arith.index_cast %scan3A_327 : i32 to index
          %get3A_443 = arith.constant 128 : index
          %get3A_444 = tpu.vector_load %arg8[%get3A_442, %get3A_443] {strides = array<i32>} : memref<80x256xf32, #tpu.memory_space<vmem>>, vector<1x16xf32>,
          %get3A_445 = vector.shape_cast %get3A_444 : vector<1x16xf32> to vector<16xf32>
          %mul3A_446 = arith.mulf %get3A_441, %get3A_445 : vector<16xf32>
          %swap3A_447 = arith.index_cast %scan3A_327 : i32 to index
          %swap3A_448 = arith.constant 128 : index
          %swap3A_449 = tpu.vector_load %arg11[%swap3A_447, %swap3A_448] {strides = array<i32>} : memref<80x256xf32, #tpu.memory_space<vmem>>, vector<1x16xf32>,
          %swap3A_450 = vector.shape_cast %swap3A_449 : vector<1x16xf32> to vector<16xf32>
          %swap3A_451 = vector.shape_cast %mul3A_446 : vector<16xf32> to vector<1x16xf32>
          tpu.vector_store %arg11[%swap3A_447, %swap3A_448], %swap3A_451 {strides = array<i32>} : memref<80x256xf32, #tpu.memory_space<vmem>>, vector<1x16xf32>,
          %get3A_452 = arith.index_cast %scan3A_327 : i32 to index
          %get3A_453 = arith.constant 144 : index
          %get3A_454 = tpu.vector_load %arg11[%get3A_452, %get3A_453] {strides = array<i32>} : memref<80x256xf32, #tpu.memory_space<vmem>>, vector<1x16xf32>,
          %get3A_455 = vector.shape_cast %get3A_454 : vector<1x16xf32> to vector<16xf32>
          %get3A_456 = arith.index_cast %scan3A_327 : i32 to index
          %get3A_457 = arith.constant 144 : index
          %get3A_458 = tpu.vector_load %arg8[%get3A_456, %get3A_457] {strides = array<i32>} : memref<80x256xf32, #tpu.memory_space<vmem>>, vector<1x16xf32>,
          %get3A_459 = vector.shape_cast %get3A_458 : vector<1x16xf32> to vector<16xf32>
          %mul3A_460 = arith.mulf %get3A_455, %get3A_459 : vector<16xf32>
          %swap3A_461 = arith.index_cast %scan3A_327 : i32 to index
          %swap3A_462 = arith.constant 144 : index
          %swap3A_463 = tpu.vector_load %arg11[%swap3A_461, %swap3A_462] {strides = array<i32>} : memref<80x256xf32, #tpu.memory_space<vmem>>, vector<1x16xf32>,
          %swap3A_464 = vector.shape_cast %swap3A_463 : vector<1x16xf32> to vector<16xf32>
          %swap3A_465 = vector.shape_cast %mul3A_460 : vector<16xf32> to vector<1x16xf32>
          tpu.vector_store %arg11[%swap3A_461, %swap3A_462], %swap3A_465 {strides = array<i32>} : memref<80x256xf32, #tpu.memory_space<vmem>>, vector<1x16xf32>,
          %get3A_466 = arith.index_cast %scan3A_327 : i32 to index
          %get3A_467 = arith.constant 160 : index
          %get3A_468 = tpu.vector_load %arg11[%get3A_466, %get3A_467] {strides = array<i32>} : memref<80x256xf32, #tpu.memory_space<vmem>>, vector<1x16xf32>,
          %get3A_469 = vector.shape_cast %get3A_468 : vector<1x16xf32> to vector<16xf32>
          %get3A_470 = arith.index_cast %scan3A_327 : i32 to index
          %get3A_471 = arith.constant 160 : index
          %get3A_472 = tpu.vector_load %arg8[%get3A_470, %get3A_471] {strides = array<i32>} : memref<80x256xf32, #tpu.memory_space<vmem>>, vector<1x16xf32>,
          %get3A_473 = vector.shape_cast %get3A_472 : vector<1x16xf32> to vector<16xf32>
          %mul3A_474 = arith.mulf %get3A_469, %get3A_473 : vector<16xf32>
          %swap3A_475 = arith.index_cast %scan3A_327 : i32 to index
          %swap3A_476 = arith.constant 160 : index
          %swap3A_477 = tpu.vector_load %arg11[%swap3A_475, %swap3A_476] {strides = array<i32>} : memref<80x256xf32, #tpu.memory_space<vmem>>, vector<1x16xf32>,
          %swap3A_478 = vector.shape_cast %swap3A_477 : vector<1x16xf32> to vector<16xf32>
          %swap3A_479 = vector.shape_cast %mul3A_474 : vector<16xf32> to vector<1x16xf32>
          tpu.vector_store %arg11[%swap3A_475, %swap3A_476], %swap3A_479 {strides = array<i32>} : memref<80x256xf32, #tpu.memory_space<vmem>>, vector<1x16xf32>,
          %get3A_480 = arith.index_cast %scan3A_327 : i32 to index
          %get3A_481 = arith.constant 176 : index
          %get3A_482 = tpu.vector_load %arg11[%get3A_480, %get3A_481] {strides = array<i32>} : memref<80x256xf32, #tpu.memory_space<vmem>>, vector<1x16xf32>,
          %get3A_483 = vector.shape_cast %get3A_482 : vector<1x16xf32> to vector<16xf32>
          %get3A_484 = arith.index_cast %scan3A_327 : i32 to index
          %get3A_485 = arith.constant 176 : index
          %get3A_486 = tpu.vector_load %arg8[%get3A_484, %get3A_485] {strides = array<i32>} : memref<80x256xf32, #tpu.memory_space<vmem>>, vector<1x16xf32>,
          %get3A_487 = vector.shape_cast %get3A_486 : vector<1x16xf32> to vector<16xf32>
          %mul3A_488 = arith.mulf %get3A_483, %get3A_487 : vector<16xf32>
          %swap3A_489 = arith.index_cast %scan3A_327 : i32 to index
          %swap3A_490 = arith.constant 176 : index
          %swap3A_491 = tpu.vector_load %arg11[%swap3A_489, %swap3A_490] {strides = array<i32>} : memref<80x256xf32, #tpu.memory_space<vmem>>, vector<1x16xf32>,
          %swap3A_492 = vector.shape_cast %swap3A_491 : vector<1x16xf32> to vector<16xf32>
          %swap3A_493 = vector.shape_cast %mul3A_488 : vector<16xf32> to vector<1x16xf32>
          tpu.vector_store %arg11[%swap3A_489, %swap3A_490], %swap3A_493 {strides = array<i32>} : memref<80x256xf32, #tpu.memory_space<vmem>>, vector<1x16xf32>,
          %get3A_494 = arith.index_cast %scan3A_327 : i32 to index
          %get3A_495 = arith.constant 192 : index
          %get3A_496 = tpu.vector_load %arg11[%get3A_494, %get3A_495] {strides = array<i32>} : memref<80x256xf32, #tpu.memory_space<vmem>>, vector<1x16xf32>,
          %get3A_497 = vector.shape_cast %get3A_496 : vector<1x16xf32> to vector<16xf32>
          %get3A_498 = arith.index_cast %scan3A_327 : i32 to index
          %get3A_499 = arith.constant 192 : index
          %get3A_500 = tpu.vector_load %arg8[%get3A_498, %get3A_499] {strides = array<i32>} : memref<80x256xf32, #tpu.memory_space<vmem>>, vector<1x16xf32>,
          %get3A_501 = vector.shape_cast %get3A_500 : vector<1x16xf32> to vector<16xf32>
          %mul3A_502 = arith.mulf %get3A_497, %get3A_501 : vector<16xf32>
          %swap3A_503 = arith.index_cast %scan3A_327 : i32 to index
          %swap3A_504 = arith.constant 192 : index
          %swap3A_505 = tpu.vector_load %arg11[%swap3A_503, %swap3A_504] {strides = array<i32>} : memref<80x256xf32, #tpu.memory_space<vmem>>, vector<1x16xf32>,
          %swap3A_506 = vector.shape_cast %swap3A_505 : vector<1x16xf32> to vector<16xf32>
          %swap3A_507 = vector.shape_cast %mul3A_502 : vector<16xf32> to vector<1x16xf32>
          tpu.vector_store %arg11[%swap3A_503, %swap3A_504], %swap3A_507 {strides = array<i32>} : memref<80x256xf32, #tpu.memory_space<vmem>>, vector<1x16xf32>,
          %get3A_508 = arith.index_cast %scan3A_327 : i32 to index
          %get3A_509 = arith.constant 208 : index
          %get3A_510 = tpu.vector_load %arg11[%get3A_508, %get3A_509] {strides = array<i32>} : memref<80x256xf32, #tpu.memory_space<vmem>>, vector<1x16xf32>,
          %get3A_511 = vector.shape_cast %get3A_510 : vector<1x16xf32> to vector<16xf32>
          %get3A_512 = arith.index_cast %scan3A_327 : i32 to index
          %get3A_513 = arith.constant 208 : index
          %get3A_514 = tpu.vector_load %arg8[%get3A_512, %get3A_513] {strides = array<i32>} : memref<80x256xf32, #tpu.memory_space<vmem>>, vector<1x16xf32>,
          %get3A_515 = vector.shape_cast %get3A_514 : vector<1x16xf32> to vector<16xf32>
          %mul3A_516 = arith.mulf %get3A_511, %get3A_515 : vector<16xf32>
          %swap3A_517 = arith.index_cast %scan3A_327 : i32 to index
          %swap3A_518 = arith.constant 208 : index
          %swap3A_519 = tpu.vector_load %arg11[%swap3A_517, %swap3A_518] {strides = array<i32>} : memref<80x256xf32, #tpu.memory_space<vmem>>, vector<1x16xf32>,
          %swap3A_520 = vector.shape_cast %swap3A_519 : vector<1x16xf32> to vector<16xf32>
          %swap3A_521 = vector.shape_cast %mul3A_516 : vector<16xf32> to vector<1x16xf32>
          tpu.vector_store %arg11[%swap3A_517, %swap3A_518], %swap3A_521 {strides = array<i32>} : memref<80x256xf32, #tpu.memory_space<vmem>>, vector<1x16xf32>,
          %get3A_522 = arith.index_cast %scan3A_327 : i32 to index
          %get3A_523 = arith.constant 224 : index
          %get3A_524 = tpu.vector_load %arg11[%get3A_522, %get3A_523] {strides = array<i32>} : memref<80x256xf32, #tpu.memory_space<vmem>>, vector<1x16xf32>,
          %get3A_525 = vector.shape_cast %get3A_524 : vector<1x16xf32> to vector<16xf32>
          %get3A_526 = arith.index_cast %scan3A_327 : i32 to index
          %get3A_527 = arith.constant 224 : index
          %get3A_528 = tpu.vector_load %arg8[%get3A_526, %get3A_527] {strides = array<i32>} : memref<80x256xf32, #tpu.memory_space<vmem>>, vector<1x16xf32>,
          %get3A_529 = vector.shape_cast %get3A_528 : vector<1x16xf32> to vector<16xf32>
          %mul3A_530 = arith.mulf %get3A_525, %get3A_529 : vector<16xf32>
          %swap3A_531 = arith.index_cast %scan3A_327 : i32 to index
          %swap3A_532 = arith.constant 224 : index
          %swap3A_533 = tpu.vector_load %arg11[%swap3A_531, %swap3A_532] {strides = array<i32>} : memref<80x256xf32, #tpu.memory_space<vmem>>, vector<1x16xf32>,
          %swap3A_534 = vector.shape_cast %swap3A_533 : vector<1x16xf32> to vector<16xf32>
          %swap3A_535 = vector.shape_cast %mul3A_530 : vector<16xf32> to vector<1x16xf32>
          tpu.vector_store %arg11[%swap3A_531, %swap3A_532], %swap3A_535 {strides = array<i32>} : memref<80x256xf32, #tpu.memory_space<vmem>>, vector<1x16xf32>,
          %get3A_536 = arith.index_cast %scan3A_327 : i32 to index
          %get3A_537 = arith.constant 240 : index
          %get3A_538 = tpu.vector_load %arg11[%get3A_536, %get3A_537] {strides = array<i32>} : memref<80x256xf32, #tpu.memory_space<vmem>>, vector<1x16xf32>,
          %get3A_539 = vector.shape_cast %get3A_538 : vector<1x16xf32> to vector<16xf32>
          %get3A_540 = arith.index_cast %scan3A_327 : i32 to index
          %get3A_541 = arith.constant 240 : index
          %get3A_542 = tpu.vector_load %arg8[%get3A_540, %get3A_541] {strides = array<i32>} : memref<80x256xf32, #tpu.memory_space<vmem>>, vector<1x16xf32>,
          %get3A_543 = vector.shape_cast %get3A_542 : vector<1x16xf32> to vector<16xf32>
          %mul3A_544 = arith.mulf %get3A_539, %get3A_543 : vector<16xf32>
          %swap3A_545 = arith.index_cast %scan3A_327 : i32 to index
          %swap3A_546 = arith.constant 240 : index
          %swap3A_547 = tpu.vector_load %arg11[%swap3A_545, %swap3A_546] {strides = array<i32>} : memref<80x256xf32, #tpu.memory_space<vmem>>, vector<1x16xf32>,
          %swap3A_548 = vector.shape_cast %swap3A_547 : vector<1x16xf32> to vector<16xf32>
          %swap3A_549 = vector.shape_cast %mul3A_544 : vector<16xf32> to vector<1x16xf32>
          tpu.vector_store %arg11[%swap3A_545, %swap3A_546], %swap3A_549 {strides = array<i32>} : memref<80x256xf32, #tpu.memory_space<vmem>>, vector<1x16xf32>,
        }
        %scan3A_319 = arith.constant 80 : i32
        %add3A_320 = arith.addi %add3A_8, %add3A_278 : i32
        %mul3A_321 = arith.constant 80 : i32
        %mul3A_322 = arith.muli %add3A_320, %mul3A_321 : i32
        %dma_start3A_323 = arith.constant 0 : i32
        %dma_start3A_324 = tpu.memref_slice %arg5[%mul3A_322, %dma_start3A_323] : memref<100000x256xf32, #tpu.memory_space<hbm>> -> memref<80x256xf32, #tpu.memory_space<hbm>>
        %dma_start3A_325 = arith.constant 0 : i32
        %dma_start3A_326 = tpu.memref_slice %arg5[%mul3A_322, %dma_start3A_325] : memref<100000x256xf32, #tpu.memory_space<hbm>> -> memref<80x256xf32, #tpu.memory_space<hbm>>
        tpu.enqueue_dma source(%arg11 : memref<80x256xf32, #tpu.memory_space<vmem>>) target(%dma_start3A_326 : memref<80x256xf32, #tpu.memory_space<hbm>>) target_semaphore(%arg17 : memref<!tpu.dma_semaphore, #tpu.memory_space<semaphore_mem>>)
      } else {
      }
      %mul3A_289 = arith.constant 3 : i32
      %mul3A_290 = arith.muli %while3A_260, %mul3A_289 : i32
      %add3A_291 = arith.constant 2 : i32
      %add3A_292 = arith.addi %mul3A_290, %add3A_291 : i32
      %add3A_293 = arith.constant 1 : i32
      %add3A_294 = arith.addi %add3A_292, %add3A_293 : i32
      %lt3A_295 = arith.cmpi slt, %add3A_294, %add3A_4 : i32
      %convert_element_type3A_296 = arith.extui %lt3A_295 : i1 to i32
      %cond3A_297 = arith.constant 0 : i32
      %cond3A_298 = arith.cmpi ne, %convert_element_type3A_296, %cond3A_297 : i32
      scf.if %cond3A_298 {
        %ge3A = arith.constant 2 : i32
        %ge3A_303 = arith.cmpi sge, %add3A_292, %ge3A : i32
        %convert_element_type3A_304 = arith.extui %ge3A_303 : i1 to i32
        %cond3A_305 = arith.constant 0 : i32
        %cond3A_306 = arith.cmpi ne, %convert_element_type3A_304, %cond3A_305 : i32
        scf.if %cond3A_306 {
          %sub3A_322 = arith.constant 2 : i32
          %sub3A_323 = arith.subi %add3A_292, %sub3A_322 : i32
          %add3A_324 = arith.addi %add3A_8, %sub3A_323 : i32
          %mul3A_325 = arith.constant 80 : i32
          %mul3A_326 = arith.muli %add3A_324, %mul3A_325 : i32
          %dma_wait3A = arith.constant 0 : i32
          %dma_wait3A_327 = tpu.memref_slice %arg5[%mul3A_326, %dma_wait3A] : memref<100000x256xf32, #tpu.memory_space<hbm>> -> memref<80x256xf32, #tpu.memory_space<hbm>>
          %dma_wait3A_328 = arith.constant 0 : i32
          %dma_wait3A_329 = tpu.memref_slice %arg5[%mul3A_326, %dma_wait3A_328] : memref<100000x256xf32, #tpu.memory_space<hbm>> -> memref<80x256xf32, #tpu.memory_space<hbm>>
          tpu.wait_dma2 semaphore(%arg16 : memref<!tpu.dma_semaphore, #tpu.memory_space<semaphore_mem>>) src(%arg10 : memref<80x256xf32, #tpu.memory_space<vmem>>) dst(%dma_wait3A_329 : memref<80x256xf32, #tpu.memory_space<hbm>>)
        } else {
        }
        %add3A_307 = arith.constant 1 : i32
        %add3A_308 = arith.addi %add3A_292, %add3A_307 : i32
        %add3A_309 = arith.addi %add3A_8, %add3A_308 : i32
        %mul3A_310 = arith.constant 80 : i32
        %mul3A_311 = arith.muli %add3A_309, %mul3A_310 : i32
        %mul3A_312 = arith.constant 80 : i32
        %mul3A_313 = arith.muli %add3A_308, %mul3A_312 : i32
        %dma_start3A_314 = tpu.memref_slice %arg6[%mul3A_313] : memref<3200xi32, #tpu.memory_space<vmem>> -> memref<80xi32, #tpu.memory_space<vmem>>
        %dma_start3A_315 = arith.constant 0 : i32
        %dma_start3A_316 = arith.constant 0 : i32
        %dma_start3A_317 = tpu.memref_slice %arg4[%dma_start3A_315, %dma_start3A_316] : memref<119x256xf32, #tpu.memory_space<hbm>> -> memref<119x256xf32, #tpu.memory_space<hbm>>
        tpu.enqueue_indirect_dma source(%dma_start3A_317 : memref<119x256xf32, #tpu.memory_space<hbm>>) target(%arg7 : memref<80x256xf32, #tpu.memory_space<vmem>>) offsets(%dma_start3A_314 : memref<80xi32, #tpu.memory_space<vmem>>) semaphore(%arg13 : memref<!tpu.dma_semaphore, #tpu.memory_space<semaphore_mem>>)
        %dma_start3A_318 = arith.constant 0 : i32
        %dma_start3A_319 = tpu.memref_slice %arg2[%mul3A_311, %dma_start3A_318] : memref<100000x256xf32, #tpu.memory_space<hbm>> -> memref<80x256xf32, #tpu.memory_space<hbm>>
        %dma_start3A_320 = arith.constant 0 : i32
        %dma_start3A_321 = tpu.memref_slice %arg2[%mul3A_311, %dma_start3A_320] : memref<100000x256xf32, #tpu.memory_space<hbm>> -> memref<80x256xf32, #tpu.memory_space<hbm>>
        tpu.enqueue_dma source(%dma_start3A_321 : memref<80x256xf32, #tpu.memory_space<hbm>>) target(%arg10 : memref<80x256xf32, #tpu.memory_space<vmem>>) target_semaphore(%arg13 : memref<!tpu.dma_semaphore, #tpu.memory_space<semaphore_mem>>)
      } else {
      }
      %lt3A_299 = arith.cmpi slt, %add3A_292, %add3A_4 : i32
      %convert_element_type3A_300 = arith.extui %lt3A_299 : i1 to i32
      %cond3A_301 = arith.constant 0 : i32
      %cond3A_302 = arith.cmpi ne, %convert_element_type3A_300, %cond3A_301 : i32
      scf.if %cond3A_302 {
        %add3A_303 = arith.addi %add3A_8, %add3A_292 : i32
        %mul3A_304 = arith.constant 80 : i32
        %mul3A_305 = arith.muli %add3A_303, %mul3A_304 : i32
        %mul3A_306 = arith.constant 80 : i32
        %mul3A_307 = arith.muli %add3A_292, %mul3A_306 : i32
        %dma_wait3A = tpu.memref_slice %arg6[%mul3A_307] : memref<3200xi32, #tpu.memory_space<vmem>> -> memref<80xi32, #tpu.memory_space<vmem>>
        %dma_wait3A_308 = arith.constant 0 : i32
        %dma_wait3A_309 = arith.constant 0 : i32
        %dma_wait3A_310 = tpu.memref_slice %arg4[%dma_wait3A_308, %dma_wait3A_309] : memref<119x256xf32, #tpu.memory_space<hbm>> -> memref<119x256xf32, #tpu.memory_space<hbm>>
        tpu.wait_indirect_dma semaphore(%arg15 : memref<!tpu.dma_semaphore, #tpu.memory_space<semaphore_mem>>) src(%dma_wait3A_310 : memref<119x256xf32, #tpu.memory_space<hbm>>) dst(%arg9 : memref<80x256xf32, #tpu.memory_space<vmem>>)
        %dma_wait3A_311 = arith.constant 0 : i32
        %dma_wait3A_312 = tpu.memref_slice %arg2[%mul3A_305, %dma_wait3A_311] : memref<100000x256xf32, #tpu.memory_space<hbm>> -> memref<80x256xf32, #tpu.memory_space<hbm>>
        %dma_wait3A_313 = arith.constant 0 : i32
        %dma_wait3A_314 = tpu.memref_slice %arg2[%mul3A_305, %dma_wait3A_313] : memref<100000x256xf32, #tpu.memory_space<hbm>> -> memref<80x256xf32, #tpu.memory_space<hbm>>
        tpu.wait_dma2 semaphore(%arg15 : memref<!tpu.dma_semaphore, #tpu.memory_space<semaphore_mem>>) src(%dma_wait3A_314 : memref<80x256xf32, #tpu.memory_space<hbm>>) dst(%arg12 : memref<80x256xf32, #tpu.memory_space<vmem>>)
        %scan3A = arith.constant 0 : i32
        %scan3A_315 = arith.constant 0 : i32
        %scan3A_316 = arith.constant 80 : i32
        %scan3A_317 = arith.addi %scan3A_315, %scan3A_316 : i32
        %scan3A_318 = arith.constant 1 : i32
        scf.for %scan3A_327 = %scan3A_315 to %scan3A_317 step %scan3A_318  : i32 {
          %get3A = arith.index_cast %scan3A_327 : i32 to index
          %get3A_328 = arith.constant 0 : index
          %get3A_329 = tpu.vector_load %arg12[%get3A, %get3A_328] {strides = array<i32>} : memref<80x256xf32, #tpu.memory_space<vmem>>, vector<1x16xf32>,
          %get3A_330 = vector.shape_cast %get3A_329 : vector<1x16xf32> to vector<16xf32>
          %get3A_331 = arith.index_cast %scan3A_327 : i32 to index
          %get3A_332 = arith.constant 0 : index
          %get3A_333 = tpu.vector_load %arg9[%get3A_331, %get3A_332] {strides = array<i32>} : memref<80x256xf32, #tpu.memory_space<vmem>>, vector<1x16xf32>,
          %get3A_334 = vector.shape_cast %get3A_333 : vector<1x16xf32> to vector<16xf32>
          %mul3A_335 = arith.mulf %get3A_330, %get3A_334 : vector<16xf32>
          %swap3A = arith.index_cast %scan3A_327 : i32 to index
          %swap3A_336 = arith.constant 0 : index
          %swap3A_337 = tpu.vector_load %arg12[%swap3A, %swap3A_336] {strides = array<i32>} : memref<80x256xf32, #tpu.memory_space<vmem>>, vector<1x16xf32>,
          %swap3A_338 = vector.shape_cast %swap3A_337 : vector<1x16xf32> to vector<16xf32>
          %swap3A_339 = vector.shape_cast %mul3A_335 : vector<16xf32> to vector<1x16xf32>
          tpu.vector_store %arg12[%swap3A, %swap3A_336], %swap3A_339 {strides = array<i32>} : memref<80x256xf32, #tpu.memory_space<vmem>>, vector<1x16xf32>,
          %get3A_340 = arith.index_cast %scan3A_327 : i32 to index
          %get3A_341 = arith.constant 16 : index
          %get3A_342 = tpu.vector_load %arg12[%get3A_340, %get3A_341] {strides = array<i32>} : memref<80x256xf32, #tpu.memory_space<vmem>>, vector<1x16xf32>,
          %get3A_343 = vector.shape_cast %get3A_342 : vector<1x16xf32> to vector<16xf32>
          %get3A_344 = arith.index_cast %scan3A_327 : i32 to index
          %get3A_345 = arith.constant 16 : index
          %get3A_346 = tpu.vector_load %arg9[%get3A_344, %get3A_345] {strides = array<i32>} : memref<80x256xf32, #tpu.memory_space<vmem>>, vector<1x16xf32>,
          %get3A_347 = vector.shape_cast %get3A_346 : vector<1x16xf32> to vector<16xf32>
          %mul3A_348 = arith.mulf %get3A_343, %get3A_347 : vector<16xf32>
          %swap3A_349 = arith.index_cast %scan3A_327 : i32 to index
          %swap3A_350 = arith.constant 16 : index
          %swap3A_351 = tpu.vector_load %arg12[%swap3A_349, %swap3A_350] {strides = array<i32>} : memref<80x256xf32, #tpu.memory_space<vmem>>, vector<1x16xf32>,
          %swap3A_352 = vector.shape_cast %swap3A_351 : vector<1x16xf32> to vector<16xf32>
          %swap3A_353 = vector.shape_cast %mul3A_348 : vector<16xf32> to vector<1x16xf32>
          tpu.vector_store %arg12[%swap3A_349, %swap3A_350], %swap3A_353 {strides = array<i32>} : memref<80x256xf32, #tpu.memory_space<vmem>>, vector<1x16xf32>,
          %get3A_354 = arith.index_cast %scan3A_327 : i32 to index
          %get3A_355 = arith.constant 32 : index
          %get3A_356 = tpu.vector_load %arg12[%get3A_354, %get3A_355] {strides = array<i32>} : memref<80x256xf32, #tpu.memory_space<vmem>>, vector<1x16xf32>,
          %get3A_357 = vector.shape_cast %get3A_356 : vector<1x16xf32> to vector<16xf32>
          %get3A_358 = arith.index_cast %scan3A_327 : i32 to index
          %get3A_359 = arith.constant 32 : index
          %get3A_360 = tpu.vector_load %arg9[%get3A_358, %get3A_359] {strides = array<i32>} : memref<80x256xf32, #tpu.memory_space<vmem>>, vector<1x16xf32>,
          %get3A_361 = vector.shape_cast %get3A_360 : vector<1x16xf32> to vector<16xf32>
          %mul3A_362 = arith.mulf %get3A_357, %get3A_361 : vector<16xf32>
          %swap3A_363 = arith.index_cast %scan3A_327 : i32 to index
          %swap3A_364 = arith.constant 32 : index
          %swap3A_365 = tpu.vector_load %arg12[%swap3A_363, %swap3A_364] {strides = array<i32>} : memref<80x256xf32, #tpu.memory_space<vmem>>, vector<1x16xf32>,
          %swap3A_366 = vector.shape_cast %swap3A_365 : vector<1x16xf32> to vector<16xf32>
          %swap3A_367 = vector.shape_cast %mul3A_362 : vector<16xf32> to vector<1x16xf32>
          tpu.vector_store %arg12[%swap3A_363, %swap3A_364], %swap3A_367 {strides = array<i32>} : memref<80x256xf32, #tpu.memory_space<vmem>>, vector<1x16xf32>,
          %get3A_368 = arith.index_cast %scan3A_327 : i32 to index
          %get3A_369 = arith.constant 48 : index
          %get3A_370 = tpu.vector_load %arg12[%get3A_368, %get3A_369] {strides = array<i32>} : memref<80x256xf32, #tpu.memory_space<vmem>>, vector<1x16xf32>,
          %get3A_371 = vector.shape_cast %get3A_370 : vector<1x16xf32> to vector<16xf32>
          %get3A_372 = arith.index_cast %scan3A_327 : i32 to index
          %get3A_373 = arith.constant 48 : index
          %get3A_374 = tpu.vector_load %arg9[%get3A_372, %get3A_373] {strides = array<i32>} : memref<80x256xf32, #tpu.memory_space<vmem>>, vector<1x16xf32>,
          %get3A_375 = vector.shape_cast %get3A_374 : vector<1x16xf32> to vector<16xf32>
          %mul3A_376 = arith.mulf %get3A_371, %get3A_375 : vector<16xf32>
          %swap3A_377 = arith.index_cast %scan3A_327 : i32 to index
          %swap3A_378 = arith.constant 48 : index
          %swap3A_379 = tpu.vector_load %arg12[%swap3A_377, %swap3A_378] {strides = array<i32>} : memref<80x256xf32, #tpu.memory_space<vmem>>, vector<1x16xf32>,
          %swap3A_380 = vector.shape_cast %swap3A_379 : vector<1x16xf32> to vector<16xf32>
          %swap3A_381 = vector.shape_cast %mul3A_376 : vector<16xf32> to vector<1x16xf32>
          tpu.vector_store %arg12[%swap3A_377, %swap3A_378], %swap3A_381 {strides = array<i32>} : memref<80x256xf32, #tpu.memory_space<vmem>>, vector<1x16xf32>,
          %get3A_382 = arith.index_cast %scan3A_327 : i32 to index
          %get3A_383 = arith.constant 64 : index
          %get3A_384 = tpu.vector_load %arg12[%get3A_382, %get3A_383] {strides = array<i32>} : memref<80x256xf32, #tpu.memory_space<vmem>>, vector<1x16xf32>,
          %get3A_385 = vector.shape_cast %get3A_384 : vector<1x16xf32> to vector<16xf32>
          %get3A_386 = arith.index_cast %scan3A_327 : i32 to index
          %get3A_387 = arith.constant 64 : index
          %get3A_388 = tpu.vector_load %arg9[%get3A_386, %get3A_387] {strides = array<i32>} : memref<80x256xf32, #tpu.memory_space<vmem>>, vector<1x16xf32>,
          %get3A_389 = vector.shape_cast %get3A_388 : vector<1x16xf32> to vector<16xf32>
          %mul3A_390 = arith.mulf %get3A_385, %get3A_389 : vector<16xf32>
          %swap3A_391 = arith.index_cast %scan3A_327 : i32 to index
          %swap3A_392 = arith.constant 64 : index
          %swap3A_393 = tpu.vector_load %arg12[%swap3A_391, %swap3A_392] {strides = array<i32>} : memref<80x256xf32, #tpu.memory_space<vmem>>, vector<1x16xf32>,
          %swap3A_394 = vector.shape_cast %swap3A_393 : vector<1x16xf32> to vector<16xf32>
          %swap3A_395 = vector.shape_cast %mul3A_390 : vector<16xf32> to vector<1x16xf32>
          tpu.vector_store %arg12[%swap3A_391, %swap3A_392], %swap3A_395 {strides = array<i32>} : memref<80x256xf32, #tpu.memory_space<vmem>>, vector<1x16xf32>,
          %get3A_396 = arith.index_cast %scan3A_327 : i32 to index
          %get3A_397 = arith.constant 80 : index
          %get3A_398 = tpu.vector_load %arg12[%get3A_396, %get3A_397] {strides = array<i32>} : memref<80x256xf32, #tpu.memory_space<vmem>>, vector<1x16xf32>,
          %get3A_399 = vector.shape_cast %get3A_398 : vector<1x16xf32> to vector<16xf32>
          %get3A_400 = arith.index_cast %scan3A_327 : i32 to index
          %get3A_401 = arith.constant 80 : index
          %get3A_402 = tpu.vector_load %arg9[%get3A_400, %get3A_401] {strides = array<i32>} : memref<80x256xf32, #tpu.memory_space<vmem>>, vector<1x16xf32>,
          %get3A_403 = vector.shape_cast %get3A_402 : vector<1x16xf32> to vector<16xf32>
          %mul3A_404 = arith.mulf %get3A_399, %get3A_403 : vector<16xf32>
          %swap3A_405 = arith.index_cast %scan3A_327 : i32 to index
          %swap3A_406 = arith.constant 80 : index
          %swap3A_407 = tpu.vector_load %arg12[%swap3A_405, %swap3A_406] {strides = array<i32>} : memref<80x256xf32, #tpu.memory_space<vmem>>, vector<1x16xf32>,
          %swap3A_408 = vector.shape_cast %swap3A_407 : vector<1x16xf32> to vector<16xf32>
          %swap3A_409 = vector.shape_cast %mul3A_404 : vector<16xf32> to vector<1x16xf32>
          tpu.vector_store %arg12[%swap3A_405, %swap3A_406], %swap3A_409 {strides = array<i32>} : memref<80x256xf32, #tpu.memory_space<vmem>>, vector<1x16xf32>,
          %get3A_410 = arith.index_cast %scan3A_327 : i32 to index
          %get3A_411 = arith.constant 96 : index
          %get3A_412 = tpu.vector_load %arg12[%get3A_410, %get3A_411] {strides = array<i32>} : memref<80x256xf32, #tpu.memory_space<vmem>>, vector<1x16xf32>,
          %get3A_413 = vector.shape_cast %get3A_412 : vector<1x16xf32> to vector<16xf32>
          %get3A_414 = arith.index_cast %scan3A_327 : i32 to index
          %get3A_415 = arith.constant 96 : index
          %get3A_416 = tpu.vector_load %arg9[%get3A_414, %get3A_415] {strides = array<i32>} : memref<80x256xf32, #tpu.memory_space<vmem>>, vector<1x16xf32>,
          %get3A_417 = vector.shape_cast %get3A_416 : vector<1x16xf32> to vector<16xf32>
          %mul3A_418 = arith.mulf %get3A_413, %get3A_417 : vector<16xf32>
          %swap3A_419 = arith.index_cast %scan3A_327 : i32 to index
          %swap3A_420 = arith.constant 96 : index
          %swap3A_421 = tpu.vector_load %arg12[%swap3A_419, %swap3A_420] {strides = array<i32>} : memref<80x256xf32, #tpu.memory_space<vmem>>, vector<1x16xf32>,
          %swap3A_422 = vector.shape_cast %swap3A_421 : vector<1x16xf32> to vector<16xf32>
          %swap3A_423 = vector.shape_cast %mul3A_418 : vector<16xf32> to vector<1x16xf32>
          tpu.vector_store %arg12[%swap3A_419, %swap3A_420], %swap3A_423 {strides = array<i32>} : memref<80x256xf32, #tpu.memory_space<vmem>>, vector<1x16xf32>,
          %get3A_424 = arith.index_cast %scan3A_327 : i32 to index
          %get3A_425 = arith.constant 112 : index
          %get3A_426 = tpu.vector_load %arg12[%get3A_424, %get3A_425] {strides = array<i32>} : memref<80x256xf32, #tpu.memory_space<vmem>>, vector<1x16xf32>,
          %get3A_427 = vector.shape_cast %get3A_426 : vector<1x16xf32> to vector<16xf32>
          %get3A_428 = arith.index_cast %scan3A_327 : i32 to index
          %get3A_429 = arith.constant 112 : index
          %get3A_430 = tpu.vector_load %arg9[%get3A_428, %get3A_429] {strides = array<i32>} : memref<80x256xf32, #tpu.memory_space<vmem>>, vector<1x16xf32>,
          %get3A_431 = vector.shape_cast %get3A_430 : vector<1x16xf32> to vector<16xf32>
          %mul3A_432 = arith.mulf %get3A_427, %get3A_431 : vector<16xf32>
          %swap3A_433 = arith.index_cast %scan3A_327 : i32 to index
          %swap3A_434 = arith.constant 112 : index
          %swap3A_435 = tpu.vector_load %arg12[%swap3A_433, %swap3A_434] {strides = array<i32>} : memref<80x256xf32, #tpu.memory_space<vmem>>, vector<1x16xf32>,
          %swap3A_436 = vector.shape_cast %swap3A_435 : vector<1x16xf32> to vector<16xf32>
          %swap3A_437 = vector.shape_cast %mul3A_432 : vector<16xf32> to vector<1x16xf32>
          tpu.vector_store %arg12[%swap3A_433, %swap3A_434], %swap3A_437 {strides = array<i32>} : memref<80x256xf32, #tpu.memory_space<vmem>>, vector<1x16xf32>,
          %get3A_438 = arith.index_cast %scan3A_327 : i32 to index
          %get3A_439 = arith.constant 128 : index
          %get3A_440 = tpu.vector_load %arg12[%get3A_438, %get3A_439] {strides = array<i32>} : memref<80x256xf32, #tpu.memory_space<vmem>>, vector<1x16xf32>,
          %get3A_441 = vector.shape_cast %get3A_440 : vector<1x16xf32> to vector<16xf32>
          %get3A_442 = arith.index_cast %scan3A_327 : i32 to index
          %get3A_443 = arith.constant 128 : index
          %get3A_444 = tpu.vector_load %arg9[%get3A_442, %get3A_443] {strides = array<i32>} : memref<80x256xf32, #tpu.memory_space<vmem>>, vector<1x16xf32>,
          %get3A_445 = vector.shape_cast %get3A_444 : vector<1x16xf32> to vector<16xf32>
          %mul3A_446 = arith.mulf %get3A_441, %get3A_445 : vector<16xf32>
          %swap3A_447 = arith.index_cast %scan3A_327 : i32 to index
          %swap3A_448 = arith.constant 128 : index
          %swap3A_449 = tpu.vector_load %arg12[%swap3A_447, %swap3A_448] {strides = array<i32>} : memref<80x256xf32, #tpu.memory_space<vmem>>, vector<1x16xf32>,
          %swap3A_450 = vector.shape_cast %swap3A_449 : vector<1x16xf32> to vector<16xf32>
          %swap3A_451 = vector.shape_cast %mul3A_446 : vector<16xf32> to vector<1x16xf32>
          tpu.vector_store %arg12[%swap3A_447, %swap3A_448], %swap3A_451 {strides = array<i32>} : memref<80x256xf32, #tpu.memory_space<vmem>>, vector<1x16xf32>,
          %get3A_452 = arith.index_cast %scan3A_327 : i32 to index
          %get3A_453 = arith.constant 144 : index
          %get3A_454 = tpu.vector_load %arg12[%get3A_452, %get3A_453] {strides = array<i32>} : memref<80x256xf32, #tpu.memory_space<vmem>>, vector<1x16xf32>,
          %get3A_455 = vector.shape_cast %get3A_454 : vector<1x16xf32> to vector<16xf32>
          %get3A_456 = arith.index_cast %scan3A_327 : i32 to index
          %get3A_457 = arith.constant 144 : index
          %get3A_458 = tpu.vector_load %arg9[%get3A_456, %get3A_457] {strides = array<i32>} : memref<80x256xf32, #tpu.memory_space<vmem>>, vector<1x16xf32>,
          %get3A_459 = vector.shape_cast %get3A_458 : vector<1x16xf32> to vector<16xf32>
          %mul3A_460 = arith.mulf %get3A_455, %get3A_459 : vector<16xf32>
          %swap3A_461 = arith.index_cast %scan3A_327 : i32 to index
          %swap3A_462 = arith.constant 144 : index
          %swap3A_463 = tpu.vector_load %arg12[%swap3A_461, %swap3A_462] {strides = array<i32>} : memref<80x256xf32, #tpu.memory_space<vmem>>, vector<1x16xf32>,
          %swap3A_464 = vector.shape_cast %swap3A_463 : vector<1x16xf32> to vector<16xf32>
          %swap3A_465 = vector.shape_cast %mul3A_460 : vector<16xf32> to vector<1x16xf32>
          tpu.vector_store %arg12[%swap3A_461, %swap3A_462], %swap3A_465 {strides = array<i32>} : memref<80x256xf32, #tpu.memory_space<vmem>>, vector<1x16xf32>,
          %get3A_466 = arith.index_cast %scan3A_327 : i32 to index
          %get3A_467 = arith.constant 160 : index
          %get3A_468 = tpu.vector_load %arg12[%get3A_466, %get3A_467] {strides = array<i32>} : memref<80x256xf32, #tpu.memory_space<vmem>>, vector<1x16xf32>,
          %get3A_469 = vector.shape_cast %get3A_468 : vector<1x16xf32> to vector<16xf32>
          %get3A_470 = arith.index_cast %scan3A_327 : i32 to index
          %get3A_471 = arith.constant 160 : index
          %get3A_472 = tpu.vector_load %arg9[%get3A_470, %get3A_471] {strides = array<i32>} : memref<80x256xf32, #tpu.memory_space<vmem>>, vector<1x16xf32>,
          %get3A_473 = vector.shape_cast %get3A_472 : vector<1x16xf32> to vector<16xf32>
          %mul3A_474 = arith.mulf %get3A_469, %get3A_473 : vector<16xf32>
          %swap3A_475 = arith.index_cast %scan3A_327 : i32 to index
          %swap3A_476 = arith.constant 160 : index
          %swap3A_477 = tpu.vector_load %arg12[%swap3A_475, %swap3A_476] {strides = array<i32>} : memref<80x256xf32, #tpu.memory_space<vmem>>, vector<1x16xf32>,
          %swap3A_478 = vector.shape_cast %swap3A_477 : vector<1x16xf32> to vector<16xf32>
          %swap3A_479 = vector.shape_cast %mul3A_474 : vector<16xf32> to vector<1x16xf32>
          tpu.vector_store %arg12[%swap3A_475, %swap3A_476], %swap3A_479 {strides = array<i32>} : memref<80x256xf32, #tpu.memory_space<vmem>>, vector<1x16xf32>,
          %get3A_480 = arith.index_cast %scan3A_327 : i32 to index
          %get3A_481 = arith.constant 176 : index
          %get3A_482 = tpu.vector_load %arg12[%get3A_480, %get3A_481] {strides = array<i32>} : memref<80x256xf32, #tpu.memory_space<vmem>>, vector<1x16xf32>,
          %get3A_483 = vector.shape_cast %get3A_482 : vector<1x16xf32> to vector<16xf32>
          %get3A_484 = arith.index_cast %scan3A_327 : i32 to index
          %get3A_485 = arith.constant 176 : index
          %get3A_486 = tpu.vector_load %arg9[%get3A_484, %get3A_485] {strides = array<i32>} : memref<80x256xf32, #tpu.memory_space<vmem>>, vector<1x16xf32>,
          %get3A_487 = vector.shape_cast %get3A_486 : vector<1x16xf32> to vector<16xf32>
          %mul3A_488 = arith.mulf %get3A_483, %get3A_487 : vector<16xf32>
          %swap3A_489 = arith.index_cast %scan3A_327 : i32 to index
          %swap3A_490 = arith.constant 176 : index
          %swap3A_491 = tpu.vector_load %arg12[%swap3A_489, %swap3A_490] {strides = array<i32>} : memref<80x256xf32, #tpu.memory_space<vmem>>, vector<1x16xf32>,
          %swap3A_492 = vector.shape_cast %swap3A_491 : vector<1x16xf32> to vector<16xf32>
          %swap3A_493 = vector.shape_cast %mul3A_488 : vector<16xf32> to vector<1x16xf32>
          tpu.vector_store %arg12[%swap3A_489, %swap3A_490], %swap3A_493 {strides = array<i32>} : memref<80x256xf32, #tpu.memory_space<vmem>>, vector<1x16xf32>,
          %get3A_494 = arith.index_cast %scan3A_327 : i32 to index
          %get3A_495 = arith.constant 192 : index
          %get3A_496 = tpu.vector_load %arg12[%get3A_494, %get3A_495] {strides = array<i32>} : memref<80x256xf32, #tpu.memory_space<vmem>>, vector<1x16xf32>,
          %get3A_497 = vector.shape_cast %get3A_496 : vector<1x16xf32> to vector<16xf32>
          %get3A_498 = arith.index_cast %scan3A_327 : i32 to index
          %get3A_499 = arith.constant 192 : index
          %get3A_500 = tpu.vector_load %arg9[%get3A_498, %get3A_499] {strides = array<i32>} : memref<80x256xf32, #tpu.memory_space<vmem>>, vector<1x16xf32>,
          %get3A_501 = vector.shape_cast %get3A_500 : vector<1x16xf32> to vector<16xf32>
          %mul3A_502 = arith.mulf %get3A_497, %get3A_501 : vector<16xf32>
          %swap3A_503 = arith.index_cast %scan3A_327 : i32 to index
          %swap3A_504 = arith.constant 192 : index
          %swap3A_505 = tpu.vector_load %arg12[%swap3A_503, %swap3A_504] {strides = array<i32>} : memref<80x256xf32, #tpu.memory_space<vmem>>, vector<1x16xf32>,
          %swap3A_506 = vector.shape_cast %swap3A_505 : vector<1x16xf32> to vector<16xf32>
          %swap3A_507 = vector.shape_cast %mul3A_502 : vector<16xf32> to vector<1x16xf32>
          tpu.vector_store %arg12[%swap3A_503, %swap3A_504], %swap3A_507 {strides = array<i32>} : memref<80x256xf32, #tpu.memory_space<vmem>>, vector<1x16xf32>,
          %get3A_508 = arith.index_cast %scan3A_327 : i32 to index
          %get3A_509 = arith.constant 208 : index
          %get3A_510 = tpu.vector_load %arg12[%get3A_508, %get3A_509] {strides = array<i32>} : memref<80x256xf32, #tpu.memory_space<vmem>>, vector<1x16xf32>,
          %get3A_511 = vector.shape_cast %get3A_510 : vector<1x16xf32> to vector<16xf32>
          %get3A_512 = arith.index_cast %scan3A_327 : i32 to index
          %get3A_513 = arith.constant 208 : index
          %get3A_514 = tpu.vector_load %arg9[%get3A_512, %get3A_513] {strides = array<i32>} : memref<80x256xf32, #tpu.memory_space<vmem>>, vector<1x16xf32>,
          %get3A_515 = vector.shape_cast %get3A_514 : vector<1x16xf32> to vector<16xf32>
          %mul3A_516 = arith.mulf %get3A_511, %get3A_515 : vector<16xf32>
          %swap3A_517 = arith.index_cast %scan3A_327 : i32 to index
          %swap3A_518 = arith.constant 208 : index
          %swap3A_519 = tpu.vector_load %arg12[%swap3A_517, %swap3A_518] {strides = array<i32>} : memref<80x256xf32, #tpu.memory_space<vmem>>, vector<1x16xf32>,
          %swap3A_520 = vector.shape_cast %swap3A_519 : vector<1x16xf32> to vector<16xf32>
          %swap3A_521 = vector.shape_cast %mul3A_516 : vector<16xf32> to vector<1x16xf32>
          tpu.vector_store %arg12[%swap3A_517, %swap3A_518], %swap3A_521 {strides = array<i32>} : memref<80x256xf32, #tpu.memory_space<vmem>>, vector<1x16xf32>,
          %get3A_522 = arith.index_cast %scan3A_327 : i32 to index
          %get3A_523 = arith.constant 224 : index
          %get3A_524 = tpu.vector_load %arg12[%get3A_522, %get3A_523] {strides = array<i32>} : memref<80x256xf32, #tpu.memory_space<vmem>>, vector<1x16xf32>,
          %get3A_525 = vector.shape_cast %get3A_524 : vector<1x16xf32> to vector<16xf32>
          %get3A_526 = arith.index_cast %scan3A_327 : i32 to index
          %get3A_527 = arith.constant 224 : index
          %get3A_528 = tpu.vector_load %arg9[%get3A_526, %get3A_527] {strides = array<i32>} : memref<80x256xf32, #tpu.memory_space<vmem>>, vector<1x16xf32>,
          %get3A_529 = vector.shape_cast %get3A_528 : vector<1x16xf32> to vector<16xf32>
          %mul3A_530 = arith.mulf %get3A_525, %get3A_529 : vector<16xf32>
          %swap3A_531 = arith.index_cast %scan3A_327 : i32 to index
          %swap3A_532 = arith.constant 224 : index
          %swap3A_533 = tpu.vector_load %arg12[%swap3A_531, %swap3A_532] {strides = array<i32>} : memref<80x256xf32, #tpu.memory_space<vmem>>, vector<1x16xf32>,
          %swap3A_534 = vector.shape_cast %swap3A_533 : vector<1x16xf32> to vector<16xf32>
          %swap3A_535 = vector.shape_cast %mul3A_530 : vector<16xf32> to vector<1x16xf32>
          tpu.vector_store %arg12[%swap3A_531, %swap3A_532], %swap3A_535 {strides = array<i32>} : memref<80x256xf32, #tpu.memory_space<vmem>>, vector<1x16xf32>,
          %get3A_536 = arith.index_cast %scan3A_327 : i32 to index
          %get3A_537 = arith.constant 240 : index
          %get3A_538 = tpu.vector_load %arg12[%get3A_536, %get3A_537] {strides = array<i32>} : memref<80x256xf32, #tpu.memory_space<vmem>>, vector<1x16xf32>,
          %get3A_539 = vector.shape_cast %get3A_538 : vector<1x16xf32> to vector<16xf32>
          %get3A_540 = arith.index_cast %scan3A_327 : i32 to index
          %get3A_541 = arith.constant 240 : index
          %get3A_542 = tpu.vector_load %arg9[%get3A_540, %get3A_541] {strides = array<i32>} : memref<80x256xf32, #tpu.memory_space<vmem>>, vector<1x16xf32>,
          %get3A_543 = vector.shape_cast %get3A_542 : vector<1x16xf32> to vector<16xf32>
          %mul3A_544 = arith.mulf %get3A_539, %get3A_543 : vector<16xf32>
          %swap3A_545 = arith.index_cast %scan3A_327 : i32 to index
          %swap3A_546 = arith.constant 240 : index
          %swap3A_547 = tpu.vector_load %arg12[%swap3A_545, %swap3A_546] {strides = array<i32>} : memref<80x256xf32, #tpu.memory_space<vmem>>, vector<1x16xf32>,
          %swap3A_548 = vector.shape_cast %swap3A_547 : vector<1x16xf32> to vector<16xf32>
          %swap3A_549 = vector.shape_cast %mul3A_544 : vector<16xf32> to vector<1x16xf32>
          tpu.vector_store %arg12[%swap3A_545, %swap3A_546], %swap3A_549 {strides = array<i32>} : memref<80x256xf32, #tpu.memory_space<vmem>>, vector<1x16xf32>,
        }
        %scan3A_319 = arith.constant 80 : i32
        %add3A_320 = arith.addi %add3A_8, %add3A_292 : i32
        %mul3A_321 = arith.constant 80 : i32
        %mul3A_322 = arith.muli %add3A_320, %mul3A_321 : i32
        %dma_start3A_323 = arith.constant 0 : i32
        %dma_start3A_324 = tpu.memref_slice %arg5[%mul3A_322, %dma_start3A_323] : memref<100000x256xf32, #tpu.memory_space<hbm>> -> memref<80x256xf32, #tpu.memory_space<hbm>>
        %dma_start3A_325 = arith.constant 0 : i32
        %dma_start3A_326 = tpu.memref_slice %arg5[%mul3A_322, %dma_start3A_325] : memref<100000x256xf32, #tpu.memory_space<hbm>> -> memref<80x256xf32, #tpu.memory_space<hbm>>
        tpu.enqueue_dma source(%arg12 : memref<80x256xf32, #tpu.memory_space<vmem>>) target(%dma_start3A_326 : memref<80x256xf32, #tpu.memory_space<hbm>>) target_semaphore(%arg18 : memref<!tpu.dma_semaphore, #tpu.memory_space<semaphore_mem>>)
      } else {
      }
    }
    %while3A_53 = arith.constant 1 : i32
    scf.for %while3A_260 = %while3A_51 to %while3A_47 step %while3A_53  : i32 {
      %mul3A_261 = arith.constant 3 : i32
      %mul3A_262 = arith.muli %while3A_260, %mul3A_261 : i32
      %add3A_263 = arith.constant 0 : i32
      %add3A_264 = arith.addi %mul3A_262, %add3A_263 : i32
      %add3A_265 = arith.constant 1 : i32
      %add3A_266 = arith.addi %add3A_264, %add3A_265 : i32
      %lt3A_267 = arith.cmpi slt, %add3A_266, %add3A_4 : i32
      %convert_element_type3A_268 = arith.extui %lt3A_267 : i1 to i32
      %cond3A_269 = arith.constant 0 : i32
      %cond3A_270 = arith.cmpi ne, %convert_element_type3A_268, %cond3A_269 : i32
      scf.if %cond3A_270 {
        %ge3A = arith.constant 2 : i32
        %ge3A_303 = arith.cmpi sge, %add3A_264, %ge3A : i32
        %convert_element_type3A_304 = arith.extui %ge3A_303 : i1 to i32
        %cond3A_305 = arith.constant 0 : i32
        %cond3A_306 = arith.cmpi ne, %convert_element_type3A_304, %cond3A_305 : i32
        scf.if %cond3A_306 {
          %sub3A_322 = arith.constant 2 : i32
          %sub3A_323 = arith.subi %add3A_264, %sub3A_322 : i32
          %add3A_324 = arith.addi %add3A_8, %sub3A_323 : i32
          %mul3A_325 = arith.constant 80 : i32
          %mul3A_326 = arith.muli %add3A_324, %mul3A_325 : i32
          %dma_wait3A = arith.constant 0 : i32
          %dma_wait3A_327 = tpu.memref_slice %arg5[%mul3A_326, %dma_wait3A] : memref<100000x256xf32, #tpu.memory_space<hbm>> -> memref<80x256xf32, #tpu.memory_space<hbm>>
          %dma_wait3A_328 = arith.constant 0 : i32
          %dma_wait3A_329 = tpu.memref_slice %arg5[%mul3A_326, %dma_wait3A_328] : memref<100000x256xf32, #tpu.memory_space<hbm>> -> memref<80x256xf32, #tpu.memory_space<hbm>>
          tpu.wait_dma2 semaphore(%arg17 : memref<!tpu.dma_semaphore, #tpu.memory_space<semaphore_mem>>) src(%arg11 : memref<80x256xf32, #tpu.memory_space<vmem>>) dst(%dma_wait3A_329 : memref<80x256xf32, #tpu.memory_space<hbm>>)
        } else {
        }
        %add3A_307 = arith.constant 1 : i32
        %add3A_308 = arith.addi %add3A_264, %add3A_307 : i32
        %add3A_309 = arith.addi %add3A_8, %add3A_308 : i32
        %mul3A_310 = arith.constant 80 : i32
        %mul3A_311 = arith.muli %add3A_309, %mul3A_310 : i32
        %mul3A_312 = arith.constant 80 : i32
        %mul3A_313 = arith.muli %add3A_308, %mul3A_312 : i32
        %dma_start3A_314 = tpu.memref_slice %arg6[%mul3A_313] : memref<3200xi32, #tpu.memory_space<vmem>> -> memref<80xi32, #tpu.memory_space<vmem>>
        %dma_start3A_315 = arith.constant 0 : i32
        %dma_start3A_316 = arith.constant 0 : i32
        %dma_start3A_317 = tpu.memref_slice %arg4[%dma_start3A_315, %dma_start3A_316] : memref<119x256xf32, #tpu.memory_space<hbm>> -> memref<119x256xf32, #tpu.memory_space<hbm>>
        tpu.enqueue_indirect_dma source(%dma_start3A_317 : memref<119x256xf32, #tpu.memory_space<hbm>>) target(%arg8 : memref<80x256xf32, #tpu.memory_space<vmem>>) offsets(%dma_start3A_314 : memref<80xi32, #tpu.memory_space<vmem>>) semaphore(%arg14 : memref<!tpu.dma_semaphore, #tpu.memory_space<semaphore_mem>>)
        %dma_start3A_318 = arith.constant 0 : i32
        %dma_start3A_319 = tpu.memref_slice %arg2[%mul3A_311, %dma_start3A_318] : memref<100000x256xf32, #tpu.memory_space<hbm>> -> memref<80x256xf32, #tpu.memory_space<hbm>>
        %dma_start3A_320 = arith.constant 0 : i32
        %dma_start3A_321 = tpu.memref_slice %arg2[%mul3A_311, %dma_start3A_320] : memref<100000x256xf32, #tpu.memory_space<hbm>> -> memref<80x256xf32, #tpu.memory_space<hbm>>
        tpu.enqueue_dma source(%dma_start3A_321 : memref<80x256xf32, #tpu.memory_space<hbm>>) target(%arg11 : memref<80x256xf32, #tpu.memory_space<vmem>>) target_semaphore(%arg14 : memref<!tpu.dma_semaphore, #tpu.memory_space<semaphore_mem>>)
      } else {
      }
      %lt3A_271 = arith.cmpi slt, %add3A_264, %add3A_4 : i32
      %convert_element_type3A_272 = arith.extui %lt3A_271 : i1 to i32
      %cond3A_273 = arith.constant 0 : i32
      %cond3A_274 = arith.cmpi ne, %convert_element_type3A_272, %cond3A_273 : i32
      scf.if %cond3A_274 {
        %add3A_303 = arith.addi %add3A_8, %add3A_264 : i32
        %mul3A_304 = arith.constant 80 : i32
        %mul3A_305 = arith.muli %add3A_303, %mul3A_304 : i32
        %mul3A_306 = arith.constant 80 : i32
        %mul3A_307 = arith.muli %add3A_264, %mul3A_306 : i32
        %dma_wait3A = tpu.memref_slice %arg6[%mul3A_307] : memref<3200xi32, #tpu.memory_space<vmem>> -> memref<80xi32, #tpu.memory_space<vmem>>
        %dma_wait3A_308 = arith.constant 0 : i32
        %dma_wait3A_309 = arith.constant 0 : i32
        %dma_wait3A_310 = tpu.memref_slice %arg4[%dma_wait3A_308, %dma_wait3A_309] : memref<119x256xf32, #tpu.memory_space<hbm>> -> memref<119x256xf32, #tpu.memory_space<hbm>>
        tpu.wait_indirect_dma semaphore(%arg13 : memref<!tpu.dma_semaphore, #tpu.memory_space<semaphore_mem>>) src(%dma_wait3A_310 : memref<119x256xf32, #tpu.memory_space<hbm>>) dst(%arg7 : memref<80x256xf32, #tpu.memory_space<vmem>>)
        %dma_wait3A_311 = arith.constant 0 : i32
        %dma_wait3A_312 = tpu.memref_slice %arg2[%mul3A_305, %dma_wait3A_311] : memref<100000x256xf32, #tpu.memory_space<hbm>> -> memref<80x256xf32, #tpu.memory_space<hbm>>
        %dma_wait3A_313 = arith.constant 0 : i32
        %dma_wait3A_314 = tpu.memref_slice %arg2[%mul3A_305, %dma_wait3A_313] : memref<100000x256xf32, #tpu.memory_space<hbm>> -> memref<80x256xf32, #tpu.memory_space<hbm>>
        tpu.wait_dma2 semaphore(%arg13 : memref<!tpu.dma_semaphore, #tpu.memory_space<semaphore_mem>>) src(%dma_wait3A_314 : memref<80x256xf32, #tpu.memory_space<hbm>>) dst(%arg10 : memref<80x256xf32, #tpu.memory_space<vmem>>)
        %scan3A = arith.constant 0 : i32
        %scan3A_315 = arith.constant 0 : i32
        %scan3A_316 = arith.constant 80 : i32
        %scan3A_317 = arith.addi %scan3A_315, %scan3A_316 : i32
        %scan3A_318 = arith.constant 1 : i32
        scf.for %scan3A_327 = %scan3A_315 to %scan3A_317 step %scan3A_318  : i32 {
          %get3A = arith.index_cast %scan3A_327 : i32 to index
          %get3A_328 = arith.constant 0 : index
          %get3A_329 = tpu.vector_load %arg10[%get3A, %get3A_328] {strides = array<i32>} : memref<80x256xf32, #tpu.memory_space<vmem>>, vector<1x16xf32>,
          %get3A_330 = vector.shape_cast %get3A_329 : vector<1x16xf32> to vector<16xf32>
          %get3A_331 = arith.index_cast %scan3A_327 : i32 to index
          %get3A_332 = arith.constant 0 : index
          %get3A_333 = tpu.vector_load %arg7[%get3A_331, %get3A_332] {strides = array<i32>} : memref<80x256xf32, #tpu.memory_space<vmem>>, vector<1x16xf32>,
          %get3A_334 = vector.shape_cast %get3A_333 : vector<1x16xf32> to vector<16xf32>
          %mul3A_335 = arith.mulf %get3A_330, %get3A_334 : vector<16xf32>
          %swap3A = arith.index_cast %scan3A_327 : i32 to index
          %swap3A_336 = arith.constant 0 : index
          %swap3A_337 = tpu.vector_load %arg10[%swap3A, %swap3A_336] {strides = array<i32>} : memref<80x256xf32, #tpu.memory_space<vmem>>, vector<1x16xf32>,
          %swap3A_338 = vector.shape_cast %swap3A_337 : vector<1x16xf32> to vector<16xf32>
          %swap3A_339 = vector.shape_cast %mul3A_335 : vector<16xf32> to vector<1x16xf32>
          tpu.vector_store %arg10[%swap3A, %swap3A_336], %swap3A_339 {strides = array<i32>} : memref<80x256xf32, #tpu.memory_space<vmem>>, vector<1x16xf32>,
          %get3A_340 = arith.index_cast %scan3A_327 : i32 to index
          %get3A_341 = arith.constant 16 : index
          %get3A_342 = tpu.vector_load %arg10[%get3A_340, %get3A_341] {strides = array<i32>} : memref<80x256xf32, #tpu.memory_space<vmem>>, vector<1x16xf32>,
          %get3A_343 = vector.shape_cast %get3A_342 : vector<1x16xf32> to vector<16xf32>
          %get3A_344 = arith.index_cast %scan3A_327 : i32 to index
          %get3A_345 = arith.constant 16 : index
          %get3A_346 = tpu.vector_load %arg7[%get3A_344, %get3A_345] {strides = array<i32>} : memref<80x256xf32, #tpu.memory_space<vmem>>, vector<1x16xf32>,
          %get3A_347 = vector.shape_cast %get3A_346 : vector<1x16xf32> to vector<16xf32>
          %mul3A_348 = arith.mulf %get3A_343, %get3A_347 : vector<16xf32>
          %swap3A_349 = arith.index_cast %scan3A_327 : i32 to index
          %swap3A_350 = arith.constant 16 : index
          %swap3A_351 = tpu.vector_load %arg10[%swap3A_349, %swap3A_350] {strides = array<i32>} : memref<80x256xf32, #tpu.memory_space<vmem>>, vector<1x16xf32>,
          %swap3A_352 = vector.shape_cast %swap3A_351 : vector<1x16xf32> to vector<16xf32>
          %swap3A_353 = vector.shape_cast %mul3A_348 : vector<16xf32> to vector<1x16xf32>
          tpu.vector_store %arg10[%swap3A_349, %swap3A_350], %swap3A_353 {strides = array<i32>} : memref<80x256xf32, #tpu.memory_space<vmem>>, vector<1x16xf32>,
          %get3A_354 = arith.index_cast %scan3A_327 : i32 to index
          %get3A_355 = arith.constant 32 : index
          %get3A_356 = tpu.vector_load %arg10[%get3A_354, %get3A_355] {strides = array<i32>} : memref<80x256xf32, #tpu.memory_space<vmem>>, vector<1x16xf32>,
          %get3A_357 = vector.shape_cast %get3A_356 : vector<1x16xf32> to vector<16xf32>
          %get3A_358 = arith.index_cast %scan3A_327 : i32 to index
          %get3A_359 = arith.constant 32 : index
          %get3A_360 = tpu.vector_load %arg7[%get3A_358, %get3A_359] {strides = array<i32>} : memref<80x256xf32, #tpu.memory_space<vmem>>, vector<1x16xf32>,
          %get3A_361 = vector.shape_cast %get3A_360 : vector<1x16xf32> to vector<16xf32>
          %mul3A_362 = arith.mulf %get3A_357, %get3A_361 : vector<16xf32>
          %swap3A_363 = arith.index_cast %scan3A_327 : i32 to index
          %swap3A_364 = arith.constant 32 : index
          %swap3A_365 = tpu.vector_load %arg10[%swap3A_363, %swap3A_364] {strides = array<i32>} : memref<80x256xf32, #tpu.memory_space<vmem>>, vector<1x16xf32>,
          %swap3A_366 = vector.shape_cast %swap3A_365 : vector<1x16xf32> to vector<16xf32>
          %swap3A_367 = vector.shape_cast %mul3A_362 : vector<16xf32> to vector<1x16xf32>
          tpu.vector_store %arg10[%swap3A_363, %swap3A_364], %swap3A_367 {strides = array<i32>} : memref<80x256xf32, #tpu.memory_space<vmem>>, vector<1x16xf32>,
          %get3A_368 = arith.index_cast %scan3A_327 : i32 to index
          %get3A_369 = arith.constant 48 : index
          %get3A_370 = tpu.vector_load %arg10[%get3A_368, %get3A_369] {strides = array<i32>} : memref<80x256xf32, #tpu.memory_space<vmem>>, vector<1x16xf32>,
          %get3A_371 = vector.shape_cast %get3A_370 : vector<1x16xf32> to vector<16xf32>
          %get3A_372 = arith.index_cast %scan3A_327 : i32 to index
          %get3A_373 = arith.constant 48 : index
          %get3A_374 = tpu.vector_load %arg7[%get3A_372, %get3A_373] {strides = array<i32>} : memref<80x256xf32, #tpu.memory_space<vmem>>, vector<1x16xf32>,
          %get3A_375 = vector.shape_cast %get3A_374 : vector<1x16xf32> to vector<16xf32>
          %mul3A_376 = arith.mulf %get3A_371, %get3A_375 : vector<16xf32>
          %swap3A_377 = arith.index_cast %scan3A_327 : i32 to index
          %swap3A_378 = arith.constant 48 : index
          %swap3A_379 = tpu.vector_load %arg10[%swap3A_377, %swap3A_378] {strides = array<i32>} : memref<80x256xf32, #tpu.memory_space<vmem>>, vector<1x16xf32>,
          %swap3A_380 = vector.shape_cast %swap3A_379 : vector<1x16xf32> to vector<16xf32>
          %swap3A_381 = vector.shape_cast %mul3A_376 : vector<16xf32> to vector<1x16xf32>
          tpu.vector_store %arg10[%swap3A_377, %swap3A_378], %swap3A_381 {strides = array<i32>} : memref<80x256xf32, #tpu.memory_space<vmem>>, vector<1x16xf32>,
          %get3A_382 = arith.index_cast %scan3A_327 : i32 to index
          %get3A_383 = arith.constant 64 : index
          %get3A_384 = tpu.vector_load %arg10[%get3A_382, %get3A_383] {strides = array<i32>} : memref<80x256xf32, #tpu.memory_space<vmem>>, vector<1x16xf32>,
          %get3A_385 = vector.shape_cast %get3A_384 : vector<1x16xf32> to vector<16xf32>
          %get3A_386 = arith.index_cast %scan3A_327 : i32 to index
          %get3A_387 = arith.constant 64 : index
          %get3A_388 = tpu.vector_load %arg7[%get3A_386, %get3A_387] {strides = array<i32>} : memref<80x256xf32, #tpu.memory_space<vmem>>, vector<1x16xf32>,
          %get3A_389 = vector.shape_cast %get3A_388 : vector<1x16xf32> to vector<16xf32>
          %mul3A_390 = arith.mulf %get3A_385, %get3A_389 : vector<16xf32>
          %swap3A_391 = arith.index_cast %scan3A_327 : i32 to index
          %swap3A_392 = arith.constant 64 : index
          %swap3A_393 = tpu.vector_load %arg10[%swap3A_391, %swap3A_392] {strides = array<i32>} : memref<80x256xf32, #tpu.memory_space<vmem>>, vector<1x16xf32>,
          %swap3A_394 = vector.shape_cast %swap3A_393 : vector<1x16xf32> to vector<16xf32>
          %swap3A_395 = vector.shape_cast %mul3A_390 : vector<16xf32> to vector<1x16xf32>
          tpu.vector_store %arg10[%swap3A_391, %swap3A_392], %swap3A_395 {strides = array<i32>} : memref<80x256xf32, #tpu.memory_space<vmem>>, vector<1x16xf32>,
          %get3A_396 = arith.index_cast %scan3A_327 : i32 to index
          %get3A_397 = arith.constant 80 : index
          %get3A_398 = tpu.vector_load %arg10[%get3A_396, %get3A_397] {strides = array<i32>} : memref<80x256xf32, #tpu.memory_space<vmem>>, vector<1x16xf32>,
          %get3A_399 = vector.shape_cast %get3A_398 : vector<1x16xf32> to vector<16xf32>
          %get3A_400 = arith.index_cast %scan3A_327 : i32 to index
          %get3A_401 = arith.constant 80 : index
          %get3A_402 = tpu.vector_load %arg7[%get3A_400, %get3A_401] {strides = array<i32>} : memref<80x256xf32, #tpu.memory_space<vmem>>, vector<1x16xf32>,
          %get3A_403 = vector.shape_cast %get3A_402 : vector<1x16xf32> to vector<16xf32>
          %mul3A_404 = arith.mulf %get3A_399, %get3A_403 : vector<16xf32>
          %swap3A_405 = arith.index_cast %scan3A_327 : i32 to index
          %swap3A_406 = arith.constant 80 : index
          %swap3A_407 = tpu.vector_load %arg10[%swap3A_405, %swap3A_406] {strides = array<i32>} : memref<80x256xf32, #tpu.memory_space<vmem>>, vector<1x16xf32>,
          %swap3A_408 = vector.shape_cast %swap3A_407 : vector<1x16xf32> to vector<16xf32>
          %swap3A_409 = vector.shape_cast %mul3A_404 : vector<16xf32> to vector<1x16xf32>
          tpu.vector_store %arg10[%swap3A_405, %swap3A_406], %swap3A_409 {strides = array<i32>} : memref<80x256xf32, #tpu.memory_space<vmem>>, vector<1x16xf32>,
          %get3A_410 = arith.index_cast %scan3A_327 : i32 to index
          %get3A_411 = arith.constant 96 : index
          %get3A_412 = tpu.vector_load %arg10[%get3A_410, %get3A_411] {strides = array<i32>} : memref<80x256xf32, #tpu.memory_space<vmem>>, vector<1x16xf32>,
          %get3A_413 = vector.shape_cast %get3A_412 : vector<1x16xf32> to vector<16xf32>
          %get3A_414 = arith.index_cast %scan3A_327 : i32 to index
          %get3A_415 = arith.constant 96 : index
          %get3A_416 = tpu.vector_load %arg7[%get3A_414, %get3A_415] {strides = array<i32>} : memref<80x256xf32, #tpu.memory_space<vmem>>, vector<1x16xf32>,
          %get3A_417 = vector.shape_cast %get3A_416 : vector<1x16xf32> to vector<16xf32>
          %mul3A_418 = arith.mulf %get3A_413, %get3A_417 : vector<16xf32>
          %swap3A_419 = arith.index_cast %scan3A_327 : i32 to index
          %swap3A_420 = arith.constant 96 : index
          %swap3A_421 = tpu.vector_load %arg10[%swap3A_419, %swap3A_420] {strides = array<i32>} : memref<80x256xf32, #tpu.memory_space<vmem>>, vector<1x16xf32>,
          %swap3A_422 = vector.shape_cast %swap3A_421 : vector<1x16xf32> to vector<16xf32>
          %swap3A_423 = vector.shape_cast %mul3A_418 : vector<16xf32> to vector<1x16xf32>
          tpu.vector_store %arg10[%swap3A_419, %swap3A_420], %swap3A_423 {strides = array<i32>} : memref<80x256xf32, #tpu.memory_space<vmem>>, vector<1x16xf32>,
          %get3A_424 = arith.index_cast %scan3A_327 : i32 to index
          %get3A_425 = arith.constant 112 : index
          %get3A_426 = tpu.vector_load %arg10[%get3A_424, %get3A_425] {strides = array<i32>} : memref<80x256xf32, #tpu.memory_space<vmem>>, vector<1x16xf32>,
          %get3A_427 = vector.shape_cast %get3A_426 : vector<1x16xf32> to vector<16xf32>
          %get3A_428 = arith.index_cast %scan3A_327 : i32 to index
          %get3A_429 = arith.constant 112 : index
          %get3A_430 = tpu.vector_load %arg7[%get3A_428, %get3A_429] {strides = array<i32>} : memref<80x256xf32, #tpu.memory_space<vmem>>, vector<1x16xf32>,
          %get3A_431 = vector.shape_cast %get3A_430 : vector<1x16xf32> to vector<16xf32>
          %mul3A_432 = arith.mulf %get3A_427, %get3A_431 : vector<16xf32>
          %swap3A_433 = arith.index_cast %scan3A_327 : i32 to index
          %swap3A_434 = arith.constant 112 : index
          %swap3A_435 = tpu.vector_load %arg10[%swap3A_433, %swap3A_434] {strides = array<i32>} : memref<80x256xf32, #tpu.memory_space<vmem>>, vector<1x16xf32>,
          %swap3A_436 = vector.shape_cast %swap3A_435 : vector<1x16xf32> to vector<16xf32>
          %swap3A_437 = vector.shape_cast %mul3A_432 : vector<16xf32> to vector<1x16xf32>
          tpu.vector_store %arg10[%swap3A_433, %swap3A_434], %swap3A_437 {strides = array<i32>} : memref<80x256xf32, #tpu.memory_space<vmem>>, vector<1x16xf32>,
          %get3A_438 = arith.index_cast %scan3A_327 : i32 to index
          %get3A_439 = arith.constant 128 : index
          %get3A_440 = tpu.vector_load %arg10[%get3A_438, %get3A_439] {strides = array<i32>} : memref<80x256xf32, #tpu.memory_space<vmem>>, vector<1x16xf32>,
          %get3A_441 = vector.shape_cast %get3A_440 : vector<1x16xf32> to vector<16xf32>
          %get3A_442 = arith.index_cast %scan3A_327 : i32 to index
          %get3A_443 = arith.constant 128 : index
          %get3A_444 = tpu.vector_load %arg7[%get3A_442, %get3A_443] {strides = array<i32>} : memref<80x256xf32, #tpu.memory_space<vmem>>, vector<1x16xf32>,
          %get3A_445 = vector.shape_cast %get3A_444 : vector<1x16xf32> to vector<16xf32>
          %mul3A_446 = arith.mulf %get3A_441, %get3A_445 : vector<16xf32>
          %swap3A_447 = arith.index_cast %scan3A_327 : i32 to index
          %swap3A_448 = arith.constant 128 : index
          %swap3A_449 = tpu.vector_load %arg10[%swap3A_447, %swap3A_448] {strides = array<i32>} : memref<80x256xf32, #tpu.memory_space<vmem>>, vector<1x16xf32>,
          %swap3A_450 = vector.shape_cast %swap3A_449 : vector<1x16xf32> to vector<16xf32>
          %swap3A_451 = vector.shape_cast %mul3A_446 : vector<16xf32> to vector<1x16xf32>
          tpu.vector_store %arg10[%swap3A_447, %swap3A_448], %swap3A_451 {strides = array<i32>} : memref<80x256xf32, #tpu.memory_space<vmem>>, vector<1x16xf32>,
          %get3A_452 = arith.index_cast %scan3A_327 : i32 to index
          %get3A_453 = arith.constant 144 : index
          %get3A_454 = tpu.vector_load %arg10[%get3A_452, %get3A_453] {strides = array<i32>} : memref<80x256xf32, #tpu.memory_space<vmem>>, vector<1x16xf32>,
          %get3A_455 = vector.shape_cast %get3A_454 : vector<1x16xf32> to vector<16xf32>
          %get3A_456 = arith.index_cast %scan3A_327 : i32 to index
          %get3A_457 = arith.constant 144 : index
          %get3A_458 = tpu.vector_load %arg7[%get3A_456, %get3A_457] {strides = array<i32>} : memref<80x256xf32, #tpu.memory_space<vmem>>, vector<1x16xf32>,
          %get3A_459 = vector.shape_cast %get3A_458 : vector<1x16xf32> to vector<16xf32>
          %mul3A_460 = arith.mulf %get3A_455, %get3A_459 : vector<16xf32>
          %swap3A_461 = arith.index_cast %scan3A_327 : i32 to index
          %swap3A_462 = arith.constant 144 : index
          %swap3A_463 = tpu.vector_load %arg10[%swap3A_461, %swap3A_462] {strides = array<i32>} : memref<80x256xf32, #tpu.memory_space<vmem>>, vector<1x16xf32>,
          %swap3A_464 = vector.shape_cast %swap3A_463 : vector<1x16xf32> to vector<16xf32>
          %swap3A_465 = vector.shape_cast %mul3A_460 : vector<16xf32> to vector<1x16xf32>
          tpu.vector_store %arg10[%swap3A_461, %swap3A_462], %swap3A_465 {strides = array<i32>} : memref<80x256xf32, #tpu.memory_space<vmem>>, vector<1x16xf32>,
          %get3A_466 = arith.index_cast %scan3A_327 : i32 to index
          %get3A_467 = arith.constant 160 : index
          %get3A_468 = tpu.vector_load %arg10[%get3A_466, %get3A_467] {strides = array<i32>} : memref<80x256xf32, #tpu.memory_space<vmem>>, vector<1x16xf32>,
          %get3A_469 = vector.shape_cast %get3A_468 : vector<1x16xf32> to vector<16xf32>
          %get3A_470 = arith.index_cast %scan3A_327 : i32 to index
          %get3A_471 = arith.constant 160 : index
          %get3A_472 = tpu.vector_load %arg7[%get3A_470, %get3A_471] {strides = array<i32>} : memref<80x256xf32, #tpu.memory_space<vmem>>, vector<1x16xf32>,
          %get3A_473 = vector.shape_cast %get3A_472 : vector<1x16xf32> to vector<16xf32>
          %mul3A_474 = arith.mulf %get3A_469, %get3A_473 : vector<16xf32>
          %swap3A_475 = arith.index_cast %scan3A_327 : i32 to index
          %swap3A_476 = arith.constant 160 : index
          %swap3A_477 = tpu.vector_load %arg10[%swap3A_475, %swap3A_476] {strides = array<i32>} : memref<80x256xf32, #tpu.memory_space<vmem>>, vector<1x16xf32>,
          %swap3A_478 = vector.shape_cast %swap3A_477 : vector<1x16xf32> to vector<16xf32>
          %swap3A_479 = vector.shape_cast %mul3A_474 : vector<16xf32> to vector<1x16xf32>
          tpu.vector_store %arg10[%swap3A_475, %swap3A_476], %swap3A_479 {strides = array<i32>} : memref<80x256xf32, #tpu.memory_space<vmem>>, vector<1x16xf32>,
          %get3A_480 = arith.index_cast %scan3A_327 : i32 to index
          %get3A_481 = arith.constant 176 : index
          %get3A_482 = tpu.vector_load %arg10[%get3A_480, %get3A_481] {strides = array<i32>} : memref<80x256xf32, #tpu.memory_space<vmem>>, vector<1x16xf32>,
          %get3A_483 = vector.shape_cast %get3A_482 : vector<1x16xf32> to vector<16xf32>
          %get3A_484 = arith.index_cast %scan3A_327 : i32 to index
          %get3A_485 = arith.constant 176 : index
          %get3A_486 = tpu.vector_load %arg7[%get3A_484, %get3A_485] {strides = array<i32>} : memref<80x256xf32, #tpu.memory_space<vmem>>, vector<1x16xf32>,
          %get3A_487 = vector.shape_cast %get3A_486 : vector<1x16xf32> to vector<16xf32>
          %mul3A_488 = arith.mulf %get3A_483, %get3A_487 : vector<16xf32>
          %swap3A_489 = arith.index_cast %scan3A_327 : i32 to index
          %swap3A_490 = arith.constant 176 : index
          %swap3A_491 = tpu.vector_load %arg10[%swap3A_489, %swap3A_490] {strides = array<i32>} : memref<80x256xf32, #tpu.memory_space<vmem>>, vector<1x16xf32>,
          %swap3A_492 = vector.shape_cast %swap3A_491 : vector<1x16xf32> to vector<16xf32>
          %swap3A_493 = vector.shape_cast %mul3A_488 : vector<16xf32> to vector<1x16xf32>
          tpu.vector_store %arg10[%swap3A_489, %swap3A_490], %swap3A_493 {strides = array<i32>} : memref<80x256xf32, #tpu.memory_space<vmem>>, vector<1x16xf32>,
          %get3A_494 = arith.index_cast %scan3A_327 : i32 to index
          %get3A_495 = arith.constant 192 : index
          %get3A_496 = tpu.vector_load %arg10[%get3A_494, %get3A_495] {strides = array<i32>} : memref<80x256xf32, #tpu.memory_space<vmem>>, vector<1x16xf32>,
          %get3A_497 = vector.shape_cast %get3A_496 : vector<1x16xf32> to vector<16xf32>
          %get3A_498 = arith.index_cast %scan3A_327 : i32 to index
          %get3A_499 = arith.constant 192 : index
          %get3A_500 = tpu.vector_load %arg7[%get3A_498, %get3A_499] {strides = array<i32>} : memref<80x256xf32, #tpu.memory_space<vmem>>, vector<1x16xf32>,
          %get3A_501 = vector.shape_cast %get3A_500 : vector<1x16xf32> to vector<16xf32>
          %mul3A_502 = arith.mulf %get3A_497, %get3A_501 : vector<16xf32>
          %swap3A_503 = arith.index_cast %scan3A_327 : i32 to index
          %swap3A_504 = arith.constant 192 : index
          %swap3A_505 = tpu.vector_load %arg10[%swap3A_503, %swap3A_504] {strides = array<i32>} : memref<80x256xf32, #tpu.memory_space<vmem>>, vector<1x16xf32>,
          %swap3A_506 = vector.shape_cast %swap3A_505 : vector<1x16xf32> to vector<16xf32>
          %swap3A_507 = vector.shape_cast %mul3A_502 : vector<16xf32> to vector<1x16xf32>
          tpu.vector_store %arg10[%swap3A_503, %swap3A_504], %swap3A_507 {strides = array<i32>} : memref<80x256xf32, #tpu.memory_space<vmem>>, vector<1x16xf32>,
          %get3A_508 = arith.index_cast %scan3A_327 : i32 to index
          %get3A_509 = arith.constant 208 : index
          %get3A_510 = tpu.vector_load %arg10[%get3A_508, %get3A_509] {strides = array<i32>} : memref<80x256xf32, #tpu.memory_space<vmem>>, vector<1x16xf32>,
          %get3A_511 = vector.shape_cast %get3A_510 : vector<1x16xf32> to vector<16xf32>
          %get3A_512 = arith.index_cast %scan3A_327 : i32 to index
          %get3A_513 = arith.constant 208 : index
          %get3A_514 = tpu.vector_load %arg7[%get3A_512, %get3A_513] {strides = array<i32>} : memref<80x256xf32, #tpu.memory_space<vmem>>, vector<1x16xf32>,
          %get3A_515 = vector.shape_cast %get3A_514 : vector<1x16xf32> to vector<16xf32>
          %mul3A_516 = arith.mulf %get3A_511, %get3A_515 : vector<16xf32>
          %swap3A_517 = arith.index_cast %scan3A_327 : i32 to index
          %swap3A_518 = arith.constant 208 : index
          %swap3A_519 = tpu.vector_load %arg10[%swap3A_517, %swap3A_518] {strides = array<i32>} : memref<80x256xf32, #tpu.memory_space<vmem>>, vector<1x16xf32>,
          %swap3A_520 = vector.shape_cast %swap3A_519 : vector<1x16xf32> to vector<16xf32>
          %swap3A_521 = vector.shape_cast %mul3A_516 : vector<16xf32> to vector<1x16xf32>
          tpu.vector_store %arg10[%swap3A_517, %swap3A_518], %swap3A_521 {strides = array<i32>} : memref<80x256xf32, #tpu.memory_space<vmem>>, vector<1x16xf32>,
          %get3A_522 = arith.index_cast %scan3A_327 : i32 to index
          %get3A_523 = arith.constant 224 : index
          %get3A_524 = tpu.vector_load %arg10[%get3A_522, %get3A_523] {strides = array<i32>} : memref<80x256xf32, #tpu.memory_space<vmem>>, vector<1x16xf32>,
          %get3A_525 = vector.shape_cast %get3A_524 : vector<1x16xf32> to vector<16xf32>
          %get3A_526 = arith.index_cast %scan3A_327 : i32 to index
          %get3A_527 = arith.constant 224 : index
          %get3A_528 = tpu.vector_load %arg7[%get3A_526, %get3A_527] {strides = array<i32>} : memref<80x256xf32, #tpu.memory_space<vmem>>, vector<1x16xf32>,
          %get3A_529 = vector.shape_cast %get3A_528 : vector<1x16xf32> to vector<16xf32>
          %mul3A_530 = arith.mulf %get3A_525, %get3A_529 : vector<16xf32>
          %swap3A_531 = arith.index_cast %scan3A_327 : i32 to index
          %swap3A_532 = arith.constant 224 : index
          %swap3A_533 = tpu.vector_load %arg10[%swap3A_531, %swap3A_532] {strides = array<i32>} : memref<80x256xf32, #tpu.memory_space<vmem>>, vector<1x16xf32>,
          %swap3A_534 = vector.shape_cast %swap3A_533 : vector<1x16xf32> to vector<16xf32>
          %swap3A_535 = vector.shape_cast %mul3A_530 : vector<16xf32> to vector<1x16xf32>
          tpu.vector_store %arg10[%swap3A_531, %swap3A_532], %swap3A_535 {strides = array<i32>} : memref<80x256xf32, #tpu.memory_space<vmem>>, vector<1x16xf32>,
          %get3A_536 = arith.index_cast %scan3A_327 : i32 to index
          %get3A_537 = arith.constant 240 : index
          %get3A_538 = tpu.vector_load %arg10[%get3A_536, %get3A_537] {strides = array<i32>} : memref<80x256xf32, #tpu.memory_space<vmem>>, vector<1x16xf32>,
          %get3A_539 = vector.shape_cast %get3A_538 : vector<1x16xf32> to vector<16xf32>
          %get3A_540 = arith.index_cast %scan3A_327 : i32 to index
          %get3A_541 = arith.constant 240 : index
          %get3A_542 = tpu.vector_load %arg7[%get3A_540, %get3A_541] {strides = array<i32>} : memref<80x256xf32, #tpu.memory_space<vmem>>, vector<1x16xf32>,
          %get3A_543 = vector.shape_cast %get3A_542 : vector<1x16xf32> to vector<16xf32>
          %mul3A_544 = arith.mulf %get3A_539, %get3A_543 : vector<16xf32>
          %swap3A_545 = arith.index_cast %scan3A_327 : i32 to index
          %swap3A_546 = arith.constant 240 : index
          %swap3A_547 = tpu.vector_load %arg10[%swap3A_545, %swap3A_546] {strides = array<i32>} : memref<80x256xf32, #tpu.memory_space<vmem>>, vector<1x16xf32>,
          %swap3A_548 = vector.shape_cast %swap3A_547 : vector<1x16xf32> to vector<16xf32>
          %swap3A_549 = vector.shape_cast %mul3A_544 : vector<16xf32> to vector<1x16xf32>
          tpu.vector_store %arg10[%swap3A_545, %swap3A_546], %swap3A_549 {strides = array<i32>} : memref<80x256xf32, #tpu.memory_space<vmem>>, vector<1x16xf32>,
        }
        %scan3A_319 = arith.constant 80 : i32
        %add3A_320 = arith.addi %add3A_8, %add3A_264 : i32
        %mul3A_321 = arith.constant 80 : i32
        %mul3A_322 = arith.muli %add3A_320, %mul3A_321 : i32
        %dma_start3A_323 = arith.constant 0 : i32
        %dma_start3A_324 = tpu.memref_slice %arg5[%mul3A_322, %dma_start3A_323] : memref<100000x256xf32, #tpu.memory_space<hbm>> -> memref<80x256xf32, #tpu.memory_space<hbm>>
        %dma_start3A_325 = arith.constant 0 : i32
        %dma_start3A_326 = tpu.memref_slice %arg5[%mul3A_322, %dma_start3A_325] : memref<100000x256xf32, #tpu.memory_space<hbm>> -> memref<80x256xf32, #tpu.memory_space<hbm>>
        tpu.enqueue_dma source(%arg10 : memref<80x256xf32, #tpu.memory_space<vmem>>) target(%dma_start3A_326 : memref<80x256xf32, #tpu.memory_space<hbm>>) target_semaphore(%arg16 : memref<!tpu.dma_semaphore, #tpu.memory_space<semaphore_mem>>)
      } else {
      }
      %mul3A_275 = arith.constant 3 : i32
      %mul3A_276 = arith.muli %while3A_260, %mul3A_275 : i32
      %add3A_277 = arith.constant 1 : i32
      %add3A_278 = arith.addi %mul3A_276, %add3A_277 : i32
      %add3A_279 = arith.constant 1 : i32
      %add3A_280 = arith.addi %add3A_278, %add3A_279 : i32
      %lt3A_281 = arith.cmpi slt, %add3A_280, %add3A_4 : i32
      %convert_element_type3A_282 = arith.extui %lt3A_281 : i1 to i32
      %cond3A_283 = arith.constant 0 : i32
      %cond3A_284 = arith.cmpi ne, %convert_element_type3A_282, %cond3A_283 : i32
      scf.if %cond3A_284 {
        %ge3A = arith.constant 2 : i32
        %ge3A_303 = arith.cmpi sge, %add3A_278, %ge3A : i32
        %convert_element_type3A_304 = arith.extui %ge3A_303 : i1 to i32
        %cond3A_305 = arith.constant 0 : i32
        %cond3A_306 = arith.cmpi ne, %convert_element_type3A_304, %cond3A_305 : i32
        scf.if %cond3A_306 {
          %sub3A_322 = arith.constant 2 : i32
          %sub3A_323 = arith.subi %add3A_278, %sub3A_322 : i32
          %add3A_324 = arith.addi %add3A_8, %sub3A_323 : i32
          %mul3A_325 = arith.constant 80 : i32
          %mul3A_326 = arith.muli %add3A_324, %mul3A_325 : i32
          %dma_wait3A = arith.constant 0 : i32
          %dma_wait3A_327 = tpu.memref_slice %arg5[%mul3A_326, %dma_wait3A] : memref<100000x256xf32, #tpu.memory_space<hbm>> -> memref<80x256xf32, #tpu.memory_space<hbm>>
          %dma_wait3A_328 = arith.constant 0 : i32
          %dma_wait3A_329 = tpu.memref_slice %arg5[%mul3A_326, %dma_wait3A_328] : memref<100000x256xf32, #tpu.memory_space<hbm>> -> memref<80x256xf32, #tpu.memory_space<hbm>>
          tpu.wait_dma2 semaphore(%arg18 : memref<!tpu.dma_semaphore, #tpu.memory_space<semaphore_mem>>) src(%arg12 : memref<80x256xf32, #tpu.memory_space<vmem>>) dst(%dma_wait3A_329 : memref<80x256xf32, #tpu.memory_space<hbm>>)
        } else {
        }
        %add3A_307 = arith.constant 1 : i32
        %add3A_308 = arith.addi %add3A_278, %add3A_307 : i32
        %add3A_309 = arith.addi %add3A_8, %add3A_308 : i32
        %mul3A_310 = arith.constant 80 : i32
        %mul3A_311 = arith.muli %add3A_309, %mul3A_310 : i32
        %mul3A_312 = arith.constant 80 : i32
        %mul3A_313 = arith.muli %add3A_308, %mul3A_312 : i32
        %dma_start3A_314 = tpu.memref_slice %arg6[%mul3A_313] : memref<3200xi32, #tpu.memory_space<vmem>> -> memref<80xi32, #tpu.memory_space<vmem>>
        %dma_start3A_315 = arith.constant 0 : i32
        %dma_start3A_316 = arith.constant 0 : i32
        %dma_start3A_317 = tpu.memref_slice %arg4[%dma_start3A_315, %dma_start3A_316] : memref<119x256xf32, #tpu.memory_space<hbm>> -> memref<119x256xf32, #tpu.memory_space<hbm>>
        tpu.enqueue_indirect_dma source(%dma_start3A_317 : memref<119x256xf32, #tpu.memory_space<hbm>>) target(%arg9 : memref<80x256xf32, #tpu.memory_space<vmem>>) offsets(%dma_start3A_314 : memref<80xi32, #tpu.memory_space<vmem>>) semaphore(%arg15 : memref<!tpu.dma_semaphore, #tpu.memory_space<semaphore_mem>>)
        %dma_start3A_318 = arith.constant 0 : i32
        %dma_start3A_319 = tpu.memref_slice %arg2[%mul3A_311, %dma_start3A_318] : memref<100000x256xf32, #tpu.memory_space<hbm>> -> memref<80x256xf32, #tpu.memory_space<hbm>>
        %dma_start3A_320 = arith.constant 0 : i32
        %dma_start3A_321 = tpu.memref_slice %arg2[%mul3A_311, %dma_start3A_320] : memref<100000x256xf32, #tpu.memory_space<hbm>> -> memref<80x256xf32, #tpu.memory_space<hbm>>
        tpu.enqueue_dma source(%dma_start3A_321 : memref<80x256xf32, #tpu.memory_space<hbm>>) target(%arg12 : memref<80x256xf32, #tpu.memory_space<vmem>>) target_semaphore(%arg15 : memref<!tpu.dma_semaphore, #tpu.memory_space<semaphore_mem>>)
      } else {
      }
      %lt3A_285 = arith.cmpi slt, %add3A_278, %add3A_4 : i32
      %convert_element_type3A_286 = arith.extui %lt3A_285 : i1 to i32
      %cond3A_287 = arith.constant 0 : i32
      %cond3A_288 = arith.cmpi ne, %convert_element_type3A_286, %cond3A_287 : i32
      scf.if %cond3A_288 {
        %add3A_303 = arith.addi %add3A_8, %add3A_278 : i32
        %mul3A_304 = arith.constant 80 : i32
        %mul3A_305 = arith.muli %add3A_303, %mul3A_304 : i32
        %mul3A_306 = arith.constant 80 : i32
        %mul3A_307 = arith.muli %add3A_278, %mul3A_306 : i32
        %dma_wait3A = tpu.memref_slice %arg6[%mul3A_307] : memref<3200xi32, #tpu.memory_space<vmem>> -> memref<80xi32, #tpu.memory_space<vmem>>
        %dma_wait3A_308 = arith.constant 0 : i32
        %dma_wait3A_309 = arith.constant 0 : i32
        %dma_wait3A_310 = tpu.memref_slice %arg4[%dma_wait3A_308, %dma_wait3A_309] : memref<119x256xf32, #tpu.memory_space<hbm>> -> memref<119x256xf32, #tpu.memory_space<hbm>>
        tpu.wait_indirect_dma semaphore(%arg14 : memref<!tpu.dma_semaphore, #tpu.memory_space<semaphore_mem>>) src(%dma_wait3A_310 : memref<119x256xf32, #tpu.memory_space<hbm>>) dst(%arg8 : memref<80x256xf32, #tpu.memory_space<vmem>>)
        %dma_wait3A_311 = arith.constant 0 : i32
        %dma_wait3A_312 = tpu.memref_slice %arg2[%mul3A_305, %dma_wait3A_311] : memref<100000x256xf32, #tpu.memory_space<hbm>> -> memref<80x256xf32, #tpu.memory_space<hbm>>
        %dma_wait3A_313 = arith.constant 0 : i32
        %dma_wait3A_314 = tpu.memref_slice %arg2[%mul3A_305, %dma_wait3A_313] : memref<100000x256xf32, #tpu.memory_space<hbm>> -> memref<80x256xf32, #tpu.memory_space<hbm>>
        tpu.wait_dma2 semaphore(%arg14 : memref<!tpu.dma_semaphore, #tpu.memory_space<semaphore_mem>>) src(%dma_wait3A_314 : memref<80x256xf32, #tpu.memory_space<hbm>>) dst(%arg11 : memref<80x256xf32, #tpu.memory_space<vmem>>)
        %scan3A = arith.constant 0 : i32
        %scan3A_315 = arith.constant 0 : i32
        %scan3A_316 = arith.constant 80 : i32
        %scan3A_317 = arith.addi %scan3A_315, %scan3A_316 : i32
        %scan3A_318 = arith.constant 1 : i32
        scf.for %scan3A_327 = %scan3A_315 to %scan3A_317 step %scan3A_318  : i32 {
          %get3A = arith.index_cast %scan3A_327 : i32 to index
          %get3A_328 = arith.constant 0 : index
          %get3A_329 = tpu.vector_load %arg11[%get3A, %get3A_328] {strides = array<i32>} : memref<80x256xf32, #tpu.memory_space<vmem>>, vector<1x16xf32>,
          %get3A_330 = vector.shape_cast %get3A_329 : vector<1x16xf32> to vector<16xf32>
          %get3A_331 = arith.index_cast %scan3A_327 : i32 to index
          %get3A_332 = arith.constant 0 : index
          %get3A_333 = tpu.vector_load %arg8[%get3A_331, %get3A_332] {strides = array<i32>} : memref<80x256xf32, #tpu.memory_space<vmem>>, vector<1x16xf32>,
          %get3A_334 = vector.shape_cast %get3A_333 : vector<1x16xf32> to vector<16xf32>
          %mul3A_335 = arith.mulf %get3A_330, %get3A_334 : vector<16xf32>
          %swap3A = arith.index_cast %scan3A_327 : i32 to index
          %swap3A_336 = arith.constant 0 : index
          %swap3A_337 = tpu.vector_load %arg11[%swap3A, %swap3A_336] {strides = array<i32>} : memref<80x256xf32, #tpu.memory_space<vmem>>, vector<1x16xf32>,
          %swap3A_338 = vector.shape_cast %swap3A_337 : vector<1x16xf32> to vector<16xf32>
          %swap3A_339 = vector.shape_cast %mul3A_335 : vector<16xf32> to vector<1x16xf32>
          tpu.vector_store %arg11[%swap3A, %swap3A_336], %swap3A_339 {strides = array<i32>} : memref<80x256xf32, #tpu.memory_space<vmem>>, vector<1x16xf32>,
          %get3A_340 = arith.index_cast %scan3A_327 : i32 to index
          %get3A_341 = arith.constant 16 : index
          %get3A_342 = tpu.vector_load %arg11[%get3A_340, %get3A_341] {strides = array<i32>} : memref<80x256xf32, #tpu.memory_space<vmem>>, vector<1x16xf32>,
          %get3A_343 = vector.shape_cast %get3A_342 : vector<1x16xf32> to vector<16xf32>
          %get3A_344 = arith.index_cast %scan3A_327 : i32 to index
          %get3A_345 = arith.constant 16 : index
          %get3A_346 = tpu.vector_load %arg8[%get3A_344, %get3A_345] {strides = array<i32>} : memref<80x256xf32, #tpu.memory_space<vmem>>, vector<1x16xf32>,
          %get3A_347 = vector.shape_cast %get3A_346 : vector<1x16xf32> to vector<16xf32>
          %mul3A_348 = arith.mulf %get3A_343, %get3A_347 : vector<16xf32>
          %swap3A_349 = arith.index_cast %scan3A_327 : i32 to index
          %swap3A_350 = arith.constant 16 : index
          %swap3A_351 = tpu.vector_load %arg11[%swap3A_349, %swap3A_350] {strides = array<i32>} : memref<80x256xf32, #tpu.memory_space<vmem>>, vector<1x16xf32>,
          %swap3A_352 = vector.shape_cast %swap3A_351 : vector<1x16xf32> to vector<16xf32>
          %swap3A_353 = vector.shape_cast %mul3A_348 : vector<16xf32> to vector<1x16xf32>
          tpu.vector_store %arg11[%swap3A_349, %swap3A_350], %swap3A_353 {strides = array<i32>} : memref<80x256xf32, #tpu.memory_space<vmem>>, vector<1x16xf32>,
          %get3A_354 = arith.index_cast %scan3A_327 : i32 to index
          %get3A_355 = arith.constant 32 : index
          %get3A_356 = tpu.vector_load %arg11[%get3A_354, %get3A_355] {strides = array<i32>} : memref<80x256xf32, #tpu.memory_space<vmem>>, vector<1x16xf32>,
          %get3A_357 = vector.shape_cast %get3A_356 : vector<1x16xf32> to vector<16xf32>
          %get3A_358 = arith.index_cast %scan3A_327 : i32 to index
          %get3A_359 = arith.constant 32 : index
          %get3A_360 = tpu.vector_load %arg8[%get3A_358, %get3A_359] {strides = array<i32>} : memref<80x256xf32, #tpu.memory_space<vmem>>, vector<1x16xf32>,
          %get3A_361 = vector.shape_cast %get3A_360 : vector<1x16xf32> to vector<16xf32>
          %mul3A_362 = arith.mulf %get3A_357, %get3A_361 : vector<16xf32>
          %swap3A_363 = arith.index_cast %scan3A_327 : i32 to index
          %swap3A_364 = arith.constant 32 : index
          %swap3A_365 = tpu.vector_load %arg11[%swap3A_363, %swap3A_364] {strides = array<i32>} : memref<80x256xf32, #tpu.memory_space<vmem>>, vector<1x16xf32>,
          %swap3A_366 = vector.shape_cast %swap3A_365 : vector<1x16xf32> to vector<16xf32>
          %swap3A_367 = vector.shape_cast %mul3A_362 : vector<16xf32> to vector<1x16xf32>
          tpu.vector_store %arg11[%swap3A_363, %swap3A_364], %swap3A_367 {strides = array<i32>} : memref<80x256xf32, #tpu.memory_space<vmem>>, vector<1x16xf32>,
          %get3A_368 = arith.index_cast %scan3A_327 : i32 to index
          %get3A_369 = arith.constant 48 : index
          %get3A_370 = tpu.vector_load %arg11[%get3A_368, %get3A_369] {strides = array<i32>} : memref<80x256xf32, #tpu.memory_space<vmem>>, vector<1x16xf32>,
          %get3A_371 = vector.shape_cast %get3A_370 : vector<1x16xf32> to vector<16xf32>
          %get3A_372 = arith.index_cast %scan3A_327 : i32 to index
          %get3A_373 = arith.constant 48 : index
          %get3A_374 = tpu.vector_load %arg8[%get3A_372, %get3A_373] {strides = array<i32>} : memref<80x256xf32, #tpu.memory_space<vmem>>, vector<1x16xf32>,
          %get3A_375 = vector.shape_cast %get3A_374 : vector<1x16xf32> to vector<16xf32>
          %mul3A_376 = arith.mulf %get3A_371, %get3A_375 : vector<16xf32>
          %swap3A_377 = arith.index_cast %scan3A_327 : i32 to index
          %swap3A_378 = arith.constant 48 : index
          %swap3A_379 = tpu.vector_load %arg11[%swap3A_377, %swap3A_378] {strides = array<i32>} : memref<80x256xf32, #tpu.memory_space<vmem>>, vector<1x16xf32>,
          %swap3A_380 = vector.shape_cast %swap3A_379 : vector<1x16xf32> to vector<16xf32>
          %swap3A_381 = vector.shape_cast %mul3A_376 : vector<16xf32> to vector<1x16xf32>
          tpu.vector_store %arg11[%swap3A_377, %swap3A_378], %swap3A_381 {strides = array<i32>} : memref<80x256xf32, #tpu.memory_space<vmem>>, vector<1x16xf32>,
          %get3A_382 = arith.index_cast %scan3A_327 : i32 to index
          %get3A_383 = arith.constant 64 : index
          %get3A_384 = tpu.vector_load %arg11[%get3A_382, %get3A_383] {strides = array<i32>} : memref<80x256xf32, #tpu.memory_space<vmem>>, vector<1x16xf32>,
          %get3A_385 = vector.shape_cast %get3A_384 : vector<1x16xf32> to vector<16xf32>
          %get3A_386 = arith.index_cast %scan3A_327 : i32 to index
          %get3A_387 = arith.constant 64 : index
          %get3A_388 = tpu.vector_load %arg8[%get3A_386, %get3A_387] {strides = array<i32>} : memref<80x256xf32, #tpu.memory_space<vmem>>, vector<1x16xf32>,
          %get3A_389 = vector.shape_cast %get3A_388 : vector<1x16xf32> to vector<16xf32>
          %mul3A_390 = arith.mulf %get3A_385, %get3A_389 : vector<16xf32>
          %swap3A_391 = arith.index_cast %scan3A_327 : i32 to index
          %swap3A_392 = arith.constant 64 : index
          %swap3A_393 = tpu.vector_load %arg11[%swap3A_391, %swap3A_392] {strides = array<i32>} : memref<80x256xf32, #tpu.memory_space<vmem>>, vector<1x16xf32>,
          %swap3A_394 = vector.shape_cast %swap3A_393 : vector<1x16xf32> to vector<16xf32>
          %swap3A_395 = vector.shape_cast %mul3A_390 : vector<16xf32> to vector<1x16xf32>
          tpu.vector_store %arg11[%swap3A_391, %swap3A_392], %swap3A_395 {strides = array<i32>} : memref<80x256xf32, #tpu.memory_space<vmem>>, vector<1x16xf32>,
          %get3A_396 = arith.index_cast %scan3A_327 : i32 to index
          %get3A_397 = arith.constant 80 : index
          %get3A_398 = tpu.vector_load %arg11[%get3A_396, %get3A_397] {strides = array<i32>} : memref<80x256xf32, #tpu.memory_space<vmem>>, vector<1x16xf32>,
          %get3A_399 = vector.shape_cast %get3A_398 : vector<1x16xf32> to vector<16xf32>
          %get3A_400 = arith.index_cast %scan3A_327 : i32 to index
          %get3A_401 = arith.constant 80 : index
          %get3A_402 = tpu.vector_load %arg8[%get3A_400, %get3A_401] {strides = array<i32>} : memref<80x256xf32, #tpu.memory_space<vmem>>, vector<1x16xf32>,
          %get3A_403 = vector.shape_cast %get3A_402 : vector<1x16xf32> to vector<16xf32>
          %mul3A_404 = arith.mulf %get3A_399, %get3A_403 : vector<16xf32>
          %swap3A_405 = arith.index_cast %scan3A_327 : i32 to index
          %swap3A_406 = arith.constant 80 : index
          %swap3A_407 = tpu.vector_load %arg11[%swap3A_405, %swap3A_406] {strides = array<i32>} : memref<80x256xf32, #tpu.memory_space<vmem>>, vector<1x16xf32>,
          %swap3A_408 = vector.shape_cast %swap3A_407 : vector<1x16xf32> to vector<16xf32>
          %swap3A_409 = vector.shape_cast %mul3A_404 : vector<16xf32> to vector<1x16xf32>
          tpu.vector_store %arg11[%swap3A_405, %swap3A_406], %swap3A_409 {strides = array<i32>} : memref<80x256xf32, #tpu.memory_space<vmem>>, vector<1x16xf32>,
          %get3A_410 = arith.index_cast %scan3A_327 : i32 to index
          %get3A_411 = arith.constant 96 : index
          %get3A_412 = tpu.vector_load %arg11[%get3A_410, %get3A_411] {strides = array<i32>} : memref<80x256xf32, #tpu.memory_space<vmem>>, vector<1x16xf32>,
          %get3A_413 = vector.shape_cast %get3A_412 : vector<1x16xf32> to vector<16xf32>
          %get3A_414 = arith.index_cast %scan3A_327 : i32 to index
          %get3A_415 = arith.constant 96 : index
          %get3A_416 = tpu.vector_load %arg8[%get3A_414, %get3A_415] {strides = array<i32>} : memref<80x256xf32, #tpu.memory_space<vmem>>, vector<1x16xf32>,
          %get3A_417 = vector.shape_cast %get3A_416 : vector<1x16xf32> to vector<16xf32>
          %mul3A_418 = arith.mulf %get3A_413, %get3A_417 : vector<16xf32>
          %swap3A_419 = arith.index_cast %scan3A_327 : i32 to index
          %swap3A_420 = arith.constant 96 : index
          %swap3A_421 = tpu.vector_load %arg11[%swap3A_419, %swap3A_420] {strides = array<i32>} : memref<80x256xf32, #tpu.memory_space<vmem>>, vector<1x16xf32>,
          %swap3A_422 = vector.shape_cast %swap3A_421 : vector<1x16xf32> to vector<16xf32>
          %swap3A_423 = vector.shape_cast %mul3A_418 : vector<16xf32> to vector<1x16xf32>
          tpu.vector_store %arg11[%swap3A_419, %swap3A_420], %swap3A_423 {strides = array<i32>} : memref<80x256xf32, #tpu.memory_space<vmem>>, vector<1x16xf32>,
          %get3A_424 = arith.index_cast %scan3A_327 : i32 to index
          %get3A_425 = arith.constant 112 : index
          %get3A_426 = tpu.vector_load %arg11[%get3A_424, %get3A_425] {strides = array<i32>} : memref<80x256xf32, #tpu.memory_space<vmem>>, vector<1x16xf32>,
          %get3A_427 = vector.shape_cast %get3A_426 : vector<1x16xf32> to vector<16xf32>
          %get3A_428 = arith.index_cast %scan3A_327 : i32 to index
          %get3A_429 = arith.constant 112 : index
          %get3A_430 = tpu.vector_load %arg8[%get3A_428, %get3A_429] {strides = array<i32>} : memref<80x256xf32, #tpu.memory_space<vmem>>, vector<1x16xf32>,
          %get3A_431 = vector.shape_cast %get3A_430 : vector<1x16xf32> to vector<16xf32>
          %mul3A_432 = arith.mulf %get3A_427, %get3A_431 : vector<16xf32>
          %swap3A_433 = arith.index_cast %scan3A_327 : i32 to index
          %swap3A_434 = arith.constant 112 : index
          %swap3A_435 = tpu.vector_load %arg11[%swap3A_433, %swap3A_434] {strides = array<i32>} : memref<80x256xf32, #tpu.memory_space<vmem>>, vector<1x16xf32>,
          %swap3A_436 = vector.shape_cast %swap3A_435 : vector<1x16xf32> to vector<16xf32>
          %swap3A_437 = vector.shape_cast %mul3A_432 : vector<16xf32> to vector<1x16xf32>
          tpu.vector_store %arg11[%swap3A_433, %swap3A_434], %swap3A_437 {strides = array<i32>} : memref<80x256xf32, #tpu.memory_space<vmem>>, vector<1x16xf32>,
          %get3A_438 = arith.index_cast %scan3A_327 : i32 to index
          %get3A_439 = arith.constant 128 : index
          %get3A_440 = tpu.vector_load %arg11[%get3A_438, %get3A_439] {strides = array<i32>} : memref<80x256xf32, #tpu.memory_space<vmem>>, vector<1x16xf32>,
          %get3A_441 = vector.shape_cast %get3A_440 : vector<1x16xf32> to vector<16xf32>
          %get3A_442 = arith.index_cast %scan3A_327 : i32 to index
          %get3A_443 = arith.constant 128 : index
          %get3A_444 = tpu.vector_load %arg8[%get3A_442, %get3A_443] {strides = array<i32>} : memref<80x256xf32, #tpu.memory_space<vmem>>, vector<1x16xf32>,
          %get3A_445 = vector.shape_cast %get3A_444 : vector<1x16xf32> to vector<16xf32>
          %mul3A_446 = arith.mulf %get3A_441, %get3A_445 : vector<16xf32>
          %swap3A_447 = arith.index_cast %scan3A_327 : i32 to index
          %swap3A_448 = arith.constant 128 : index
          %swap3A_449 = tpu.vector_load %arg11[%swap3A_447, %swap3A_448] {strides = array<i32>} : memref<80x256xf32, #tpu.memory_space<vmem>>, vector<1x16xf32>,
          %swap3A_450 = vector.shape_cast %swap3A_449 : vector<1x16xf32> to vector<16xf32>
          %swap3A_451 = vector.shape_cast %mul3A_446 : vector<16xf32> to vector<1x16xf32>
          tpu.vector_store %arg11[%swap3A_447, %swap3A_448], %swap3A_451 {strides = array<i32>} : memref<80x256xf32, #tpu.memory_space<vmem>>, vector<1x16xf32>,
          %get3A_452 = arith.index_cast %scan3A_327 : i32 to index
          %get3A_453 = arith.constant 144 : index
          %get3A_454 = tpu.vector_load %arg11[%get3A_452, %get3A_453] {strides = array<i32>} : memref<80x256xf32, #tpu.memory_space<vmem>>, vector<1x16xf32>,
          %get3A_455 = vector.shape_cast %get3A_454 : vector<1x16xf32> to vector<16xf32>
          %get3A_456 = arith.index_cast %scan3A_327 : i32 to index
          %get3A_457 = arith.constant 144 : index
          %get3A_458 = tpu.vector_load %arg8[%get3A_456, %get3A_457] {strides = array<i32>} : memref<80x256xf32, #tpu.memory_space<vmem>>, vector<1x16xf32>,
          %get3A_459 = vector.shape_cast %get3A_458 : vector<1x16xf32> to vector<16xf32>
          %mul3A_460 = arith.mulf %get3A_455, %get3A_459 : vector<16xf32>
          %swap3A_461 = arith.index_cast %scan3A_327 : i32 to index
          %swap3A_462 = arith.constant 144 : index
          %swap3A_463 = tpu.vector_load %arg11[%swap3A_461, %swap3A_462] {strides = array<i32>} : memref<80x256xf32, #tpu.memory_space<vmem>>, vector<1x16xf32>,
          %swap3A_464 = vector.shape_cast %swap3A_463 : vector<1x16xf32> to vector<16xf32>
          %swap3A_465 = vector.shape_cast %mul3A_460 : vector<16xf32> to vector<1x16xf32>
          tpu.vector_store %arg11[%swap3A_461, %swap3A_462], %swap3A_465 {strides = array<i32>} : memref<80x256xf32, #tpu.memory_space<vmem>>, vector<1x16xf32>,
          %get3A_466 = arith.index_cast %scan3A_327 : i32 to index
          %get3A_467 = arith.constant 160 : index
          %get3A_468 = tpu.vector_load %arg11[%get3A_466, %get3A_467] {strides = array<i32>} : memref<80x256xf32, #tpu.memory_space<vmem>>, vector<1x16xf32>,
          %get3A_469 = vector.shape_cast %get3A_468 : vector<1x16xf32> to vector<16xf32>
          %get3A_470 = arith.index_cast %scan3A_327 : i32 to index
          %get3A_471 = arith.constant 160 : index
          %get3A_472 = tpu.vector_load %arg8[%get3A_470, %get3A_471] {strides = array<i32>} : memref<80x256xf32, #tpu.memory_space<vmem>>, vector<1x16xf32>,
          %get3A_473 = vector.shape_cast %get3A_472 : vector<1x16xf32> to vector<16xf32>
          %mul3A_474 = arith.mulf %get3A_469, %get3A_473 : vector<16xf32>
          %swap3A_475 = arith.index_cast %scan3A_327 : i32 to index
          %swap3A_476 = arith.constant 160 : index
          %swap3A_477 = tpu.vector_load %arg11[%swap3A_475, %swap3A_476] {strides = array<i32>} : memref<80x256xf32, #tpu.memory_space<vmem>>, vector<1x16xf32>,
          %swap3A_478 = vector.shape_cast %swap3A_477 : vector<1x16xf32> to vector<16xf32>
          %swap3A_479 = vector.shape_cast %mul3A_474 : vector<16xf32> to vector<1x16xf32>
          tpu.vector_store %arg11[%swap3A_475, %swap3A_476], %swap3A_479 {strides = array<i32>} : memref<80x256xf32, #tpu.memory_space<vmem>>, vector<1x16xf32>,
          %get3A_480 = arith.index_cast %scan3A_327 : i32 to index
          %get3A_481 = arith.constant 176 : index
          %get3A_482 = tpu.vector_load %arg11[%get3A_480, %get3A_481] {strides = array<i32>} : memref<80x256xf32, #tpu.memory_space<vmem>>, vector<1x16xf32>,
          %get3A_483 = vector.shape_cast %get3A_482 : vector<1x16xf32> to vector<16xf32>
          %get3A_484 = arith.index_cast %scan3A_327 : i32 to index
          %get3A_485 = arith.constant 176 : index
          %get3A_486 = tpu.vector_load %arg8[%get3A_484, %get3A_485] {strides = array<i32>} : memref<80x256xf32, #tpu.memory_space<vmem>>, vector<1x16xf32>,
          %get3A_487 = vector.shape_cast %get3A_486 : vector<1x16xf32> to vector<16xf32>
          %mul3A_488 = arith.mulf %get3A_483, %get3A_487 : vector<16xf32>
          %swap3A_489 = arith.index_cast %scan3A_327 : i32 to index
          %swap3A_490 = arith.constant 176 : index
          %swap3A_491 = tpu.vector_load %arg11[%swap3A_489, %swap3A_490] {strides = array<i32>} : memref<80x256xf32, #tpu.memory_space<vmem>>, vector<1x16xf32>,
          %swap3A_492 = vector.shape_cast %swap3A_491 : vector<1x16xf32> to vector<16xf32>
          %swap3A_493 = vector.shape_cast %mul3A_488 : vector<16xf32> to vector<1x16xf32>
          tpu.vector_store %arg11[%swap3A_489, %swap3A_490], %swap3A_493 {strides = array<i32>} : memref<80x256xf32, #tpu.memory_space<vmem>>, vector<1x16xf32>,
          %get3A_494 = arith.index_cast %scan3A_327 : i32 to index
          %get3A_495 = arith.constant 192 : index
          %get3A_496 = tpu.vector_load %arg11[%get3A_494, %get3A_495] {strides = array<i32>} : memref<80x256xf32, #tpu.memory_space<vmem>>, vector<1x16xf32>,
          %get3A_497 = vector.shape_cast %get3A_496 : vector<1x16xf32> to vector<16xf32>
          %get3A_498 = arith.index_cast %scan3A_327 : i32 to index
          %get3A_499 = arith.constant 192 : index
          %get3A_500 = tpu.vector_load %arg8[%get3A_498, %get3A_499] {strides = array<i32>} : memref<80x256xf32, #tpu.memory_space<vmem>>, vector<1x16xf32>,
          %get3A_501 = vector.shape_cast %get3A_500 : vector<1x16xf32> to vector<16xf32>
          %mul3A_502 = arith.mulf %get3A_497, %get3A_501 : vector<16xf32>
          %swap3A_503 = arith.index_cast %scan3A_327 : i32 to index
          %swap3A_504 = arith.constant 192 : index
          %swap3A_505 = tpu.vector_load %arg11[%swap3A_503, %swap3A_504] {strides = array<i32>} : memref<80x256xf32, #tpu.memory_space<vmem>>, vector<1x16xf32>,
          %swap3A_506 = vector.shape_cast %swap3A_505 : vector<1x16xf32> to vector<16xf32>
          %swap3A_507 = vector.shape_cast %mul3A_502 : vector<16xf32> to vector<1x16xf32>
          tpu.vector_store %arg11[%swap3A_503, %swap3A_504], %swap3A_507 {strides = array<i32>} : memref<80x256xf32, #tpu.memory_space<vmem>>, vector<1x16xf32>,
          %get3A_508 = arith.index_cast %scan3A_327 : i32 to index
          %get3A_509 = arith.constant 208 : index
          %get3A_510 = tpu.vector_load %arg11[%get3A_508, %get3A_509] {strides = array<i32>} : memref<80x256xf32, #tpu.memory_space<vmem>>, vector<1x16xf32>,
          %get3A_511 = vector.shape_cast %get3A_510 : vector<1x16xf32> to vector<16xf32>
          %get3A_512 = arith.index_cast %scan3A_327 : i32 to index
          %get3A_513 = arith.constant 208 : index
          %get3A_514 = tpu.vector_load %arg8[%get3A_512, %get3A_513] {strides = array<i32>} : memref<80x256xf32, #tpu.memory_space<vmem>>, vector<1x16xf32>,
          %get3A_515 = vector.shape_cast %get3A_514 : vector<1x16xf32> to vector<16xf32>
          %mul3A_516 = arith.mulf %get3A_511, %get3A_515 : vector<16xf32>
          %swap3A_517 = arith.index_cast %scan3A_327 : i32 to index
          %swap3A_518 = arith.constant 208 : index
          %swap3A_519 = tpu.vector_load %arg11[%swap3A_517, %swap3A_518] {strides = array<i32>} : memref<80x256xf32, #tpu.memory_space<vmem>>, vector<1x16xf32>,
          %swap3A_520 = vector.shape_cast %swap3A_519 : vector<1x16xf32> to vector<16xf32>
          %swap3A_521 = vector.shape_cast %mul3A_516 : vector<16xf32> to vector<1x16xf32>
          tpu.vector_store %arg11[%swap3A_517, %swap3A_518], %swap3A_521 {strides = array<i32>} : memref<80x256xf32, #tpu.memory_space<vmem>>, vector<1x16xf32>,
          %get3A_522 = arith.index_cast %scan3A_327 : i32 to index
          %get3A_523 = arith.constant 224 : index
          %get3A_524 = tpu.vector_load %arg11[%get3A_522, %get3A_523] {strides = array<i32>} : memref<80x256xf32, #tpu.memory_space<vmem>>, vector<1x16xf32>,
          %get3A_525 = vector.shape_cast %get3A_524 : vector<1x16xf32> to vector<16xf32>
          %get3A_526 = arith.index_cast %scan3A_327 : i32 to index
          %get3A_527 = arith.constant 224 : index
          %get3A_528 = tpu.vector_load %arg8[%get3A_526, %get3A_527] {strides = array<i32>} : memref<80x256xf32, #tpu.memory_space<vmem>>, vector<1x16xf32>,
          %get3A_529 = vector.shape_cast %get3A_528 : vector<1x16xf32> to vector<16xf32>
          %mul3A_530 = arith.mulf %get3A_525, %get3A_529 : vector<16xf32>
          %swap3A_531 = arith.index_cast %scan3A_327 : i32 to index
          %swap3A_532 = arith.constant 224 : index
          %swap3A_533 = tpu.vector_load %arg11[%swap3A_531, %swap3A_532] {strides = array<i32>} : memref<80x256xf32, #tpu.memory_space<vmem>>, vector<1x16xf32>,
          %swap3A_534 = vector.shape_cast %swap3A_533 : vector<1x16xf32> to vector<16xf32>
          %swap3A_535 = vector.shape_cast %mul3A_530 : vector<16xf32> to vector<1x16xf32>
          tpu.vector_store %arg11[%swap3A_531, %swap3A_532], %swap3A_535 {strides = array<i32>} : memref<80x256xf32, #tpu.memory_space<vmem>>, vector<1x16xf32>,
          %get3A_536 = arith.index_cast %scan3A_327 : i32 to index
          %get3A_537 = arith.constant 240 : index
          %get3A_538 = tpu.vector_load %arg11[%get3A_536, %get3A_537] {strides = array<i32>} : memref<80x256xf32, #tpu.memory_space<vmem>>, vector<1x16xf32>,
          %get3A_539 = vector.shape_cast %get3A_538 : vector<1x16xf32> to vector<16xf32>
          %get3A_540 = arith.index_cast %scan3A_327 : i32 to index
          %get3A_541 = arith.constant 240 : index
          %get3A_542 = tpu.vector_load %arg8[%get3A_540, %get3A_541] {strides = array<i32>} : memref<80x256xf32, #tpu.memory_space<vmem>>, vector<1x16xf32>,
          %get3A_543 = vector.shape_cast %get3A_542 : vector<1x16xf32> to vector<16xf32>
          %mul3A_544 = arith.mulf %get3A_539, %get3A_543 : vector<16xf32>
          %swap3A_545 = arith.index_cast %scan3A_327 : i32 to index
          %swap3A_546 = arith.constant 240 : index
          %swap3A_547 = tpu.vector_load %arg11[%swap3A_545, %swap3A_546] {strides = array<i32>} : memref<80x256xf32, #tpu.memory_space<vmem>>, vector<1x16xf32>,
          %swap3A_548 = vector.shape_cast %swap3A_547 : vector<1x16xf32> to vector<16xf32>
          %swap3A_549 = vector.shape_cast %mul3A_544 : vector<16xf32> to vector<1x16xf32>
          tpu.vector_store %arg11[%swap3A_545, %swap3A_546], %swap3A_549 {strides = array<i32>} : memref<80x256xf32, #tpu.memory_space<vmem>>, vector<1x16xf32>,
        }
        %scan3A_319 = arith.constant 80 : i32
        %add3A_320 = arith.addi %add3A_8, %add3A_278 : i32
        %mul3A_321 = arith.constant 80 : i32
        %mul3A_322 = arith.muli %add3A_320, %mul3A_321 : i32
        %dma_start3A_323 = arith.constant 0 : i32
        %dma_start3A_324 = tpu.memref_slice %arg5[%mul3A_322, %dma_start3A_323] : memref<100000x256xf32, #tpu.memory_space<hbm>> -> memref<80x256xf32, #tpu.memory_space<hbm>>
        %dma_start3A_325 = arith.constant 0 : i32
        %dma_start3A_326 = tpu.memref_slice %arg5[%mul3A_322, %dma_start3A_325] : memref<100000x256xf32, #tpu.memory_space<hbm>> -> memref<80x256xf32, #tpu.memory_space<hbm>>
        tpu.enqueue_dma source(%arg11 : memref<80x256xf32, #tpu.memory_space<vmem>>) target(%dma_start3A_326 : memref<80x256xf32, #tpu.memory_space<hbm>>) target_semaphore(%arg17 : memref<!tpu.dma_semaphore, #tpu.memory_space<semaphore_mem>>)
      } else {
      }
      %mul3A_289 = arith.constant 3 : i32
      %mul3A_290 = arith.muli %while3A_260, %mul3A_289 : i32
      %add3A_291 = arith.constant 2 : i32
      %add3A_292 = arith.addi %mul3A_290, %add3A_291 : i32
      %add3A_293 = arith.constant 1 : i32
      %add3A_294 = arith.addi %add3A_292, %add3A_293 : i32
      %lt3A_295 = arith.cmpi slt, %add3A_294, %add3A_4 : i32
      %convert_element_type3A_296 = arith.extui %lt3A_295 : i1 to i32
      %cond3A_297 = arith.constant 0 : i32
      %cond3A_298 = arith.cmpi ne, %convert_element_type3A_296, %cond3A_297 : i32
      scf.if %cond3A_298 {
        %ge3A = arith.constant 2 : i32
        %ge3A_303 = arith.cmpi sge, %add3A_292, %ge3A : i32
        %convert_element_type3A_304 = arith.extui %ge3A_303 : i1 to i32
        %cond3A_305 = arith.constant 0 : i32
        %cond3A_306 = arith.cmpi ne, %convert_element_type3A_304, %cond3A_305 : i32
        scf.if %cond3A_306 {
          %sub3A_322 = arith.constant 2 : i32
          %sub3A_323 = arith.subi %add3A_292, %sub3A_322 : i32
          %add3A_324 = arith.addi %add3A_8, %sub3A_323 : i32
          %mul3A_325 = arith.constant 80 : i32
          %mul3A_326 = arith.muli %add3A_324, %mul3A_325 : i32
          %dma_wait3A = arith.constant 0 : i32
          %dma_wait3A_327 = tpu.memref_slice %arg5[%mul3A_326, %dma_wait3A] : memref<100000x256xf32, #tpu.memory_space<hbm>> -> memref<80x256xf32, #tpu.memory_space<hbm>>
          %dma_wait3A_328 = arith.constant 0 : i32
          %dma_wait3A_329 = tpu.memref_slice %arg5[%mul3A_326, %dma_wait3A_328] : memref<100000x256xf32, #tpu.memory_space<hbm>> -> memref<80x256xf32, #tpu.memory_space<hbm>>
          tpu.wait_dma2 semaphore(%arg16 : memref<!tpu.dma_semaphore, #tpu.memory_space<semaphore_mem>>) src(%arg10 : memref<80x256xf32, #tpu.memory_space<vmem>>) dst(%dma_wait3A_329 : memref<80x256xf32, #tpu.memory_space<hbm>>)
        } else {
        }
        %add3A_307 = arith.constant 1 : i32
        %add3A_308 = arith.addi %add3A_292, %add3A_307 : i32
        %add3A_309 = arith.addi %add3A_8, %add3A_308 : i32
        %mul3A_310 = arith.constant 80 : i32
        %mul3A_311 = arith.muli %add3A_309, %mul3A_310 : i32
        %mul3A_312 = arith.constant 80 : i32
        %mul3A_313 = arith.muli %add3A_308, %mul3A_312 : i32
        %dma_start3A_314 = tpu.memref_slice %arg6[%mul3A_313] : memref<3200xi32, #tpu.memory_space<vmem>> -> memref<80xi32, #tpu.memory_space<vmem>>
        %dma_start3A_315 = arith.constant 0 : i32
        %dma_start3A_316 = arith.constant 0 : i32
        %dma_start3A_317 = tpu.memref_slice %arg4[%dma_start3A_315, %dma_start3A_316] : memref<119x256xf32, #tpu.memory_space<hbm>> -> memref<119x256xf32, #tpu.memory_space<hbm>>
        tpu.enqueue_indirect_dma source(%dma_start3A_317 : memref<119x256xf32, #tpu.memory_space<hbm>>) target(%arg7 : memref<80x256xf32, #tpu.memory_space<vmem>>) offsets(%dma_start3A_314 : memref<80xi32, #tpu.memory_space<vmem>>) semaphore(%arg13 : memref<!tpu.dma_semaphore, #tpu.memory_space<semaphore_mem>>)
        %dma_start3A_318 = arith.constant 0 : i32
        %dma_start3A_319 = tpu.memref_slice %arg2[%mul3A_311, %dma_start3A_318] : memref<100000x256xf32, #tpu.memory_space<hbm>> -> memref<80x256xf32, #tpu.memory_space<hbm>>
        %dma_start3A_320 = arith.constant 0 : i32
        %dma_start3A_321 = tpu.memref_slice %arg2[%mul3A_311, %dma_start3A_320] : memref<100000x256xf32, #tpu.memory_space<hbm>> -> memref<80x256xf32, #tpu.memory_space<hbm>>
        tpu.enqueue_dma source(%dma_start3A_321 : memref<80x256xf32, #tpu.memory_space<hbm>>) target(%arg10 : memref<80x256xf32, #tpu.memory_space<vmem>>) target_semaphore(%arg13 : memref<!tpu.dma_semaphore, #tpu.memory_space<semaphore_mem>>)
      } else {
      }
      %lt3A_299 = arith.cmpi slt, %add3A_292, %add3A_4 : i32
      %convert_element_type3A_300 = arith.extui %lt3A_299 : i1 to i32
      %cond3A_301 = arith.constant 0 : i32
      %cond3A_302 = arith.cmpi ne, %convert_element_type3A_300, %cond3A_301 : i32
      scf.if %cond3A_302 {
        %add3A_303 = arith.addi %add3A_8, %add3A_292 : i32
        %mul3A_304 = arith.constant 80 : i32
        %mul3A_305 = arith.muli %add3A_303, %mul3A_304 : i32
        %mul3A_306 = arith.constant 80 : i32
        %mul3A_307 = arith.muli %add3A_292, %mul3A_306 : i32
        %dma_wait3A = tpu.memref_slice %arg6[%mul3A_307] : memref<3200xi32, #tpu.memory_space<vmem>> -> memref<80xi32, #tpu.memory_space<vmem>>
        %dma_wait3A_308 = arith.constant 0 : i32
        %dma_wait3A_309 = arith.constant 0 : i32
        %dma_wait3A_310 = tpu.memref_slice %arg4[%dma_wait3A_308, %dma_wait3A_309] : memref<119x256xf32, #tpu.memory_space<hbm>> -> memref<119x256xf32, #tpu.memory_space<hbm>>
        tpu.wait_indirect_dma semaphore(%arg15 : memref<!tpu.dma_semaphore, #tpu.memory_space<semaphore_mem>>) src(%dma_wait3A_310 : memref<119x256xf32, #tpu.memory_space<hbm>>) dst(%arg9 : memref<80x256xf32, #tpu.memory_space<vmem>>)
        %dma_wait3A_311 = arith.constant 0 : i32
        %dma_wait3A_312 = tpu.memref_slice %arg2[%mul3A_305, %dma_wait3A_311] : memref<100000x256xf32, #tpu.memory_space<hbm>> -> memref<80x256xf32, #tpu.memory_space<hbm>>
        %dma_wait3A_313 = arith.constant 0 : i32
        %dma_wait3A_314 = tpu.memref_slice %arg2[%mul3A_305, %dma_wait3A_313] : memref<100000x256xf32, #tpu.memory_space<hbm>> -> memref<80x256xf32, #tpu.memory_space<hbm>>
        tpu.wait_dma2 semaphore(%arg15 : memref<!tpu.dma_semaphore, #tpu.memory_space<semaphore_mem>>) src(%dma_wait3A_314 : memref<80x256xf32, #tpu.memory_space<hbm>>) dst(%arg12 : memref<80x256xf32, #tpu.memory_space<vmem>>)
        %scan3A = arith.constant 0 : i32
        %scan3A_315 = arith.constant 0 : i32
        %scan3A_316 = arith.constant 80 : i32
        %scan3A_317 = arith.addi %scan3A_315, %scan3A_316 : i32
        %scan3A_318 = arith.constant 1 : i32
        scf.for %scan3A_327 = %scan3A_315 to %scan3A_317 step %scan3A_318  : i32 {
          %get3A = arith.index_cast %scan3A_327 : i32 to index
          %get3A_328 = arith.constant 0 : index
          %get3A_329 = tpu.vector_load %arg12[%get3A, %get3A_328] {strides = array<i32>} : memref<80x256xf32, #tpu.memory_space<vmem>>, vector<1x16xf32>,
          %get3A_330 = vector.shape_cast %get3A_329 : vector<1x16xf32> to vector<16xf32>
          %get3A_331 = arith.index_cast %scan3A_327 : i32 to index
          %get3A_332 = arith.constant 0 : index
          %get3A_333 = tpu.vector_load %arg9[%get3A_331, %get3A_332] {strides = array<i32>} : memref<80x256xf32, #tpu.memory_space<vmem>>, vector<1x16xf32>,
          %get3A_334 = vector.shape_cast %get3A_333 : vector<1x16xf32> to vector<16xf32>
          %mul3A_335 = arith.mulf %get3A_330, %get3A_334 : vector<16xf32>
          %swap3A = arith.index_cast %scan3A_327 : i32 to index
          %swap3A_336 = arith.constant 0 : index
          %swap3A_337 = tpu.vector_load %arg12[%swap3A, %swap3A_336] {strides = array<i32>} : memref<80x256xf32, #tpu.memory_space<vmem>>, vector<1x16xf32>,
          %swap3A_338 = vector.shape_cast %swap3A_337 : vector<1x16xf32> to vector<16xf32>
          %swap3A_339 = vector.shape_cast %mul3A_335 : vector<16xf32> to vector<1x16xf32>
          tpu.vector_store %arg12[%swap3A, %swap3A_336], %swap3A_339 {strides = array<i32>} : memref<80x256xf32, #tpu.memory_space<vmem>>, vector<1x16xf32>,
          %get3A_340 = arith.index_cast %scan3A_327 : i32 to index
          %get3A_341 = arith.constant 16 : index
          %get3A_342 = tpu.vector_load %arg12[%get3A_340, %get3A_341] {strides = array<i32>} : memref<80x256xf32, #tpu.memory_space<vmem>>, vector<1x16xf32>,
          %get3A_343 = vector.shape_cast %get3A_342 : vector<1x16xf32> to vector<16xf32>
          %get3A_344 = arith.index_cast %scan3A_327 : i32 to index
          %get3A_345 = arith.constant 16 : index
          %get3A_346 = tpu.vector_load %arg9[%get3A_344, %get3A_345] {strides = array<i32>} : memref<80x256xf32, #tpu.memory_space<vmem>>, vector<1x16xf32>,
          %get3A_347 = vector.shape_cast %get3A_346 : vector<1x16xf32> to vector<16xf32>
          %mul3A_348 = arith.mulf %get3A_343, %get3A_347 : vector<16xf32>
          %swap3A_349 = arith.index_cast %scan3A_327 : i32 to index
          %swap3A_350 = arith.constant 16 : index
          %swap3A_351 = tpu.vector_load %arg12[%swap3A_349, %swap3A_350] {strides = array<i32>} : memref<80x256xf32, #tpu.memory_space<vmem>>, vector<1x16xf32>,
          %swap3A_352 = vector.shape_cast %swap3A_351 : vector<1x16xf32> to vector<16xf32>
          %swap3A_353 = vector.shape_cast %mul3A_348 : vector<16xf32> to vector<1x16xf32>
          tpu.vector_store %arg12[%swap3A_349, %swap3A_350], %swap3A_353 {strides = array<i32>} : memref<80x256xf32, #tpu.memory_space<vmem>>, vector<1x16xf32>,
          %get3A_354 = arith.index_cast %scan3A_327 : i32 to index
          %get3A_355 = arith.constant 32 : index
          %get3A_356 = tpu.vector_load %arg12[%get3A_354, %get3A_355] {strides = array<i32>} : memref<80x256xf32, #tpu.memory_space<vmem>>, vector<1x16xf32>,
          %get3A_357 = vector.shape_cast %get3A_356 : vector<1x16xf32> to vector<16xf32>
          %get3A_358 = arith.index_cast %scan3A_327 : i32 to index
          %get3A_359 = arith.constant 32 : index
          %get3A_360 = tpu.vector_load %arg9[%get3A_358, %get3A_359] {strides = array<i32>} : memref<80x256xf32, #tpu.memory_space<vmem>>, vector<1x16xf32>,
          %get3A_361 = vector.shape_cast %get3A_360 : vector<1x16xf32> to vector<16xf32>
          %mul3A_362 = arith.mulf %get3A_357, %get3A_361 : vector<16xf32>
          %swap3A_363 = arith.index_cast %scan3A_327 : i32 to index
          %swap3A_364 = arith.constant 32 : index
          %swap3A_365 = tpu.vector_load %arg12[%swap3A_363, %swap3A_364] {strides = array<i32>} : memref<80x256xf32, #tpu.memory_space<vmem>>, vector<1x16xf32>,
          %swap3A_366 = vector.shape_cast %swap3A_365 : vector<1x16xf32> to vector<16xf32>
          %swap3A_367 = vector.shape_cast %mul3A_362 : vector<16xf32> to vector<1x16xf32>
          tpu.vector_store %arg12[%swap3A_363, %swap3A_364], %swap3A_367 {strides = array<i32>} : memref<80x256xf32, #tpu.memory_space<vmem>>, vector<1x16xf32>,
          %get3A_368 = arith.index_cast %scan3A_327 : i32 to index
          %get3A_369 = arith.constant 48 : index
          %get3A_370 = tpu.vector_load %arg12[%get3A_368, %get3A_369] {strides = array<i32>} : memref<80x256xf32, #tpu.memory_space<vmem>>, vector<1x16xf32>,
          %get3A_371 = vector.shape_cast %get3A_370 : vector<1x16xf32> to vector<16xf32>
          %get3A_372 = arith.index_cast %scan3A_327 : i32 to index
          %get3A_373 = arith.constant 48 : index
          %get3A_374 = tpu.vector_load %arg9[%get3A_372, %get3A_373] {strides = array<i32>} : memref<80x256xf32, #tpu.memory_space<vmem>>, vector<1x16xf32>,
          %get3A_375 = vector.shape_cast %get3A_374 : vector<1x16xf32> to vector<16xf32>
          %mul3A_376 = arith.mulf %get3A_371, %get3A_375 : vector<16xf32>
          %swap3A_377 = arith.index_cast %scan3A_327 : i32 to index
          %swap3A_378 = arith.constant 48 : index
          %swap3A_379 = tpu.vector_load %arg12[%swap3A_377, %swap3A_378] {strides = array<i32>} : memref<80x256xf32, #tpu.memory_space<vmem>>, vector<1x16xf32>,
          %swap3A_380 = vector.shape_cast %swap3A_379 : vector<1x16xf32> to vector<16xf32>
          %swap3A_381 = vector.shape_cast %mul3A_376 : vector<16xf32> to vector<1x16xf32>
          tpu.vector_store %arg12[%swap3A_377, %swap3A_378], %swap3A_381 {strides = array<i32>} : memref<80x256xf32, #tpu.memory_space<vmem>>, vector<1x16xf32>,
          %get3A_382 = arith.index_cast %scan3A_327 : i32 to index
          %get3A_383 = arith.constant 64 : index
          %get3A_384 = tpu.vector_load %arg12[%get3A_382, %get3A_383] {strides = array<i32>} : memref<80x256xf32, #tpu.memory_space<vmem>>, vector<1x16xf32>,
          %get3A_385 = vector.shape_cast %get3A_384 : vector<1x16xf32> to vector<16xf32>
          %get3A_386 = arith.index_cast %scan3A_327 : i32 to index
          %get3A_387 = arith.constant 64 : index
          %get3A_388 = tpu.vector_load %arg9[%get3A_386, %get3A_387] {strides = array<i32>} : memref<80x256xf32, #tpu.memory_space<vmem>>, vector<1x16xf32>,
          %get3A_389 = vector.shape_cast %get3A_388 : vector<1x16xf32> to vector<16xf32>
          %mul3A_390 = arith.mulf %get3A_385, %get3A_389 : vector<16xf32>
          %swap3A_391 = arith.index_cast %scan3A_327 : i32 to index
          %swap3A_392 = arith.constant 64 : index
          %swap3A_393 = tpu.vector_load %arg12[%swap3A_391, %swap3A_392] {strides = array<i32>} : memref<80x256xf32, #tpu.memory_space<vmem>>, vector<1x16xf32>,
          %swap3A_394 = vector.shape_cast %swap3A_393 : vector<1x16xf32> to vector<16xf32>
          %swap3A_395 = vector.shape_cast %mul3A_390 : vector<16xf32> to vector<1x16xf32>
          tpu.vector_store %arg12[%swap3A_391, %swap3A_392], %swap3A_395 {strides = array<i32>} : memref<80x256xf32, #tpu.memory_space<vmem>>, vector<1x16xf32>,
          %get3A_396 = arith.index_cast %scan3A_327 : i32 to index
          %get3A_397 = arith.constant 80 : index
          %get3A_398 = tpu.vector_load %arg12[%get3A_396, %get3A_397] {strides = array<i32>} : memref<80x256xf32, #tpu.memory_space<vmem>>, vector<1x16xf32>,
          %get3A_399 = vector.shape_cast %get3A_398 : vector<1x16xf32> to vector<16xf32>
          %get3A_400 = arith.index_cast %scan3A_327 : i32 to index
          %get3A_401 = arith.constant 80 : index
          %get3A_402 = tpu.vector_load %arg9[%get3A_400, %get3A_401] {strides = array<i32>} : memref<80x256xf32, #tpu.memory_space<vmem>>, vector<1x16xf32>,
          %get3A_403 = vector.shape_cast %get3A_402 : vector<1x16xf32> to vector<16xf32>
          %mul3A_404 = arith.mulf %get3A_399, %get3A_403 : vector<16xf32>
          %swap3A_405 = arith.index_cast %scan3A_327 : i32 to index
          %swap3A_406 = arith.constant 80 : index
          %swap3A_407 = tpu.vector_load %arg12[%swap3A_405, %swap3A_406] {strides = array<i32>} : memref<80x256xf32, #tpu.memory_space<vmem>>, vector<1x16xf32>,
          %swap3A_408 = vector.shape_cast %swap3A_407 : vector<1x16xf32> to vector<16xf32>
          %swap3A_409 = vector.shape_cast %mul3A_404 : vector<16xf32> to vector<1x16xf32>
          tpu.vector_store %arg12[%swap3A_405, %swap3A_406], %swap3A_409 {strides = array<i32>} : memref<80x256xf32, #tpu.memory_space<vmem>>, vector<1x16xf32>,
          %get3A_410 = arith.index_cast %scan3A_327 : i32 to index
          %get3A_411 = arith.constant 96 : index
          %get3A_412 = tpu.vector_load %arg12[%get3A_410, %get3A_411] {strides = array<i32>} : memref<80x256xf32, #tpu.memory_space<vmem>>, vector<1x16xf32>,
          %get3A_413 = vector.shape_cast %get3A_412 : vector<1x16xf32> to vector<16xf32>
          %get3A_414 = arith.index_cast %scan3A_327 : i32 to index
          %get3A_415 = arith.constant 96 : index
          %get3A_416 = tpu.vector_load %arg9[%get3A_414, %get3A_415] {strides = array<i32>} : memref<80x256xf32, #tpu.memory_space<vmem>>, vector<1x16xf32>,
          %get3A_417 = vector.shape_cast %get3A_416 : vector<1x16xf32> to vector<16xf32>
          %mul3A_418 = arith.mulf %get3A_413, %get3A_417 : vector<16xf32>
          %swap3A_419 = arith.index_cast %scan3A_327 : i32 to index
          %swap3A_420 = arith.constant 96 : index
          %swap3A_421 = tpu.vector_load %arg12[%swap3A_419, %swap3A_420] {strides = array<i32>} : memref<80x256xf32, #tpu.memory_space<vmem>>, vector<1x16xf32>,
          %swap3A_422 = vector.shape_cast %swap3A_421 : vector<1x16xf32> to vector<16xf32>
          %swap3A_423 = vector.shape_cast %mul3A_418 : vector<16xf32> to vector<1x16xf32>
          tpu.vector_store %arg12[%swap3A_419, %swap3A_420], %swap3A_423 {strides = array<i32>} : memref<80x256xf32, #tpu.memory_space<vmem>>, vector<1x16xf32>,
          %get3A_424 = arith.index_cast %scan3A_327 : i32 to index
          %get3A_425 = arith.constant 112 : index
          %get3A_426 = tpu.vector_load %arg12[%get3A_424, %get3A_425] {strides = array<i32>} : memref<80x256xf32, #tpu.memory_space<vmem>>, vector<1x16xf32>,
          %get3A_427 = vector.shape_cast %get3A_426 : vector<1x16xf32> to vector<16xf32>
          %get3A_428 = arith.index_cast %scan3A_327 : i32 to index
          %get3A_429 = arith.constant 112 : index
          %get3A_430 = tpu.vector_load %arg9[%get3A_428, %get3A_429] {strides = array<i32>} : memref<80x256xf32, #tpu.memory_space<vmem>>, vector<1x16xf32>,
          %get3A_431 = vector.shape_cast %get3A_430 : vector<1x16xf32> to vector<16xf32>
          %mul3A_432 = arith.mulf %get3A_427, %get3A_431 : vector<16xf32>
          %swap3A_433 = arith.index_cast %scan3A_327 : i32 to index
          %swap3A_434 = arith.constant 112 : index
          %swap3A_435 = tpu.vector_load %arg12[%swap3A_433, %swap3A_434] {strides = array<i32>} : memref<80x256xf32, #tpu.memory_space<vmem>>, vector<1x16xf32>,
          %swap3A_436 = vector.shape_cast %swap3A_435 : vector<1x16xf32> to vector<16xf32>
          %swap3A_437 = vector.shape_cast %mul3A_432 : vector<16xf32> to vector<1x16xf32>
          tpu.vector_store %arg12[%swap3A_433, %swap3A_434], %swap3A_437 {strides = array<i32>} : memref<80x256xf32, #tpu.memory_space<vmem>>, vector<1x16xf32>,
          %get3A_438 = arith.index_cast %scan3A_327 : i32 to index
          %get3A_439 = arith.constant 128 : index
          %get3A_440 = tpu.vector_load %arg12[%get3A_438, %get3A_439] {strides = array<i32>} : memref<80x256xf32, #tpu.memory_space<vmem>>, vector<1x16xf32>,
          %get3A_441 = vector.shape_cast %get3A_440 : vector<1x16xf32> to vector<16xf32>
          %get3A_442 = arith.index_cast %scan3A_327 : i32 to index
          %get3A_443 = arith.constant 128 : index
          %get3A_444 = tpu.vector_load %arg9[%get3A_442, %get3A_443] {strides = array<i32>} : memref<80x256xf32, #tpu.memory_space<vmem>>, vector<1x16xf32>,
          %get3A_445 = vector.shape_cast %get3A_444 : vector<1x16xf32> to vector<16xf32>
          %mul3A_446 = arith.mulf %get3A_441, %get3A_445 : vector<16xf32>
          %swap3A_447 = arith.index_cast %scan3A_327 : i32 to index
          %swap3A_448 = arith.constant 128 : index
          %swap3A_449 = tpu.vector_load %arg12[%swap3A_447, %swap3A_448] {strides = array<i32>} : memref<80x256xf32, #tpu.memory_space<vmem>>, vector<1x16xf32>,
          %swap3A_450 = vector.shape_cast %swap3A_449 : vector<1x16xf32> to vector<16xf32>
          %swap3A_451 = vector.shape_cast %mul3A_446 : vector<16xf32> to vector<1x16xf32>
          tpu.vector_store %arg12[%swap3A_447, %swap3A_448], %swap3A_451 {strides = array<i32>} : memref<80x256xf32, #tpu.memory_space<vmem>>, vector<1x16xf32>,
          %get3A_452 = arith.index_cast %scan3A_327 : i32 to index
          %get3A_453 = arith.constant 144 : index
          %get3A_454 = tpu.vector_load %arg12[%get3A_452, %get3A_453] {strides = array<i32>} : memref<80x256xf32, #tpu.memory_space<vmem>>, vector<1x16xf32>,
          %get3A_455 = vector.shape_cast %get3A_454 : vector<1x16xf32> to vector<16xf32>
          %get3A_456 = arith.index_cast %scan3A_327 : i32 to index
          %get3A_457 = arith.constant 144 : index
          %get3A_458 = tpu.vector_load %arg9[%get3A_456, %get3A_457] {strides = array<i32>} : memref<80x256xf32, #tpu.memory_space<vmem>>, vector<1x16xf32>,
          %get3A_459 = vector.shape_cast %get3A_458 : vector<1x16xf32> to vector<16xf32>
          %mul3A_460 = arith.mulf %get3A_455, %get3A_459 : vector<16xf32>
          %swap3A_461 = arith.index_cast %scan3A_327 : i32 to index
          %swap3A_462 = arith.constant 144 : index
          %swap3A_463 = tpu.vector_load %arg12[%swap3A_461, %swap3A_462] {strides = array<i32>} : memref<80x256xf32, #tpu.memory_space<vmem>>, vector<1x16xf32>,
          %swap3A_464 = vector.shape_cast %swap3A_463 : vector<1x16xf32> to vector<16xf32>
          %swap3A_465 = vector.shape_cast %mul3A_460 : vector<16xf32> to vector<1x16xf32>
          tpu.vector_store %arg12[%swap3A_461, %swap3A_462], %swap3A_465 {strides = array<i32>} : memref<80x256xf32, #tpu.memory_space<vmem>>, vector<1x16xf32>,
          %get3A_466 = arith.index_cast %scan3A_327 : i32 to index
          %get3A_467 = arith.constant 160 : index
          %get3A_468 = tpu.vector_load %arg12[%get3A_466, %get3A_467] {strides = array<i32>} : memref<80x256xf32, #tpu.memory_space<vmem>>, vector<1x16xf32>,
          %get3A_469 = vector.shape_cast %get3A_468 : vector<1x16xf32> to vector<16xf32>
          %get3A_470 = arith.index_cast %scan3A_327 : i32 to index
          %get3A_471 = arith.constant 160 : index
          %get3A_472 = tpu.vector_load %arg9[%get3A_470, %get3A_471] {strides = array<i32>} : memref<80x256xf32, #tpu.memory_space<vmem>>, vector<1x16xf32>,
          %get3A_473 = vector.shape_cast %get3A_472 : vector<1x16xf32> to vector<16xf32>
          %mul3A_474 = arith.mulf %get3A_469, %get3A_473 : vector<16xf32>
          %swap3A_475 = arith.index_cast %scan3A_327 : i32 to index
          %swap3A_476 = arith.constant 160 : index
          %swap3A_477 = tpu.vector_load %arg12[%swap3A_475, %swap3A_476] {strides = array<i32>} : memref<80x256xf32, #tpu.memory_space<vmem>>, vector<1x16xf32>,
          %swap3A_478 = vector.shape_cast %swap3A_477 : vector<1x16xf32> to vector<16xf32>
          %swap3A_479 = vector.shape_cast %mul3A_474 : vector<16xf32> to vector<1x16xf32>
          tpu.vector_store %arg12[%swap3A_475, %swap3A_476], %swap3A_479 {strides = array<i32>} : memref<80x256xf32, #tpu.memory_space<vmem>>, vector<1x16xf32>,
          %get3A_480 = arith.index_cast %scan3A_327 : i32 to index
          %get3A_481 = arith.constant 176 : index
          %get3A_482 = tpu.vector_load %arg12[%get3A_480, %get3A_481] {strides = array<i32>} : memref<80x256xf32, #tpu.memory_space<vmem>>, vector<1x16xf32>,
          %get3A_483 = vector.shape_cast %get3A_482 : vector<1x16xf32> to vector<16xf32>
          %get3A_484 = arith.index_cast %scan3A_327 : i32 to index
          %get3A_485 = arith.constant 176 : index
          %get3A_486 = tpu.vector_load %arg9[%get3A_484, %get3A_485] {strides = array<i32>} : memref<80x256xf32, #tpu.memory_space<vmem>>, vector<1x16xf32>,
          %get3A_487 = vector.shape_cast %get3A_486 : vector<1x16xf32> to vector<16xf32>
          %mul3A_488 = arith.mulf %get3A_483, %get3A_487 : vector<16xf32>
          %swap3A_489 = arith.index_cast %scan3A_327 : i32 to index
          %swap3A_490 = arith.constant 176 : index
          %swap3A_491 = tpu.vector_load %arg12[%swap3A_489, %swap3A_490] {strides = array<i32>} : memref<80x256xf32, #tpu.memory_space<vmem>>, vector<1x16xf32>,
          %swap3A_492 = vector.shape_cast %swap3A_491 : vector<1x16xf32> to vector<16xf32>
          %swap3A_493 = vector.shape_cast %mul3A_488 : vector<16xf32> to vector<1x16xf32>
          tpu.vector_store %arg12[%swap3A_489, %swap3A_490], %swap3A_493 {strides = array<i32>} : memref<80x256xf32, #tpu.memory_space<vmem>>, vector<1x16xf32>,
          %get3A_494 = arith.index_cast %scan3A_327 : i32 to index
          %get3A_495 = arith.constant 192 : index
          %get3A_496 = tpu.vector_load %arg12[%get3A_494, %get3A_495] {strides = array<i32>} : memref<80x256xf32, #tpu.memory_space<vmem>>, vector<1x16xf32>,
          %get3A_497 = vector.shape_cast %get3A_496 : vector<1x16xf32> to vector<16xf32>
          %get3A_498 = arith.index_cast %scan3A_327 : i32 to index
          %get3A_499 = arith.constant 192 : index
          %get3A_500 = tpu.vector_load %arg9[%get3A_498, %get3A_499] {strides = array<i32>} : memref<80x256xf32, #tpu.memory_space<vmem>>, vector<1x16xf32>,
          %get3A_501 = vector.shape_cast %get3A_500 : vector<1x16xf32> to vector<16xf32>
          %mul3A_502 = arith.mulf %get3A_497, %get3A_501 : vector<16xf32>
          %swap3A_503 = arith.index_cast %scan3A_327 : i32 to index
          %swap3A_504 = arith.constant 192 : index
          %swap3A_505 = tpu.vector_load %arg12[%swap3A_503, %swap3A_504] {strides = array<i32>} : memref<80x256xf32, #tpu.memory_space<vmem>>, vector<1x16xf32>,
          %swap3A_506 = vector.shape_cast %swap3A_505 : vector<1x16xf32> to vector<16xf32>
          %swap3A_507 = vector.shape_cast %mul3A_502 : vector<16xf32> to vector<1x16xf32>
          tpu.vector_store %arg12[%swap3A_503, %swap3A_504], %swap3A_507 {strides = array<i32>} : memref<80x256xf32, #tpu.memory_space<vmem>>, vector<1x16xf32>,
          %get3A_508 = arith.index_cast %scan3A_327 : i32 to index
          %get3A_509 = arith.constant 208 : index
          %get3A_510 = tpu.vector_load %arg12[%get3A_508, %get3A_509] {strides = array<i32>} : memref<80x256xf32, #tpu.memory_space<vmem>>, vector<1x16xf32>,
          %get3A_511 = vector.shape_cast %get3A_510 : vector<1x16xf32> to vector<16xf32>
          %get3A_512 = arith.index_cast %scan3A_327 : i32 to index
          %get3A_513 = arith.constant 208 : index
          %get3A_514 = tpu.vector_load %arg9[%get3A_512, %get3A_513] {strides = array<i32>} : memref<80x256xf32, #tpu.memory_space<vmem>>, vector<1x16xf32>,
          %get3A_515 = vector.shape_cast %get3A_514 : vector<1x16xf32> to vector<16xf32>
          %mul3A_516 = arith.mulf %get3A_511, %get3A_515 : vector<16xf32>
          %swap3A_517 = arith.index_cast %scan3A_327 : i32 to index
          %swap3A_518 = arith.constant 208 : index
          %swap3A_519 = tpu.vector_load %arg12[%swap3A_517, %swap3A_518] {strides = array<i32>} : memref<80x256xf32, #tpu.memory_space<vmem>>, vector<1x16xf32>,
          %swap3A_520 = vector.shape_cast %swap3A_519 : vector<1x16xf32> to vector<16xf32>
          %swap3A_521 = vector.shape_cast %mul3A_516 : vector<16xf32> to vector<1x16xf32>
          tpu.vector_store %arg12[%swap3A_517, %swap3A_518], %swap3A_521 {strides = array<i32>} : memref<80x256xf32, #tpu.memory_space<vmem>>, vector<1x16xf32>,
          %get3A_522 = arith.index_cast %scan3A_327 : i32 to index
          %get3A_523 = arith.constant 224 : index
          %get3A_524 = tpu.vector_load %arg12[%get3A_522, %get3A_523] {strides = array<i32>} : memref<80x256xf32, #tpu.memory_space<vmem>>, vector<1x16xf32>,
          %get3A_525 = vector.shape_cast %get3A_524 : vector<1x16xf32> to vector<16xf32>
          %get3A_526 = arith.index_cast %scan3A_327 : i32 to index
          %get3A_527 = arith.constant 224 : index
          %get3A_528 = tpu.vector_load %arg9[%get3A_526, %get3A_527] {strides = array<i32>} : memref<80x256xf32, #tpu.memory_space<vmem>>, vector<1x16xf32>,
          %get3A_529 = vector.shape_cast %get3A_528 : vector<1x16xf32> to vector<16xf32>
          %mul3A_530 = arith.mulf %get3A_525, %get3A_529 : vector<16xf32>
          %swap3A_531 = arith.index_cast %scan3A_327 : i32 to index
          %swap3A_532 = arith.constant 224 : index
          %swap3A_533 = tpu.vector_load %arg12[%swap3A_531, %swap3A_532] {strides = array<i32>} : memref<80x256xf32, #tpu.memory_space<vmem>>, vector<1x16xf32>,
          %swap3A_534 = vector.shape_cast %swap3A_533 : vector<1x16xf32> to vector<16xf32>
          %swap3A_535 = vector.shape_cast %mul3A_530 : vector<16xf32> to vector<1x16xf32>
          tpu.vector_store %arg12[%swap3A_531, %swap3A_532], %swap3A_535 {strides = array<i32>} : memref<80x256xf32, #tpu.memory_space<vmem>>, vector<1x16xf32>,
          %get3A_536 = arith.index_cast %scan3A_327 : i32 to index
          %get3A_537 = arith.constant 240 : index
          %get3A_538 = tpu.vector_load %arg12[%get3A_536, %get3A_537] {strides = array<i32>} : memref<80x256xf32, #tpu.memory_space<vmem>>, vector<1x16xf32>,
          %get3A_539 = vector.shape_cast %get3A_538 : vector<1x16xf32> to vector<16xf32>
          %get3A_540 = arith.index_cast %scan3A_327 : i32 to index
          %get3A_541 = arith.constant 240 : index
          %get3A_542 = tpu.vector_load %arg9[%get3A_540, %get3A_541] {strides = array<i32>} : memref<80x256xf32, #tpu.memory_space<vmem>>, vector<1x16xf32>,
          %get3A_543 = vector.shape_cast %get3A_542 : vector<1x16xf32> to vector<16xf32>
          %mul3A_544 = arith.mulf %get3A_539, %get3A_543 : vector<16xf32>
          %swap3A_545 = arith.index_cast %scan3A_327 : i32 to index
          %swap3A_546 = arith.constant 240 : index
          %swap3A_547 = tpu.vector_load %arg12[%swap3A_545, %swap3A_546] {strides = array<i32>} : memref<80x256xf32, #tpu.memory_space<vmem>>, vector<1x16xf32>,
          %swap3A_548 = vector.shape_cast %swap3A_547 : vector<1x16xf32> to vector<16xf32>
          %swap3A_549 = vector.shape_cast %mul3A_544 : vector<16xf32> to vector<1x16xf32>
          tpu.vector_store %arg12[%swap3A_545, %swap3A_546], %swap3A_549 {strides = array<i32>} : memref<80x256xf32, #tpu.memory_space<vmem>>, vector<1x16xf32>,
        }
        %scan3A_319 = arith.constant 80 : i32
        %add3A_320 = arith.addi %add3A_8, %add3A_292 : i32
        %mul3A_321 = arith.constant 80 : i32
        %mul3A_322 = arith.muli %add3A_320, %mul3A_321 : i32
        %dma_start3A_323 = arith.constant 0 : i32
        %dma_start3A_324 = tpu.memref_slice %arg5[%mul3A_322, %dma_start3A_323] : memref<100000x256xf32, #tpu.memory_space<hbm>> -> memref<80x256xf32, #tpu.memory_space<hbm>>
        %dma_start3A_325 = arith.constant 0 : i32
        %dma_start3A_326 = tpu.memref_slice %arg5[%mul3A_322, %dma_start3A_325] : memref<100000x256xf32, #tpu.memory_space<hbm>> -> memref<80x256xf32, #tpu.memory_space<hbm>>
        tpu.enqueue_dma source(%arg12 : memref<80x256xf32, #tpu.memory_space<vmem>>) target(%dma_start3A_326 : memref<80x256xf32, #tpu.memory_space<hbm>>) target_semaphore(%arg18 : memref<!tpu.dma_semaphore, #tpu.memory_space<semaphore_mem>>)
      } else {
      }
    }
    %sub3A_54 = arith.constant 1 : i32
    %sub3A_55 = arith.subi %add3A_4, %sub3A_54 : i32
    %jit3A_56 = arith.constant 3 : i32
    %eq3A_57 = arith.constant 0 : i32
    %eq3A_58 = arith.cmpi eq, %jit3A_56, %eq3A_57 : i32
    %jit3A_59 = arith.constant 1 : i32
    %select_n3A_60 = arith.select %eq3A_58, %jit3A_59, %jit3A_56 : i32
    %rem3A_61 = arith.remsi %sub3A_55, %select_n3A_60 : i32
    %ne3A_62 = arith.constant 0 : i32
    %ne3A_63 = arith.cmpi ne, %rem3A_61, %ne3A_62 : i32
    %lt3A_64 = arith.constant 0 : i32
    %lt3A_65 = arith.cmpi slt, %rem3A_61, %lt3A_64 : i32
    %lt3A_66 = arith.constant 0 : i32
    %lt3A_67 = arith.cmpi slt, %select_n3A_60, %lt3A_66 : i32
    %ne3A_68 = arith.xori %lt3A_65, %lt3A_67 : i1
    %and3A_69 = arith.andi %ne3A_68, %ne3A_63 : i1
    %add3A_70 = arith.addi %rem3A_61, %select_n3A_60 : i32
    %select_n3A_71 = arith.select %and3A_69, %add3A_70, %rem3A_61 : i32
    %eq3A_72 = arith.constant 0 : i32
    %eq3A_73 = arith.cmpi eq, %select_n3A_71, %eq3A_72 : i32
    %sub3A_74 = arith.constant 1 : i32
    %sub3A_75 = arith.subi %add3A_4, %sub3A_74 : i32
    %sub3A_76 = arith.constant 2 : i32
    %sub3A_77 = arith.subi %add3A_4, %sub3A_76 : i32
    %select_n3A_78 = arith.select %eq3A_73, %sub3A_75, %sub3A_77 : i32
    %sub3A_79 = arith.constant 1 : i32
    %sub3A_80 = arith.subi %add3A_4, %sub3A_79 : i32
    %jit3A_81 = arith.constant 3 : i32
    %eq3A_82 = arith.constant 0 : i32
    %eq3A_83 = arith.cmpi eq, %jit3A_81, %eq3A_82 : i32
    %jit3A_84 = arith.constant 1 : i32
    %select_n3A_85 = arith.select %eq3A_83, %jit3A_84, %jit3A_81 : i32
    %rem3A_86 = arith.remsi %sub3A_80, %select_n3A_85 : i32
    %ne3A_87 = arith.constant 0 : i32
    %ne3A_88 = arith.cmpi ne, %rem3A_86, %ne3A_87 : i32
    %lt3A_89 = arith.constant 0 : i32
    %lt3A_90 = arith.cmpi slt, %rem3A_86, %lt3A_89 : i32
    %lt3A_91 = arith.constant 0 : i32
    %lt3A_92 = arith.cmpi slt, %select_n3A_85, %lt3A_91 : i32
    %ne3A_93 = arith.xori %lt3A_90, %lt3A_92 : i1
    %and3A_94 = arith.andi %ne3A_93, %ne3A_88 : i1
    %add3A_95 = arith.addi %rem3A_86, %select_n3A_85 : i32
    %select_n3A_96 = arith.select %and3A_94, %add3A_95, %rem3A_86 : i32
    %eq3A_97 = arith.constant 0 : i32
    %eq3A_98 = arith.cmpi eq, %select_n3A_96, %eq3A_97 : i32
    %sub3A_99 = arith.constant 2 : i32
    %sub3A_100 = arith.subi %add3A_4, %sub3A_99 : i32
    %jit3A_101 = arith.constant 3 : i32
    %eq3A_102 = arith.constant 0 : i32
    %eq3A_103 = arith.cmpi eq, %jit3A_101, %eq3A_102 : i32
    %jit3A_104 = arith.constant 1 : i32
    %select_n3A_105 = arith.select %eq3A_103, %jit3A_104, %jit3A_101 : i32
    %rem3A_106 = arith.remsi %sub3A_100, %select_n3A_105 : i32
    %ne3A_107 = arith.constant 0 : i32
    %ne3A_108 = arith.cmpi ne, %rem3A_106, %ne3A_107 : i32
    %lt3A_109 = arith.constant 0 : i32
    %lt3A_110 = arith.cmpi slt, %rem3A_106, %lt3A_109 : i32
    %lt3A_111 = arith.constant 0 : i32
    %lt3A_112 = arith.cmpi slt, %select_n3A_105, %lt3A_111 : i32
    %ne3A_113 = arith.xori %lt3A_110, %lt3A_112 : i1
    %and3A_114 = arith.andi %ne3A_113, %ne3A_108 : i1
    %add3A_115 = arith.addi %rem3A_106, %select_n3A_105 : i32
    %select_n3A_116 = arith.select %and3A_114, %add3A_115, %rem3A_106 : i32
    %eq3A_117 = arith.constant 0 : i32
    %eq3A_118 = arith.cmpi eq, %select_n3A_116, %eq3A_117 : i32
    %or3A = arith.ori %eq3A_98, %eq3A_118 : i1
    %convert_element_type3A_119 = arith.extui %or3A : i1 to i32
    %cond3A_120 = arith.constant 0 : i32
    %cond3A_121 = arith.cmpi ne, %convert_element_type3A_119, %cond3A_120 : i32
    scf.if %cond3A_121 {
      %add3A_260 = arith.addi %add3A_8, %select_n3A_78 : i32
      %mul3A_261 = arith.constant 80 : i32
      %mul3A_262 = arith.muli %add3A_260, %mul3A_261 : i32
      %dma_wait3A = arith.constant 0 : i32
      %dma_wait3A_263 = tpu.memref_slice %arg5[%mul3A_262, %dma_wait3A] : memref<100000x256xf32, #tpu.memory_space<hbm>> -> memref<80x256xf32, #tpu.memory_space<hbm>>
      %dma_wait3A_264 = arith.constant 0 : i32
      %dma_wait3A_265 = tpu.memref_slice %arg5[%mul3A_262, %dma_wait3A_264] : memref<100000x256xf32, #tpu.memory_space<hbm>> -> memref<80x256xf32, #tpu.memory_space<hbm>>
      tpu.wait_dma2 semaphore(%arg16 : memref<!tpu.dma_semaphore, #tpu.memory_space<semaphore_mem>>) src(%arg10 : memref<80x256xf32, #tpu.memory_space<vmem>>) dst(%dma_wait3A_265 : memref<80x256xf32, #tpu.memory_space<hbm>>)
    } else {
    }
    %sub3A_122 = arith.constant 1 : i32
    %sub3A_123 = arith.subi %add3A_4, %sub3A_122 : i32
    %jit3A_124 = arith.constant 3 : i32
    %eq3A_125 = arith.constant 0 : i32
    %eq3A_126 = arith.cmpi eq, %jit3A_124, %eq3A_125 : i32
    %jit3A_127 = arith.constant 1 : i32
    %select_n3A_128 = arith.select %eq3A_126, %jit3A_127, %jit3A_124 : i32
    %rem3A_129 = arith.remsi %sub3A_123, %select_n3A_128 : i32
    %ne3A_130 = arith.constant 0 : i32
    %ne3A_131 = arith.cmpi ne, %rem3A_129, %ne3A_130 : i32
    %lt3A_132 = arith.constant 0 : i32
    %lt3A_133 = arith.cmpi slt, %rem3A_129, %lt3A_132 : i32
    %lt3A_134 = arith.constant 0 : i32
    %lt3A_135 = arith.cmpi slt, %select_n3A_128, %lt3A_134 : i32
    %ne3A_136 = arith.xori %lt3A_133, %lt3A_135 : i1
    %and3A_137 = arith.andi %ne3A_136, %ne3A_131 : i1
    %add3A_138 = arith.addi %rem3A_129, %select_n3A_128 : i32
    %select_n3A_139 = arith.select %and3A_137, %add3A_138, %rem3A_129 : i32
    %eq3A_140 = arith.constant 1 : i32
    %eq3A_141 = arith.cmpi eq, %select_n3A_139, %eq3A_140 : i32
    %sub3A_142 = arith.constant 1 : i32
    %sub3A_143 = arith.subi %add3A_4, %sub3A_142 : i32
    %sub3A_144 = arith.constant 2 : i32
    %sub3A_145 = arith.subi %add3A_4, %sub3A_144 : i32
    %select_n3A_146 = arith.select %eq3A_141, %sub3A_143, %sub3A_145 : i32
    %sub3A_147 = arith.constant 1 : i32
    %sub3A_148 = arith.subi %add3A_4, %sub3A_147 : i32
    %jit3A_149 = arith.constant 3 : i32
    %eq3A_150 = arith.constant 0 : i32
    %eq3A_151 = arith.cmpi eq, %jit3A_149, %eq3A_150 : i32
    %jit3A_152 = arith.constant 1 : i32
    %select_n3A_153 = arith.select %eq3A_151, %jit3A_152, %jit3A_149 : i32
    %rem3A_154 = arith.remsi %sub3A_148, %select_n3A_153 : i32
    %ne3A_155 = arith.constant 0 : i32
    %ne3A_156 = arith.cmpi ne, %rem3A_154, %ne3A_155 : i32
    %lt3A_157 = arith.constant 0 : i32
    %lt3A_158 = arith.cmpi slt, %rem3A_154, %lt3A_157 : i32
    %lt3A_159 = arith.constant 0 : i32
    %lt3A_160 = arith.cmpi slt, %select_n3A_153, %lt3A_159 : i32
    %ne3A_161 = arith.xori %lt3A_158, %lt3A_160 : i1
    %and3A_162 = arith.andi %ne3A_161, %ne3A_156 : i1
    %add3A_163 = arith.addi %rem3A_154, %select_n3A_153 : i32
    %select_n3A_164 = arith.select %and3A_162, %add3A_163, %rem3A_154 : i32
    %eq3A_165 = arith.constant 1 : i32
    %eq3A_166 = arith.cmpi eq, %select_n3A_164, %eq3A_165 : i32
    %sub3A_167 = arith.constant 2 : i32
    %sub3A_168 = arith.subi %add3A_4, %sub3A_167 : i32
    %jit3A_169 = arith.constant 3 : i32
    %eq3A_170 = arith.constant 0 : i32
    %eq3A_171 = arith.cmpi eq, %jit3A_169, %eq3A_170 : i32
    %jit3A_172 = arith.constant 1 : i32
    %select_n3A_173 = arith.select %eq3A_171, %jit3A_172, %jit3A_169 : i32
    %rem3A_174 = arith.remsi %sub3A_168, %select_n3A_173 : i32
    %ne3A_175 = arith.constant 0 : i32
    %ne3A_176 = arith.cmpi ne, %rem3A_174, %ne3A_175 : i32
    %lt3A_177 = arith.constant 0 : i32
    %lt3A_178 = arith.cmpi slt, %rem3A_174, %lt3A_177 : i32
    %lt3A_179 = arith.constant 0 : i32
    %lt3A_180 = arith.cmpi slt, %select_n3A_173, %lt3A_179 : i32
    %ne3A_181 = arith.xori %lt3A_178, %lt3A_180 : i1
    %and3A_182 = arith.andi %ne3A_181, %ne3A_176 : i1
    %add3A_183 = arith.addi %rem3A_174, %select_n3A_173 : i32
    %select_n3A_184 = arith.select %and3A_182, %add3A_183, %rem3A_174 : i32
    %eq3A_185 = arith.constant 1 : i32
    %eq3A_186 = arith.cmpi eq, %select_n3A_184, %eq3A_185 : i32
    %or3A_187 = arith.ori %eq3A_166, %eq3A_186 : i1
    %convert_element_type3A_188 = arith.extui %or3A_187 : i1 to i32
    %cond3A_189 = arith.constant 0 : i32
    %cond3A_190 = arith.cmpi ne, %convert_element_type3A_188, %cond3A_189 : i32
    scf.if %cond3A_190 {
      %add3A_260 = arith.addi %add3A_8, %select_n3A_146 : i32
      %mul3A_261 = arith.constant 80 : i32
      %mul3A_262 = arith.muli %add3A_260, %mul3A_261 : i32
      %dma_wait3A = arith.constant 0 : i32
      %dma_wait3A_263 = tpu.memref_slice %arg5[%mul3A_262, %dma_wait3A] : memref<100000x256xf32, #tpu.memory_space<hbm>> -> memref<80x256xf32, #tpu.memory_space<hbm>>
      %dma_wait3A_264 = arith.constant 0 : i32
      %dma_wait3A_265 = tpu.memref_slice %arg5[%mul3A_262, %dma_wait3A_264] : memref<100000x256xf32, #tpu.memory_space<hbm>> -> memref<80x256xf32, #tpu.memory_space<hbm>>
      tpu.wait_dma2 semaphore(%arg17 : memref<!tpu.dma_semaphore, #tpu.memory_space<semaphore_mem>>) src(%arg11 : memref<80x256xf32, #tpu.memory_space<vmem>>) dst(%dma_wait3A_265 : memref<80x256xf32, #tpu.memory_space<hbm>>)
    } else {
    }
    %sub3A_191 = arith.constant 1 : i32
    %sub3A_192 = arith.subi %add3A_4, %sub3A_191 : i32
    %jit3A_193 = arith.constant 3 : i32
    %eq3A_194 = arith.constant 0 : i32
    %eq3A_195 = arith.cmpi eq, %jit3A_193, %eq3A_194 : i32
    %jit3A_196 = arith.constant 1 : i32
    %select_n3A_197 = arith.select %eq3A_195, %jit3A_196, %jit3A_193 : i32
    %rem3A_198 = arith.remsi %sub3A_192, %select_n3A_197 : i32
    %ne3A_199 = arith.constant 0 : i32
    %ne3A_200 = arith.cmpi ne, %rem3A_198, %ne3A_199 : i32
    %lt3A_201 = arith.constant 0 : i32
    %lt3A_202 = arith.cmpi slt, %rem3A_198, %lt3A_201 : i32
    %lt3A_203 = arith.constant 0 : i32
    %lt3A_204 = arith.cmpi slt, %select_n3A_197, %lt3A_203 : i32
    %ne3A_205 = arith.xori %lt3A_202, %lt3A_204 : i1
    %and3A_206 = arith.andi %ne3A_205, %ne3A_200 : i1
    %add3A_207 = arith.addi %rem3A_198, %select_n3A_197 : i32
    %select_n3A_208 = arith.select %and3A_206, %add3A_207, %rem3A_198 : i32
    %eq3A_209 = arith.constant 2 : i32
    %eq3A_210 = arith.cmpi eq, %select_n3A_208, %eq3A_209 : i32
    %sub3A_211 = arith.constant 1 : i32
    %sub3A_212 = arith.subi %add3A_4, %sub3A_211 : i32
    %sub3A_213 = arith.constant 2 : i32
    %sub3A_214 = arith.subi %add3A_4, %sub3A_213 : i32
    %select_n3A_215 = arith.select %eq3A_210, %sub3A_212, %sub3A_214 : i32
    %sub3A_216 = arith.constant 1 : i32
    %sub3A_217 = arith.subi %add3A_4, %sub3A_216 : i32
    %jit3A_218 = arith.constant 3 : i32
    %eq3A_219 = arith.constant 0 : i32
    %eq3A_220 = arith.cmpi eq, %jit3A_218, %eq3A_219 : i32
    %jit3A_221 = arith.constant 1 : i32
    %select_n3A_222 = arith.select %eq3A_220, %jit3A_221, %jit3A_218 : i32
    %rem3A_223 = arith.remsi %sub3A_217, %select_n3A_222 : i32
    %ne3A_224 = arith.constant 0 : i32
    %ne3A_225 = arith.cmpi ne, %rem3A_223, %ne3A_224 : i32
    %lt3A_226 = arith.constant 0 : i32
    %lt3A_227 = arith.cmpi slt, %rem3A_223, %lt3A_226 : i32
    %lt3A_228 = arith.constant 0 : i32
    %lt3A_229 = arith.cmpi slt, %select_n3A_222, %lt3A_228 : i32
    %ne3A_230 = arith.xori %lt3A_227, %lt3A_229 : i1
    %and3A_231 = arith.andi %ne3A_230, %ne3A_225 : i1
    %add3A_232 = arith.addi %rem3A_223, %select_n3A_222 : i32
    %select_n3A_233 = arith.select %and3A_231, %add3A_232, %rem3A_223 : i32
    %eq3A_234 = arith.constant 2 : i32
    %eq3A_235 = arith.cmpi eq, %select_n3A_233, %eq3A_234 : i32
    %sub3A_236 = arith.constant 2 : i32
    %sub3A_237 = arith.subi %add3A_4, %sub3A_236 : i32
    %jit3A_238 = arith.constant 3 : i32
    %eq3A_239 = arith.constant 0 : i32
    %eq3A_240 = arith.cmpi eq, %jit3A_238, %eq3A_239 : i32
    %jit3A_241 = arith.constant 1 : i32
    %select_n3A_242 = arith.select %eq3A_240, %jit3A_241, %jit3A_238 : i32
    %rem3A_243 = arith.remsi %sub3A_237, %select_n3A_242 : i32
    %ne3A_244 = arith.constant 0 : i32
    %ne3A_245 = arith.cmpi ne, %rem3A_243, %ne3A_244 : i32
    %lt3A_246 = arith.constant 0 : i32
    %lt3A_247 = arith.cmpi slt, %rem3A_243, %lt3A_246 : i32
    %lt3A_248 = arith.constant 0 : i32
    %lt3A_249 = arith.cmpi slt, %select_n3A_242, %lt3A_248 : i32
    %ne3A_250 = arith.xori %lt3A_247, %lt3A_249 : i1
    %and3A_251 = arith.andi %ne3A_250, %ne3A_245 : i1
    %add3A_252 = arith.addi %rem3A_243, %select_n3A_242 : i32
    %select_n3A_253 = arith.select %and3A_251, %add3A_252, %rem3A_243 : i32
    %eq3A_254 = arith.constant 2 : i32
    %eq3A_255 = arith.cmpi eq, %select_n3A_253, %eq3A_254 : i32
    %or3A_256 = arith.ori %eq3A_235, %eq3A_255 : i1
    %convert_element_type3A_257 = arith.extui %or3A_256 : i1 to i32
    %cond3A_258 = arith.constant 0 : i32
    %cond3A_259 = arith.cmpi ne, %convert_element_type3A_257, %cond3A_258 : i32
    scf.if %cond3A_259 {
      %add3A_260 = arith.addi %add3A_8, %select_n3A_215 : i32
      %mul3A_261 = arith.constant 80 : i32
      %mul3A_262 = arith.muli %add3A_260, %mul3A_261 : i32
      %dma_wait3A = arith.constant 0 : i32
      %dma_wait3A_263 = tpu.memref_slice %arg5[%mul3A_262, %dma_wait3A] : memref<100000x256xf32, #tpu.memory_space<hbm>> -> memref<80x256xf32, #tpu.memory_space<hbm>>
      %dma_wait3A_264 = arith.constant 0 : i32
      %dma_wait3A_265 = tpu.memref_slice %arg5[%mul3A_262, %dma_wait3A_264] : memref<100000x256xf32, #tpu.memory_space<hbm>> -> memref<80x256xf32, #tpu.memory_space<hbm>>
      tpu.wait_dma2 semaphore(%arg18 : memref<!tpu.dma_semaphore, #tpu.memory_space<semaphore_mem>>) src(%arg12 : memref<80x256xf32, #tpu.memory_space<vmem>>) dst(%dma_wait3A_265 : memref<80x256xf32, #tpu.memory_space<hbm>>)
    } else {
    }
    return
  }
}

module attributes {stable_mosaic.version = 14 : i64} {
  func.func @_tc_body_classic(%arg0: i32, %arg1: memref<1x1x2000xi32, #tpu.memory_space<vmem>>, %arg2: memref<119x128xf32, #tpu.memory_space<vmem>>, %arg3: memref<5x2000x128xf32, #tpu.memory_space<vmem>>, %arg4: memref<5x2000x128xf32, #tpu.memory_space<vmem>>) attributes {dimension_semantics = [#tpu.dimension_semantics<arbitrary>], iteration_bounds = array<i64: 50>, scalar_prefetch = 0 : i64, scratch_operands = 0 : i64, tpu.core_type = #tpu.core_type<tc>, window_params = [{transform_indices = @transform_0, window_bounds = array<i64: 1, 1, 2000>}, {pipeline_mode = #tpu.pipeline_mode<synchronous>, transform_indices = @transform_1, window_bounds = array<i64: 119, 128>}, {transform_indices = @transform_2, window_bounds = array<i64: 5, 2000, 128>}, {transform_indices = @transform_3, window_bounds = array<i64: 5, 2000, 128>}]} {
    %get3A = arith.constant 0 : index
    %get3A_0 = arith.constant 0 : index
    %get3A_1 = arith.constant 0 : index
    %get3A_2 = vector.load %arg1[%get3A, %get3A_0, %get3A_1] : memref<1x1x2000xi32, #tpu.memory_space<vmem>>, vector<1x1x2000xi32>
    %get3A_3 = vector.shape_cast %get3A_2 : vector<1x1x2000xi32> to vector<2000xi32>
    %broadcast_in_dim3A = vector.shape_cast %get3A_3 : vector<2000xi32> to vector<2000x1xi32>
    %iota3A = tpu.iota {dimensions = array<i32: 1>} : vector<2000x119xi32>
    %eq3A = vector.broadcast %broadcast_in_dim3A : vector<2000x1xi32> to vector<2000x119xi32>
    %eq3A_4 = arith.cmpi eq, %eq3A, %iota3A : vector<2000x119xi32>
    %convert_element_type3A = arith.extui %eq3A_4 : vector<2000x119xi1> to vector<2000x119xi32>
    %convert_element_type3A_5 = arith.sitofp %convert_element_type3A : vector<2000x119xi32> to vector<2000x119xf32>
    %get3A_6 = arith.constant 0 : index
    %get3A_7 = arith.constant 0 : index
    %get3A_8 = vector.load %arg2[%get3A_6, %get3A_7] : memref<119x128xf32, #tpu.memory_space<vmem>>, vector<119x128xf32>
    %dot_general3A = arith.constant dense<0.000000e+00> : vector<2000x128xf32>
    %dot_general3A_9 = tpu.matmul %convert_element_type3A_5, %get3A_8, %dot_general3A {dimension_numbers = #tpu.dot_dimension_numbers<[1], [0], [0], [1], [0, 0, 1, 1], [], []>, precision = #tpu.contract_precision<fp32>, transpose_lhs_hint = false} : vector<2000x119xf32>, vector<119x128xf32>, vector<2000x128xf32> -> vector<2000x128xf32>
    %get3A_10 = arith.constant 0 : index
    %get3A_11 = arith.constant 0 : index
    %get3A_12 = arith.constant 0 : index
    %get3A_13 = vector.load %arg3[%get3A_10, %get3A_11, %get3A_12] : memref<5x2000x128xf32, #tpu.memory_space<vmem>>, vector<1x2000x128xf32>
    %get3A_14 = vector.shape_cast %get3A_13 : vector<1x2000x128xf32> to vector<2000x128xf32>
    %mul3A = arith.mulf %get3A_14, %dot_general3A_9 : vector<2000x128xf32>
    %swap3A = arith.constant 0 : index
    %swap3A_15 = arith.constant 0 : index
    %swap3A_16 = arith.constant 0 : index
    %swap3A_17 = vector.load %arg4[%swap3A, %swap3A_15, %swap3A_16] : memref<5x2000x128xf32, #tpu.memory_space<vmem>>, vector<1x2000x128xf32>
    %swap3A_18 = vector.shape_cast %swap3A_17 : vector<1x2000x128xf32> to vector<2000x128xf32>
    %swap3A_19 = vector.shape_cast %mul3A : vector<2000x128xf32> to vector<1x2000x128xf32>
    tpu.vector_store %arg4[%swap3A, %swap3A_15, %swap3A_16], %swap3A_19 {strides = array<i32>} : memref<5x2000x128xf32, #tpu.memory_space<vmem>>, vector<1x2000x128xf32>,
    %get3A_20 = arith.constant 1 : index
    %get3A_21 = arith.constant 0 : index
    %get3A_22 = arith.constant 0 : index
    %get3A_23 = vector.load %arg3[%get3A_20, %get3A_21, %get3A_22] : memref<5x2000x128xf32, #tpu.memory_space<vmem>>, vector<1x2000x128xf32>
    %get3A_24 = vector.shape_cast %get3A_23 : vector<1x2000x128xf32> to vector<2000x128xf32>
    %mul3A_25 = arith.mulf %get3A_24, %dot_general3A_9 : vector<2000x128xf32>
    %swap3A_26 = arith.constant 1 : index
    %swap3A_27 = arith.constant 0 : index
    %swap3A_28 = arith.constant 0 : index
    %swap3A_29 = vector.load %arg4[%swap3A_26, %swap3A_27, %swap3A_28] : memref<5x2000x128xf32, #tpu.memory_space<vmem>>, vector<1x2000x128xf32>
    %swap3A_30 = vector.shape_cast %swap3A_29 : vector<1x2000x128xf32> to vector<2000x128xf32>
    %swap3A_31 = vector.shape_cast %mul3A_25 : vector<2000x128xf32> to vector<1x2000x128xf32>
    tpu.vector_store %arg4[%swap3A_26, %swap3A_27, %swap3A_28], %swap3A_31 {strides = array<i32>} : memref<5x2000x128xf32, #tpu.memory_space<vmem>>, vector<1x2000x128xf32>,
    %get3A_32 = arith.constant 2 : index
    %get3A_33 = arith.constant 0 : index
    %get3A_34 = arith.constant 0 : index
    %get3A_35 = vector.load %arg3[%get3A_32, %get3A_33, %get3A_34] : memref<5x2000x128xf32, #tpu.memory_space<vmem>>, vector<1x2000x128xf32>
    %get3A_36 = vector.shape_cast %get3A_35 : vector<1x2000x128xf32> to vector<2000x128xf32>
    %mul3A_37 = arith.mulf %get3A_36, %dot_general3A_9 : vector<2000x128xf32>
    %swap3A_38 = arith.constant 2 : index
    %swap3A_39 = arith.constant 0 : index
    %swap3A_40 = arith.constant 0 : index
    %swap3A_41 = vector.load %arg4[%swap3A_38, %swap3A_39, %swap3A_40] : memref<5x2000x128xf32, #tpu.memory_space<vmem>>, vector<1x2000x128xf32>
    %swap3A_42 = vector.shape_cast %swap3A_41 : vector<1x2000x128xf32> to vector<2000x128xf32>
    %swap3A_43 = vector.shape_cast %mul3A_37 : vector<2000x128xf32> to vector<1x2000x128xf32>
    tpu.vector_store %arg4[%swap3A_38, %swap3A_39, %swap3A_40], %swap3A_43 {strides = array<i32>} : memref<5x2000x128xf32, #tpu.memory_space<vmem>>, vector<1x2000x128xf32>,
    %get3A_44 = arith.constant 3 : index
    %get3A_45 = arith.constant 0 : index
    %get3A_46 = arith.constant 0 : index
    %get3A_47 = vector.load %arg3[%get3A_44, %get3A_45, %get3A_46] : memref<5x2000x128xf32, #tpu.memory_space<vmem>>, vector<1x2000x128xf32>
    %get3A_48 = vector.shape_cast %get3A_47 : vector<1x2000x128xf32> to vector<2000x128xf32>
    %mul3A_49 = arith.mulf %get3A_48, %dot_general3A_9 : vector<2000x128xf32>
    %swap3A_50 = arith.constant 3 : index
    %swap3A_51 = arith.constant 0 : index
    %swap3A_52 = arith.constant 0 : index
    %swap3A_53 = vector.load %arg4[%swap3A_50, %swap3A_51, %swap3A_52] : memref<5x2000x128xf32, #tpu.memory_space<vmem>>, vector<1x2000x128xf32>
    %swap3A_54 = vector.shape_cast %swap3A_53 : vector<1x2000x128xf32> to vector<2000x128xf32>
    %swap3A_55 = vector.shape_cast %mul3A_49 : vector<2000x128xf32> to vector<1x2000x128xf32>
    tpu.vector_store %arg4[%swap3A_50, %swap3A_51, %swap3A_52], %swap3A_55 {strides = array<i32>} : memref<5x2000x128xf32, #tpu.memory_space<vmem>>, vector<1x2000x128xf32>,
    %get3A_56 = arith.constant 4 : index
    %get3A_57 = arith.constant 0 : index
    %get3A_58 = arith.constant 0 : index
    %get3A_59 = vector.load %arg3[%get3A_56, %get3A_57, %get3A_58] : memref<5x2000x128xf32, #tpu.memory_space<vmem>>, vector<1x2000x128xf32>
    %get3A_60 = vector.shape_cast %get3A_59 : vector<1x2000x128xf32> to vector<2000x128xf32>
    %mul3A_61 = arith.mulf %get3A_60, %dot_general3A_9 : vector<2000x128xf32>
    %swap3A_62 = arith.constant 4 : index
    %swap3A_63 = arith.constant 0 : index
    %swap3A_64 = arith.constant 0 : index
    %swap3A_65 = vector.load %arg4[%swap3A_62, %swap3A_63, %swap3A_64] : memref<5x2000x128xf32, #tpu.memory_space<vmem>>, vector<1x2000x128xf32>
    %swap3A_66 = vector.shape_cast %swap3A_65 : vector<1x2000x128xf32> to vector<2000x128xf32>
    %swap3A_67 = vector.shape_cast %mul3A_61 : vector<2000x128xf32> to vector<1x2000x128xf32>
    tpu.vector_store %arg4[%swap3A_62, %swap3A_63, %swap3A_64], %swap3A_67 {strides = array<i32>} : memref<5x2000x128xf32, #tpu.memory_space<vmem>>, vector<1x2000x128xf32>,
    return
  }
  func.func @transform_0(%arg0: i32) -> (i32, i32, i32) {
    %c0_i32 = arith.constant 0 : i32
    %c0_i32_0 = arith.constant 0 : i32
    %c0_i32_1 = arith.constant 0 : i32
    return %arg0, %c0_i32, %c0_i32_0 : i32, i32, i32
  }
  func.func @transform_1(%arg0: i32) -> (i32, i32) {
    %c0_i32 = arith.constant 0 : i32
    %c0_i32_0 = arith.constant 0 : i32
    %c0_i32_1 = arith.constant 0 : i32
    return %c0_i32, %c0_i32_0 : i32, i32
  }
  func.func @transform_2(%arg0: i32) -> (i32, i32, i32) {
    %c0_i32 = arith.constant 0 : i32
    %c0_i32_0 = arith.constant 0 : i32
    %c0_i32_1 = arith.constant 0 : i32
    return %c0_i32, %arg0, %c0_i32_0 : i32, i32, i32
  }
  func.func @transform_3(%arg0: i32) -> (i32, i32, i32) {
    %c0_i32 = arith.constant 0 : i32
    %c0_i32_0 = arith.constant 0 : i32
    %c0_i32_1 = arith.constant 0 : i32
    return %c0_i32, %arg0, %c0_i32_0 : i32, i32, i32
  }
}

</mosaic_0001>

<sc_bundles>
// kernel: kernel.4.cloned.1.call-start
scs
__scs_entry_jumppad:
0x0: {  	(pc) =	sbr.rel $0x88, $3  }
0x1: {  	(tag) =	ssettag $0x0;
	lr =	simm.s32 $0x1  }
0x2: {  	[smem:$0x3F9C] =	sst lr;
	_ =	strace $0xD0000000  }
0x3: {  	_ = 	snop  }
0x4: {  	_ = 	snop  }
0x5: {  	_ = 	snop  }
0x6: {  	_ = 	snop  }
0x7: {  	_ = 	snop  }
__scs_overlays_trampoline_lowered:
0x8: {  	[smem:$0x3FAB] =	sst s0  }
0x9: {  	[smem:$0x3FAC] =	sst s1  }
0xa: {  	[smem:$0x3FAD] =	sst s2  }
0xb: {  	[smem:$0x3FAE] =	sst s3  }
0xc: {  	[smem:$0x3FAF] =	sst s4  }
0xd: {  	[smem:$0x3FB0] =	sst s5  }
0xe: {  	[smem:$0x3FB1] =	sst s6  }
0xf: {  	[smem:$0x3FB2] =	sst s7  }
0x10: {  	[smem:$0x3FB3] =	sst s8  }
0x11: {  	[smem:$0x3FB4] =	sst s9;
	s0 =	simm.s32 @!p0 $0x0  }
0x12: {  	s1 =	sld [smem:$0x3F9A];
	s0 =	simm.s32 @p0 $0x1  }
0x13: {  	[smem:$0x3FB5] =	sst s0;
	s0 =	simm.s32 @!p1 $0x0  }
0x14: {  	s2 =	sld [smem:$0x3F99];
	s0 =	simm.s32 @p1 $0x1  }
0x15: {  	[smem:$0x3FB6] =	sst s0;
	s0 =	simm.s32 @!p2 $0x0  }
0x16: {  	s3 =	sld [smem:$0x3FDB];
	s0 =	simm.s32 @p2 $0x1  }
0x17: {  	s4 =	simm.s32 $0x1BF5;
	[smem:$0x3FB8] =	sst s0  }
0x18: {  	s0 =	sld [smem:$0x3F9B];
	_ =	swait.ge [sflag:s4], $0x0  }
0x19: {  	s7 =	sld [smem:$0x3F9C]  }
0x1a: {  	s8 =	sadd.s32 $0xFFFFE003, lr  }
0x1b: {  	s9 =	sadd.s32 $0xFFFFFEF7, lr;
	s5 =	simm.s32 $0xFFFFFFFF;
	p2 =	slt.u32 s8, $0xFFFFF086  }
0x1c: {  	p1 =	slt.u32 s9, $0xF7A;
	s5 =	simm.s32 @!p2 $0x0  }
0x1d: {  	s5 =	simm.s32 @p1 $0x1;
	p0 =	seq.s32 s7, s2  }
0x1e: {  	s7 =	smul.u32 @!p0 $0xF7A, s2;
	p2 =	seq.s32 @!p0 s5, $0x0  }
0x1f: {  	s9 =	smul.u32 $0xF7A, s1;
	s8 =	simm.s32 @!p0 $0x1BF5;
	p2 =	por !p2, p0  }
0x20: {  	[sflag:s8] =	ssyncset.s32 @!p0 $0xFFFFF086;
	s6 =	sadd.s32 @!p0 s3, s7;
	s7 =	simm.s32 @!p0 $0x108  }
0x21: {  	s3 =	sadd.s32 s3, s9;
	s6 =	sadd.s32 @!p0 $0x88, s6;
	s7 =	simm.s32 @p2 $0x1082  }
0x22: {  	[simem:s7], [sflag:s8] =	dma.local @!p0 [hbm:s6], $0xF7A  }
0x23: {  	s9 =	sor.u32 $0xD0000000, s2;
	s6 =	simm.s32 $0x108;
	_ =	swait.ge @!p0 [sflag:s8], $0x0  }
0x24: {  	s3 =	sadd.s32 $0x88, s3;
	s6 =	simm.s32 @!p1 $0x1082;
	[sflag:s4] =	ssyncset.s32 $0xFFFFF086  }
0x25: {  	[simem:s6], [sflag:s4] =	dma.local [hbm:s3], $0xF7A  }
0x26: {  	[smem:$0x3F9C] =	sst s1;
	(tag) =	ssettag s2;
	_ =	strace s9  }
0x27: {  	s1 =	sld [smem:$0x3FAC]  }
0x28: {  	s2 =	sld [smem:$0x3FAD]  }
0x29: {  	s4 =	sld [smem:$0x3FAF]  }
0x2a: {  	p0 =	seq.s32 s5, $0x0;
	s5 =	sld [smem:$0x3FB0]  }
0x2b: {  	s6 =	sld [smem:$0x3FB1]  }
0x2c: {  	s7 =	sld [smem:$0x3FB2]  }
0x2d: {  	s3 =	simm.s32 $0x108;
	s8 =	sld [smem:$0x3FB3]  }
0x2e: {  	s3 =	simm.s32 @!p0 $0x1082;
	s9 =	sld [smem:$0x3FB4]  }
0x2f: {  	lr =	sadd.s32 s0, s3;
	s0 =	sld [smem:$0x3FAB]  }
0x30: {  	s3 =	sld [smem:$0x3FAE]  }
0x31: {  	[smem:$0x3FB7] =	sst s10  }
0x32: {  	s10 =	sld [smem:$0x3FB5];
	_ =	sdelay $0x3  }
0x33: {  	p0 =	seq.s32 s10, $0x1;
	s10 =	sld [smem:$0x3FB7];
	_ =	sdelay $0x3  }
0x34: {  	[smem:$0x3FB7] =	sst s10  }
0x35: {  	s10 =	sld [smem:$0x3FB6];
	_ =	sdelay $0x3  }
0x36: {  	p1 =	seq.s32 s10, $0x1;
	s10 =	sld [smem:$0x3FB7];
	_ =	sdelay $0x3  }
0x37: {  	[smem:$0x3FB7] =	sst s10  }
0x38: {  	s10 =	sld [smem:$0x3FB8]  }
0x39: {  	_ = 	snop;
	(pc) =	sbr.ind lr, $3  }
0x3a: {  	_ = 	snop  }
0x3b: {  	_ = 	snop  }
0x3c: {  	p2 =	seq.s32 s10, $0x1;
	s10 =	sld [smem:$0x3FB7]  }
0x3d: {  	_ =	shalt  }
0x3e: {  	_ =	shalt  }
0x3f: {  	_ =	shalt  }
0x40: {  	_ =	shalt  }
0x41: {  	_ =	shalt  }
0x42: {  	_ =	shalt  }
0x43: {  	_ =	shalt  }
0x44: {  	_ =	shalt  }
0x45: {  	_ =	shalt  }
0x46: {  	_ =	shalt  }
0x47: {  	_ =	shalt  }
0x48: {  	_ =	shalt  }
0x49: {  	_ =	shalt  }
0x4a: {  	_ =	shalt  }
0x4b: {  	_ =	shalt  }
0x4c: {  	_ =	shalt  }
0x4d: {  	_ =	shalt  }
0x4e: {  	_ =	shalt  }
0x4f: {  	_ =	shalt  }
0x50: {  	_ =	shalt  }
0x51: {  	_ =	shalt  }
0x52: {  	_ =	shalt  }
0x53: {  	_ =	shalt  }
0x54: {  	_ =	shalt  }
0x55: {  	_ =	shalt  }
0x56: {  	_ =	shalt  }
0x57: {  	_ =	shalt  }
0x58: {  	_ =	shalt  }
0x59: {  	_ =	shalt  }
0x5a: {  	_ =	shalt  }
0x5b: {  	_ =	shalt  }
0x5c: {  	_ =	shalt  }
0x5d: {  	_ =	shalt  }
0x5e: {  	_ =	shalt  }
0x5f: {  	_ =	shalt  }
0x60: {  	_ =	shalt  }
0x61: {  	_ =	shalt  }
0x62: {  	_ =	shalt  }
0x63: {  	_ =	shalt  }
0x64: {  	_ =	shalt  }
0x65: {  	_ =	shalt  }
0x66: {  	_ =	shalt  }
0x67: {  	_ =	shalt  }
0x68: {  	_ =	shalt  }
0x69: {  	_ =	shalt  }
0x6a: {  	_ =	shalt  }
0x6b: {  	_ =	shalt  }
0x6c: {  	_ =	shalt  }
0x6d: {  	_ =	shalt  }
0x6e: {  	_ =	shalt  }
0x6f: {  	_ =	shalt  }
0x70: {  	_ =	shalt  }
0x71: {  	_ =	shalt  }
0x72: {  	_ =	shalt  }
0x73: {  	_ =	shalt  }
0x74: {  	_ =	shalt  }
0x75: {  	_ =	shalt  }
0x76: {  	_ =	shalt  }
0x77: {  	_ =	shalt  }
0x78: {  	_ =	shalt  }
0x79: {  	_ =	shalt  }
0x7a: {  	_ =	shalt  }
0x7b: {  	_ =	shalt  }
0x7c: {  	_ =	shalt  }
0x7d: {  	_ =	shalt  }
0x7e: {  	_ =	shalt  }
0x7f: {  	_ =	shalt  }
0x80: {  	_ =	shalt  }
0x81: {  	_ =	shalt  }
0x82: {  	_ =	shalt  }
0x83: {  	_ =	shalt  }
0x84: {  	_ =	shalt  }
0x85: {  	_ =	shalt  }
0x86: {  	_ =	shalt  }
0x87: {  	_ =	shalt  }
.Lfunc_end0:
.L_simem_size_0:
called_computation_lowered:
.L_overlay_start_0:
0x88: {  	s2 =	sld [smem:$0x3FD9]  }
0x89: {  	s3 =	sld [smem:$0x3FFE];
	_ =	sdelay $0x1  }
0x8a: {  	s1 =	srdreg.scid  }
0x8b: {  	s0 =	sand.u32 $0x1, s1  }
0x8c: {  	s15 =	sshll.u32 s0, $0xA;
	s2 =	sadd.s32 s3, s2  }
0x8d: {  	s2 =	sadd.s32 s2, s15  }
0x8e: {  	[smem:$0x3FC3] =	sst s2  }
0x8f: {  	_ = 	snop  }
0x90: {  	s2 =	sld [smem:$0x3FD0]  }
0x91: {  	s16 =	sld [smem:$0x3FC9]  }
0x92: {  	s4 =	sld [smem:$0x3FC7]  }
0x93: {  	s6 =	simm.s32 $0xA;
	s7 =	simm.s32 $0x10;
	s5 =	sld [smem:$0x3FC6]  }
0x94: {  	[smem:s7], [sflag:s6] =	dma.local [hbm:s2], $0x1  }
0x95: {  	_ =	swait.eq [sflag:s6], $0x1  }
0x96: {  	[sflag:s6] =	ssyncset.done $0x0  }
0x97: {  	[sflag:s6] =	ssyncadd.s32 $0xFFFFFFFF  }
0x98: {  	s17 =	sld [smem:$0x10];
	(tm) =	ssettm $0x1  }
0x99: {  	s18 =	sld [smem:$0x3FFB];
	_ =	sdelay $0x3  }
0x9a: {  	_ =	strace s18  }
0x9b: {  	s6 =	sld [smem:$0x3FFC];
	_ =	sdelay $0x3  }
0x9c: {  	_ =	strace s6  }
0x9d: {  	s6 =	sld [smem:$0x3FFD];
	_ =	sdelay $0x3  }
0x9e: {  	_ =	strace s6  }
0x9f: {  	_ =	strace $0x8FFFFFFF  }
0xa0: {  	s19 =	sld [smem:$0x3FDB];
	_ =	sdelay $0x1  }
0xa1: {  	s20 =	simm.s32 $_scs_section_size  }
0xa2: {  	s8 =	simm.s32 $_size__tile_overlayer_lowered;
	s9 =	simm.s32 $_tile_overlayer_lowered  }
0xa3: {  	s23 =	simm.s32 $0x1BFF;
	s22 =	sshll.u32 s9, $0x1;
	s6 =	sadd.s32 s20, s19  }
0xa4: {  	s10 =	simm.s32 $0x0;
	s21 =	sshll.u32 s8, $0x1;
	s8 =	sadd.s32 s22, s6  }
0xa5: {  	[timem:s10], [sflag:s23] =	dma.local [hbm:s8], s21  }
0xa6: {  	_ =	swait.ge [sflag:s23], s21  }
0xa7: {  	s7 =	ssub.s32 $0x0, s21;
	[sflag:s23] =	ssyncset.done $0x0  }
0xa8: {  	[sflag:s23] =	ssyncadd.s32 s7;
	_ =	sdelay $0x1  }
0xa9: {  	s24 =	simm.s32 $0x1B8B  }
0xaa: {  	_ =	swait.ge [sflag:s24], $0x1  }
0xab: {  	[sflag:s24] =	ssyncset.done $0x0  }
0xac: {  	s25 =	simm.s32 $0x1B8E;
	[sflag:s24] =	ssyncadd.s32 $0xFFFFFFFF  }
0xad: {  	s26 =	simm.s32 $execute0_lowered;
	[smem:$0x3FD2] =	sst s25  }
0xae: {  	s7 =	sshll.u32 s26, $0x1;
	_ =	strace $0x80000046;
	[dreg:$0x1] =	wrdreg $0xFFFFFFFF  }
0xaf: {  	s28 =	simm.s32 $_size_execute0_lowered;
	s6 =	sadd.s32 s6, s7;
	[dreg:$0x0] =	wrdreg $0x0  }
0xb0: {  	s7 =	sshll.u32 s28, $0x1;
	[dreg:$0x2] =	wrdreg s6  }
0xb1: {  	[dreg:$0x3] =	wrdreg s7  }
0xb2: {  	[dreg:$0x4] =	wrdreg $0xC0  }
0xb3: {  	_ =	task [dreg:s10], $0x5FFFF  }
0xb4: {  	[dreg:$0x1] =	wrdreg $0xFFFFFFFF  }
0xb5: {  	[dreg:$0x0] =	wrdreg $0x60  }
0xb6: {  	[dreg:$0x2] =	wrdreg s16  }
0xb7: {  	[dreg:$0x3] =	wrdreg s4  }
0xb8: {  	[dreg:$0x4] =	wrdreg s5  }
0xb9: {  	[dreg:$0x5] =	wrdreg s17  }
0xba: {  	[dreg:$0x6] =	wrdreg $0x9  }
0xbb: {  	_ =	task.clear_ibuf [dreg:s10], $0x7FFFF;
	_ =	strace $0x90000046  }
0xbc: {  	s29 =	simm.s32 $0x9;
	_ =	strace $0x80000048  }
0xbd: {  	_ =	swait.ge [sflag:s29], $0x1  }
0xbe: {  	[sflag:s29] =	ssyncadd.s32 $0xFFFFFFFF  }
0xbf: {  	_ =	strace $0x90000048  }
0xc0: {  	_ =	sfence  }
0xc1: {  	s30 =	sld [smem:$0x0];
	_ =	sdelay $0x2  }
0xc2: {  	s31 =	sshll.u32 s1, $0xD;
	s1 =	sshrl.u32 s1, $0x2  }
0xc3: {  	s3 =	sand.u32 $0x4000, s31;
	s1 =	sadd.s32 s1, s30  }
0xc4: {  	s0 =	sor.u32 s3, s0;
	s1 =	sshll.u32 s1, $0x11  }
0xc5: {  	s0 =	sor.u32 s1, s0  }
0xc6: {  	s0 =	sadd.s32 $0x8F2B, s0  }
0xc7: {  	[sflag:s0] =	ssyncadd.remote.s32 $0x1  }
0xc8: {  	_ =	sfence.sel $0xFFFF  }
0xc9: {  	[dreg:$0x0] =	wrdreg $0xFFFFFFFF;
	(pc) =	sbr.abs _section_cstart, $3  }
0xca: {  	[dreg:$0x1] =	wrdreg $0xFFFFFFFF  }
0xcb: {  	_ =	task.clear_ibuf [dreg:s10], $0x2FFFF;
	_ =	strace $0x9FFFFFFF  }
0xcc: {  	(tm) =	ssettm $0x7FFFFFFF  }
0xcd: {  	_ =	shalt  }
tec
execute0_lowered:
.L_overlay_start_1:
0x0: {  	(tag) =	ssettag $0x1  }
0x1: {  	s0 =	rddreg [dreg:$0x0]  }
0x2: {  	s1 =	srdreg.scid;
	s8 =	rddreg [dreg:$0x1]  }
0x3: {  	s7 =	stileid.u32;
	s3 =	rddreg [dreg:$0x3]  }
0x4: {  	s12 =	simm.s32 $0x4;
	s16 =	simm.s32 $0x1C80;
	s17 =	simm.s32 $0x2480  }
0x5: {  	s18 =	simm.s32 $0x2C80;
	s19 =	simm.s32 $0x3480;
	s20 =	simm.s32 $0x3C80  }
0x6: {  	s21 =	simm.s32 $0x4480;
	s22 =	simm.s32 $0x4C80;
	s23 =	simm.s32 $0x5480  }
0x7: {  	s24 =	simm.s32 $0xFC80;
	s13 =	simm.s32 $0x1;
	s11 =	simm.s32 $0x2  }
0x8: {  	s25 =	simm.s32 $0x3;
	s1 =	sand.u32 $0x1, s1;
	s2 =	sshll.u32 s7, $0x1  }
0x9: {  	s4 =	sor.u32 s1, s2;
	s2 =	rddreg [dreg:$0x2];
	s1 =	ssub.s32 $0x2, s1  }
0xa: {  	s5 =	smul.u32 $0x27, s4;
	s6 =	smin.u32 s4, $0x2;
	s4 =	simm.s32 $0x0  }
0xb: {  	p0 =	seq.s32 s7, $0x0;
	s9 =	sshrl.u32 s1, $0x1;
	[smem:$0x7FF] =	sst s4  }
0xc: {  	s1 =	ssub.s32 s1, s9;
	s9 =	simm.s32 $0x0;
	s5 =	sadd.s32 s6, s5  }
0xd: {  	_ =	strace $0x80000047;
	s1 =	smax.u32 s1, $0x1;
	s6 =	smul.u32 $0x50, s5  }
0xe: {  	s30 =	smul.u32 $0xA00, s5;
	[dreg:$0x8] =	wrdreg s1;
	s1 =	simm.s32 $0x4  }
.Ltmp0:
0xf: {  	s1 =	simm.s32 @!p0 $0x5;
	s10 =	sshrl.u32 s6, $0x3;
	(pc) =	sbr.rel .LBB2_1-.Ltmp0, $4  }
0x10: {  	s6 =	simm.s32 $0x28;
	[dreg:$0x9] =	wrdreg s1;
	s10 =	sadd.s32 s8, s10  }
0x11: {  	v2 =	vlaneseq.u32;
	s6 =	simm.s32 @!p0 $0x27;
	s8 =	sadd.s32 s0, s30;
	[dreg:$0x5] =	wrdreg s10  }
0x12: {  	vm0 =	vmmov $0xffff;
	v1 =	vshrl.u32 v2, $0x3;
	p0 =	sne.s32 s7, $0x0;
	s31 =	sadd.s32 $0x186, s10;
	[dreg:$0x7] =	wrdreg s8  }
0x13: {  	v0 =	vand.u32 $0x7, v2;
	v2 =	vor.u32 $0x8, v2;
	v1 =	vmul.u32 $0x8, v1;
	s7 =	simm.s32 $0x14C80;
	s10 =	simm.s32 $0x19C80;
	[dreg:$0x6] =	wrdreg s31  }
.LBB2_21:
0x14: {  	s1 =	rddreg [dreg:$0x9]  }
0x15: {  	_ =	swait.ge [sflag:s1], $0x5000  }
0x16: {  	[sflag:s1] =	ssyncset.done $0x0  }
0x17: {  	s8 =	simm.s32 $0x6;
	[sflag:s1] =	ssyncadd.s32 $0xFFFFB000  }
0x18: {  	_ =	swait.ge [sflag:s8], $0x5000  }
0x19: {  	s9 =	rddreg [dreg:$0xa]  }
0x1a: {  	s31 =	rddreg [dreg:$0x8];
	s9 =	sadd.s32 $0x1, s9  }
0x1b: {  	p1 =	sne.s32 s9, s31  }
.Ltmp1:
0x1c: {  	_ = 	snop;
	(pc) =	sbr.rel @!p1 .LBB2_22-.Ltmp1, $3  }
0x1d: {  	_ =	sdelay $0x1  }
0x1e: {  	[sflag:s8] =	ssyncset.done $0x0  }
0x1f: {  	[sflag:s8] =	ssyncadd.s32 $0xFFFFB000  }
.LBB2_1:
0x20: {  	[dreg:$0xa] =	wrdreg s9  }
0x21: {  	s1 =	rddreg [dreg:$0x5];
	s26 =	simm.s32 $0x7  }
0x22: {  	[tilespmem:s4], [sflag:$0x7] =	stream.linear.gather [hbm4b:s1+s4], $0xC30, $0x38;
	[tilespmem:$0x1EC80] =	vst v63  }
0x23: {  	_ =	swait.ge [sflag:s26], $0xC30  }
0x24: {  	s8 =	simm.s32 @!p0 $0xC30;
	[sflag:s26] =	ssyncset.done $0x0  }
0x25: {  	s1 =	simm.s32 @!p0 $0x0;
	s9 =	rddreg [dreg:$0x6];
	[sflag:s26] =	ssyncadd.s32 $0xFFFFF3D0  }
0x26: {  	[tilespmem:s8], [sflag:$0x7] =	stream.linear.gather @!p0 [hbm4b:s9+s1], $0x50, $0x38;
	[tilespmem:$0x1EC80] =	vst v63  }
0x27: {  	s1 =	simm.s32 @!p0 $0x7  }
0x28: {  	_ =	swait.ge @!p0 [sflag:s1], $0x50  }
0x29: {  	[sflag:s1] =	ssyncset.done @!p0 $0x0  }
0x2a: {  	[sflag:s1] =	ssyncadd.s32 @!p0 $0xFFFFFFB0  }
0x2b: {  	v3 =	vld [tilespmem:$0x0];
	_ =	sdelay $0x4  }
0x2c: {  	v4 =	vshll.u32 v3, $0x1  }
0x2d: {  	v3 =	vand.u32 $0x7, v3;
	v4 =	vand.u32 $0xFFFFFFF0, v4  }
0x2e: {  	v3 =	vor.u32 v3, v4  }
0x2f: {  	v4 =	vperm.xlane v3, v0;
	_ =	sdelay $0x1  }
0x30: {  	v3 =	vperm.xlane v3, v2;
	v4 =	vadd.s32 v1, v4;
	_ =	sdelay $0x1  }
0x31: {  	v3 =	vadd.s32 v1, v3;
	_ =	sdelay $0x1  }
0x32: {  	s29 =	simm.s32 $0xC80  }
0x33: {  	[tilespmem:s29], [sflag:$0x1] =	stream.indirect_vreg.gather [hbm4b:s2+s4], $0x80, v4, vm0, $0xb8;
	[tilespmem:$0x1EC80] =	vst v63  }
0x34: {  	s30 =	simm.s32 $0x1480  }
0x35: {  	[tilespmem:s30], [sflag:$0x1] =	stream.indirect_vreg.gather [hbm4b:s2+s4], $0x80, v3, vm0, $0xb8;
	[tilespmem:$0x1EC80] =	vst v63  }
0x36: {  	v3 =	vld [tilespmem:$0x10];
	_ =	sdelay $0x4  }
0x37: {  	v60 =	vshll.u32 v3, $0x1  }
0x38: {  	v3 =	vand.u32 $0x7, v3;
	v4 =	vand.u32 $0xFFFFFFF0, v60  }
0x39: {  	v3 =	vor.u32 v3, v4  }
0x3a: {  	v4 =	vperm.xlane v3, v0;
	_ =	sdelay $0x1  }
0x3b: {  	v3 =	vperm.xlane v3, v2;
	v4 =	vadd.s32 v1, v4;
	_ =	sdelay $0x1  }
0x3c: {  	v3 =	vadd.s32 v1, v3;
	_ =	sdelay $0x2  }
0x3d: {  	[tilespmem:s16], [sflag:$0x1] =	stream.indirect_vreg.gather [hbm4b:s2+s4], $0x80, v4, vm0, $0xb8;
	[tilespmem:$0x1EC80] =	vst v63  }
0x3e: {  	_ = 	snop  }
0x3f: {  	[tilespmem:s17], [sflag:$0x1] =	stream.indirect_vreg.gather [hbm4b:s2+s4], $0x80, v3, vm0, $0xb8;
	[tilespmem:$0x1EC80] =	vst v63  }
0x40: {  	v3 =	vld [tilespmem:$0x20];
	_ =	sdelay $0x4  }
0x41: {  	v61 =	vshll.u32 v3, $0x1  }
0x42: {  	v3 =	vand.u32 $0x7, v3;
	v4 =	vand.u32 $0xFFFFFFF0, v61  }
0x43: {  	v3 =	vor.u32 v3, v4  }
0x44: {  	v4 =	vperm.xlane v3, v0;
	_ =	sdelay $0x1  }
0x45: {  	v3 =	vperm.xlane v3, v2;
	v4 =	vadd.s32 v1, v4;
	_ =	sdelay $0x1  }
0x46: {  	v3 =	vadd.s32 v1, v3;
	_ =	sdelay $0x2  }
0x47: {  	[tilespmem:s18], [sflag:$0x1] =	stream.indirect_vreg.gather [hbm4b:s2+s4], $0x80, v4, vm0, $0xb8;
	[tilespmem:$0x1EC80] =	vst v63  }
0x48: {  	_ = 	snop  }
0x49: {  	[tilespmem:s19], [sflag:$0x1] =	stream.indirect_vreg.gather [hbm4b:s2+s4], $0x80, v3, vm0, $0xb8;
	[tilespmem:$0x1EC80] =	vst v63  }
0x4a: {  	v3 =	vld [tilespmem:$0x30];
	_ =	sdelay $0x4  }
0x4b: {  	v62 =	vshll.u32 v3, $0x1  }
0x4c: {  	v3 =	vand.u32 $0x7, v3;
	v4 =	vand.u32 $0xFFFFFFF0, v62  }
0x4d: {  	v3 =	vor.u32 v3, v4  }
0x4e: {  	v4 =	vperm.xlane v3, v0;
	_ =	sdelay $0x1  }
0x4f: {  	v3 =	vperm.xlane v3, v2;
	v4 =	vadd.s32 v1, v4;
	_ =	sdelay $0x1  }
0x50: {  	v3 =	vadd.s32 v1, v3;
	_ =	sdelay $0x2  }
0x51: {  	[tilespmem:s20], [sflag:$0x1] =	stream.indirect_vreg.gather [hbm4b:s2+s4], $0x80, v4, vm0, $0xb8;
	[tilespmem:$0x1EC80] =	vst v63  }
0x52: {  	_ = 	snop  }
0x53: {  	[tilespmem:s21], [sflag:$0x1] =	stream.indirect_vreg.gather [hbm4b:s2+s4], $0x80, v3, vm0, $0xb8;
	[tilespmem:$0x1EC80] =	vst v63  }
0x54: {  	v3 =	vld [tilespmem:$0x40];
	_ =	sdelay $0x4  }
0x55: {  	v63 =	vshll.u32 v3, $0x1  }
0x56: {  	v3 =	vand.u32 $0x7, v3;
	v4 =	vand.u32 $0xFFFFFFF0, v63  }
0x57: {  	v3 =	vor.u32 v3, v4  }
0x58: {  	v4 =	vperm.xlane v3, v0;
	_ =	sdelay $0x1  }
0x59: {  	v4 =	vadd.s32 v1, v4  }
0x5a: {  	v3 =	vperm.xlane v3, v2;
	_ =	sdelay $0x1  }
0x5b: {  	v3 =	vadd.s32 v1, v3;
	_ =	sdelay $0x1  }
0x5c: {  	[tilespmem:s22], [sflag:$0x1] =	stream.indirect_vreg.gather [hbm4b:s2+s4], $0x80, v4, vm0, $0xb8;
	[tilespmem:$0x1EC80] =	vst v63  }
.Ltmp2:
0x5d: {  	_ = 	snop;
	(pc) =	sbr.rel .LBB2_2-.Ltmp2, $4  }
0x5e: {  	s26 =	simm.s32 @!p0 $0xE  }
0x5f: {  	[tilespmem:s23], [sflag:$0x1] =	stream.indirect_vreg.gather [hbm4b:s2+s4], $0x80, v3, vm0, $0xb8;
	[tilespmem:$0x1EC80] =	vst v63  }
0x60: {  	s28 =	simm.s32 $0x0;
	s26 =	simm.s32 @p0 $0xD;
	s31 =	rddreg [dreg:$0x7]  }
0x61: {  	[tilespmem:s24], [sflag:$0x1] =	stream.linear.gather [hbm4b:s31+s4], $0x5000, $0x38;
	[tilespmem:$0x1EC80] =	vst v63  }
.LBB2_20:
0x62: {  	s28 =	sadd.s32 $0x1, s28  }
0x63: {  	p1 =	sne.s32 s28, s26  }
.Ltmp3:
0x64: {  	_ = 	snop;
	(pc) =	sbr.rel @!p1 .LBB2_21-.Ltmp3, $1  }
0x65: {  	_ =	sdelay $0x3  }
.LBB2_2:
0x66: {  	s29 =	smul.u32 $0x3, s28;
	_ =	sdelay $0x1  }
0x67: {  	s30 =	sadd.s32 $0x1, s29  }
0x68: {  	p1 =	sge.u32 s30, s6  }
.Ltmp4:
0x69: {  	_ = 	snop;
	(pc) =	sbr.rel @p1 .LBB2_4-.Ltmp4, $2  }
0x6a: {  	_ =	sdelay $0x2  }
0x6b: {  	p3 =	seq.s32 s28, $0x0  }
0x6c: {  	s1 =	simm.s32 @!p3 $0x5  }
0x6d: {  	s8 =	smul.u32 $0x140, s30;
	_ =	swait.ge @!p3 [sflag:s1], $0x5000  }
0x6e: {  	[sflag:s1] =	ssyncset.done @!p3 $0x0  }
0x6f: {  	[sflag:s1] =	ssyncadd.s32 @!p3 $0xFFFFB000;
	s1 =	sshra.s32 s8, $0x2  }
0x70: {  	v3 =	vld [tilespmem:s1+$0x0];
	_ =	sdelay $0x4  }
0x71: {  	v4 =	vshll.u32 v3, $0x1  }
0x72: {  	v3 =	vand.u32 $0x7, v3;
	v4 =	vand.u32 $0xFFFFFFF0, v4  }
0x73: {  	v3 =	vor.u32 v3, v4  }
0x74: {  	v4 =	vperm.xlane v3, v0;
	_ =	sdelay $0x1  }
0x75: {  	v3 =	vperm.xlane v3, v2;
	v4 =	vadd.s32 v1, v4;
	_ =	sdelay $0x1  }
0x76: {  	v3 =	vadd.s32 v1, v3;
	_ =	sdelay $0x1  }
0x77: {  	s14 =	simm.s32 $0x5C80  }
0x78: {  	[tilespmem:s14], [sflag:$0x2] =	stream.indirect_vreg.gather [hbm4b:s2+s4], $0x80, v4, vm0, $0xb8;
	[tilespmem:$0x1EC80] =	vst v63  }
0x79: {  	s15 =	simm.s32 $0x6480  }
0x7a: {  	[tilespmem:s15], [sflag:$0x2] =	stream.indirect_vreg.gather [hbm4b:s2+s4], $0x80, v3, vm0, $0xb8;
	[tilespmem:$0x1EC80] =	vst v63  }
0x7b: {  	v3 =	vld [tilespmem:s1+$0x10];
	_ =	sdelay $0x4  }
0x7c: {  	v60 =	vshll.u32 v3, $0x1  }
0x7d: {  	v3 =	vand.u32 $0x7, v3;
	v4 =	vand.u32 $0xFFFFFFF0, v60  }
0x7e: {  	v3 =	vor.u32 v3, v4  }
0x7f: {  	v4 =	vperm.xlane v3, v0;
	_ =	sdelay $0x1  }
0x80: {  	v3 =	vperm.xlane v3, v2;
	v4 =	vadd.s32 v1, v4;
	_ =	sdelay $0x1  }
0x81: {  	v3 =	vadd.s32 v1, v3;
	_ =	sdelay $0x1  }
0x82: {  	s31 =	simm.s32 $0x6C80  }
0x83: {  	[tilespmem:s31], [sflag:$0x2] =	stream.indirect_vreg.gather [hbm4b:s2+s4], $0x80, v4, vm0, $0xb8;
	[tilespmem:$0x1EC80] =	vst v63  }
0x84: {  	s9 =	simm.s32 $0x7480  }
0x85: {  	[tilespmem:s9], [sflag:$0x2] =	stream.indirect_vreg.gather [hbm4b:s2+s4], $0x80, v3, vm0, $0xb8;
	[tilespmem:$0x1EC80] =	vst v63  }
0x86: {  	v3 =	vld [tilespmem:s1+$0x20];
	_ =	sdelay $0x4  }
0x87: {  	v61 =	vshll.u32 v3, $0x1  }
0x88: {  	v3 =	vand.u32 $0x7, v3;
	v4 =	vand.u32 $0xFFFFFFF0, v61  }
0x89: {  	v3 =	vor.u32 v3, v4  }
0x8a: {  	v4 =	vperm.xlane v3, v0;
	_ =	sdelay $0x1  }
0x8b: {  	v3 =	vperm.xlane v3, v2;
	v4 =	vadd.s32 v1, v4;
	_ =	sdelay $0x1  }
0x8c: {  	v3 =	vadd.s32 v1, v3;
	_ =	sdelay $0x1  }
0x8d: {  	s14 =	simm.s32 $0x7C80  }
0x8e: {  	[tilespmem:s14], [sflag:$0x2] =	stream.indirect_vreg.gather [hbm4b:s2+s4], $0x80, v4, vm0, $0xb8;
	[tilespmem:$0x1EC80] =	vst v63  }
0x8f: {  	s15 =	simm.s32 $0x8480  }
0x90: {  	[tilespmem:s15], [sflag:$0x2] =	stream.indirect_vreg.gather [hbm4b:s2+s4], $0x80, v3, vm0, $0xb8;
	[tilespmem:$0x1EC80] =	vst v63  }
0x91: {  	v3 =	vld [tilespmem:s1+$0x30];
	_ =	sdelay $0x4  }
0x92: {  	v62 =	vshll.u32 v3, $0x1  }
0x93: {  	v3 =	vand.u32 $0x7, v3;
	v4 =	vand.u32 $0xFFFFFFF0, v62  }
0x94: {  	v3 =	vor.u32 v3, v4  }
0x95: {  	v4 =	vperm.xlane v3, v0;
	_ =	sdelay $0x1  }
0x96: {  	v3 =	vperm.xlane v3, v2;
	v4 =	vadd.s32 v1, v4;
	_ =	sdelay $0x1  }
0x97: {  	v3 =	vadd.s32 v1, v3;
	_ =	sdelay $0x1  }
0x98: {  	s31 =	simm.s32 $0x8C80  }
0x99: {  	[tilespmem:s31], [sflag:$0x2] =	stream.indirect_vreg.gather [hbm4b:s2+s4], $0x80, v4, vm0, $0xb8;
	[tilespmem:$0x1EC80] =	vst v63  }
0x9a: {  	s9 =	simm.s32 $0x9480  }
0x9b: {  	[tilespmem:s9], [sflag:$0x2] =	stream.indirect_vreg.gather [hbm4b:s2+s4], $0x80, v3, vm0, $0xb8;
	[tilespmem:$0x1EC80] =	vst v63  }
0x9c: {  	v3 =	vld [tilespmem:s1+$0x40];
	_ =	sdelay $0x4  }
0x9d: {  	v63 =	vshll.u32 v3, $0x1  }
0x9e: {  	v3 =	vand.u32 $0x7, v3;
	v4 =	vand.u32 $0xFFFFFFF0, v63  }
0x9f: {  	v3 =	vor.u32 v3, v4  }
0xa0: {  	v4 =	vperm.xlane v3, v0;
	_ =	sdelay $0x1  }
0xa1: {  	v3 =	vperm.xlane v3, v2;
	v4 =	vadd.s32 v1, v4;
	_ =	sdelay $0x1  }
0xa2: {  	v3 =	vadd.s32 v1, v3;
	_ =	sdelay $0x1  }
0xa3: {  	s14 =	simm.s32 $0x9C80;
	s15 =	sadd.s32 s5, s30  }
0xa4: {  	[tilespmem:s14], [sflag:$0x2] =	stream.indirect_vreg.gather [hbm4b:s2+s4], $0x80, v4, vm0, $0xb8;
	[tilespmem:$0x1EC80] =	vst v63  }
0xa5: {  	s31 =	simm.s32 $0xA480;
	s1 =	smul.u32 $0xA00, s15  }
0xa6: {  	[tilespmem:s31], [sflag:$0x2] =	stream.indirect_vreg.gather [hbm4b:s2+s4], $0x80, v3, vm0, $0xb8;
	[tilespmem:$0x1EC80] =	vst v63  }
0xa7: {  	s1 =	sadd.s32 s0, s1  }
0xa8: {  	[tilespmem:s7], [sflag:$0x2] =	stream.linear.gather [hbm4b:s1+s4], $0x5000, $0x38;
	[tilespmem:$0x1EC80] =	vst v63  }
.LBB2_4:
0xa9: {  	p2 =	sge.u32 s29, s6  }
.Ltmp5:
0xaa: {  	_ = 	snop;
	(pc) =	sbr.rel @p2 .LBB2_8-.Ltmp5, $1  }
0xab: {  	_ =	sdelay $0x3  }
0xac: {  	_ =	swait.ge [sflag:s13], $0x5000  }
0xad: {  	[sflag:s13] =	ssyncset.done $0x0  }
0xae: {  	[sflag:s13] =	ssyncadd.s32 $0xFFFFB000  }
0xaf: {  	s1 =	simm.s32 $0x0;
	_ =	swait.ge [sflag:s13], $0x5000  }
0xb0: {  	s8 =	sand.u32 $0x7800, s1;
	s1 =	sand.u32 $0x380, s1;
	[sflag:s13] =	ssyncset.done $0x0  }
0xb1: {  	s31 =	sor.u32 s1, s8;
	[sflag:s13] =	ssyncadd.s32 $0xFFFFB000  }
0xb2: {  	v10 =	vld [tilespmem:s31+$0xC80]  }
0xb3: {  	v11 =	vld [tilespmem:s31+$0xC90]  }
0xb4: {  	v12 =	vld [tilespmem:s31+$0xCA0]  }
0xb5: {  	v13 =	vld [tilespmem:s31+$0xCB0]  }
0xb6: {  	v14 =	vld [tilespmem:s31+$0xCC0]  }
0xb7: {  	v15 =	vld [tilespmem:s31+$0xCD0]  }
0xb8: {  	v16 =	vld [tilespmem:s31+$0xCE0]  }
0xb9: {  	v17 =	vld [tilespmem:s31+$0xCF0]  }
0xba: {  	v18 =	vld [tilespmem:s31+$0x1080]  }
0xbb: {  	v9 =	vld [tilespmem:s31+$0x1090]  }
0xbc: {  	v8 =	vld [tilespmem:s31+$0x10A0]  }
0xbd: {  	v7 =	vld [tilespmem:s31+$0x10B0]  }
0xbe: {  	v6 =	vld [tilespmem:s31+$0x10C0]  }
0xbf: {  	v5 =	vld [tilespmem:s31+$0x10D0]  }
0xc0: {  	v4 =	vld [tilespmem:s31+$0x10E0]  }
0xc1: {  	v3 =	vld [tilespmem:s31+$0x10F0]  }
0xc2: {  	v19 =	vld [tilespmem:s31+$0xFC80]  }
0xc3: {  	v20 =	vld [tilespmem:s31+$0xFC90]  }
0xc4: {  	v21 =	vld [tilespmem:s31+$0xFCA0]  }
0xc5: {  	v22 =	vld [tilespmem:s31+$0xFCB0]  }
0xc6: {  	v23 =	vld [tilespmem:s31+$0xFCC0]  }
0xc7: {  	v10 =	vmul.f32 v10, v19;
	v19 =	vld [tilespmem:s31+$0xFCD0]  }
0xc8: {  	v61 =	vld [tilespmem:s31+$0xFCE0];
	v11 =	vmul.f32 v11, v20  }
0xc9: {  	v62 =	vld [tilespmem:s31+$0xFCF0];
	[tilespmem:s31+$0xFC80] =	vst v10;
	v10 =	vmul.f32 v12, v21  }
0xca: {  	v63 =	vld [tilespmem:s31+$0x10080];
	[tilespmem:s31+$0xFC90] =	vst v11;
	v11 =	vmul.f32 v13, v22  }
0xcb: {  	v13 =	vld [tilespmem:s31+$0x10090];
	[tilespmem:s31+$0xFCA0] =	vst v10;
	v10 =	vmul.f32 v14, v23  }
0xcc: {  	v12 =	vld [tilespmem:s31+$0x100A0];
	[tilespmem:s31+$0xFCB0] =	vst v11;
	v11 =	vmul.f32 v15, v19  }
0xcd: {  	v14 =	vmul.f32 v16, v61;
	[tilespmem:s31+$0xFCC0] =	vst v10;
	v10 =	vld [tilespmem:s31+$0x100B0]  }
0xce: {  	v16 =	vmul.f32 v17, v62;
	[tilespmem:s31+$0xFCD0] =	vst v11;
	v11 =	vld [tilespmem:s31+$0x100C0]  }
0xcf: {  	s1 =	simm.s32 $0x80;
	s8 =	simm.s32 $0x100;
	v15 =	vmul.f32 v18, v63;
	[tilespmem:s31+$0xFCE0] =	vst v14;
	v14 =	vld [tilespmem:s31+$0x100D0]  }
.LBB2_6:
0xd0: {  	s9 =	sand.u32 $0x7800, s8;
	s14 =	sand.u32 $0x380, s1;
	p2 =	sne.s32 s8, $0x4F00;
	[tilespmem:s31+$0xFCF0] =	vst v16;
	v9 =	vmul.f32 v9, v13;
	v13 =	vld [tilespmem:s31+$0x100E0]  }
0xd1: {  	s9 =	sor.u32 s14, s9;
	[tilespmem:s31+$0x10080] =	vst v15;
	v8 =	vmul.f32 v8, v12;
	v12 =	vld [tilespmem:s31+$0x100F0]  }
0xd2: {  	v15 =	vld [tilespmem:s9+$0xC80];
	[tilespmem:s31+$0x10090] =	vst v9;
	v7 =	vmul.f32 v7, v10  }
0xd3: {  	v10 =	vld [tilespmem:s9+$0xC90];
	[tilespmem:s31+$0x100A0] =	vst v8;
	v6 =	vmul.f32 v6, v11  }
0xd4: {  	v11 =	vld [tilespmem:s9+$0xCA0];
	[tilespmem:s31+$0x100B0] =	vst v7;
	v5 =	vmul.f32 v5, v14  }
0xd5: {  	v14 =	vld [tilespmem:s9+$0xCB0];
	[tilespmem:s31+$0x100C0] =	vst v6;
	v4 =	vmul.f32 v4, v13  }
0xd6: {  	v13 =	vld [tilespmem:s9+$0xCC0];
	[tilespmem:s31+$0x100D0] =	vst v5;
	v3 =	vmul.f32 v3, v12  }
0xd7: {  	v12 =	vld [tilespmem:s9+$0xCD0];
	[tilespmem:s31+$0x100E0] =	vst v4  }
0xd8: {  	v16 =	vld [tilespmem:s9+$0xCE0];
	[tilespmem:s31+$0x100F0] =	vst v3;
	s31 =	smov.u32 s9  }
0xd9: {  	v17 =	vld [tilespmem:s31+$0xCF0]  }
0xda: {  	v18 =	vld [tilespmem:s31+$0x1080]  }
0xdb: {  	v9 =	vld [tilespmem:s31+$0x1090]  }
0xdc: {  	v8 =	vld [tilespmem:s31+$0x10A0]  }
0xdd: {  	v7 =	vld [tilespmem:s31+$0x10B0]  }
0xde: {  	v6 =	vld [tilespmem:s31+$0x10C0]  }
0xdf: {  	v5 =	vld [tilespmem:s31+$0x10D0]  }
0xe0: {  	v4 =	vld [tilespmem:s31+$0x10E0]  }
0xe1: {  	v3 =	vld [tilespmem:s31+$0x10F0]  }
0xe2: {  	v19 =	vld [tilespmem:s31+$0xFC80]  }
0xe3: {  	v20 =	vld [tilespmem:s31+$0xFC90]  }
0xe4: {  	v21 =	vld [tilespmem:s31+$0xFCA0]  }
0xe5: {  	v22 =	vld [tilespmem:s31+$0xFCB0]  }
0xe6: {  	v23 =	vld [tilespmem:s31+$0xFCC0]  }
0xe7: {  	v15 =	vmul.f32 v15, v19;
	v19 =	vld [tilespmem:s31+$0xFCD0]  }
0xe8: {  	v10 =	vmul.f32 v10, v20;
	v20 =	vld [tilespmem:s31+$0xFCE0]  }
0xe9: {  	[tilespmem:s31+$0xFC80] =	vst v15;
	v11 =	vmul.f32 v11, v21;
	v15 =	vld [tilespmem:s31+$0xFCF0]  }
0xea: {  	[tilespmem:s31+$0xFC90] =	vst v10;
	v10 =	vmul.f32 v14, v22;
	v14 =	vld [tilespmem:s31+$0x10080]  }
.Ltmp6:
0xeb: {  	[tilespmem:s31+$0xFCA0] =	vst v11;
	v11 =	vmul.f32 v13, v23;
	v13 =	vld [tilespmem:s31+$0x10090];
	(pc) =	sbr.rel @p2 .LBB2_6-.Ltmp6, $4  }
0xec: {  	[tilespmem:s31+$0xFCB0] =	vst v10;
	v19 =	vmul.f32 v12, v19;
	v12 =	vld [tilespmem:s31+$0x100A0]  }
0xed: {  	[tilespmem:s31+$0xFCC0] =	vst v11;
	v20 =	vmul.f32 v16, v20;
	v10 =	vld [tilespmem:s31+$0x100B0]  }
0xee: {  	[tilespmem:s31+$0xFCD0] =	vst v19;
	v16 =	vmul.f32 v17, v15;
	v11 =	vld [tilespmem:s31+$0x100C0]  }
0xef: {  	s1 =	sadd.s32 $0x80, s1;
	s8 =	sadd.s32 $0x100, s8;
	[tilespmem:s31+$0xFCE0] =	vst v20;
	v15 =	vmul.f32 v18, v14;
	v14 =	vld [tilespmem:s31+$0x100D0]  }
0xf0: {  	[tilespmem:s31+$0xFCF0] =	vst v16;
	v9 =	vmul.f32 v9, v13;
	v62 =	vld [tilespmem:s31+$0x100E0]  }
0xf1: {  	v63 =	vld [tilespmem:s31+$0x100F0];
	[tilespmem:s31+$0x10080] =	vst v15;
	v8 =	vmul.f32 v8, v12  }
0xf2: {  	[tilespmem:s31+$0x10090] =	vst v9;
	v7 =	vmul.f32 v7, v10  }
0xf3: {  	[tilespmem:s31+$0x100A0] =	vst v8;
	v6 =	vmul.f32 v6, v11  }
0xf4: {  	[tilespmem:s31+$0x100B0] =	vst v7;
	v5 =	vmul.f32 v5, v14  }
0xf5: {  	s1 =	sadd.s32 s5, s29;
	[tilespmem:s31+$0x100C0] =	vst v6;
	v4 =	vmul.f32 v4, v62  }
0xf6: {  	s1 =	smul.u32 $0xA00, s1;
	v3 =	vmul.f32 v3, v63;
	[tilespmem:s31+$0x100D0] =	vst v5  }
0xf7: {  	[tilespmem:s31+$0x100E0] =	vst v4  }
0xf8: {  	s1 =	sadd.s32 s3, s1;
	[tilespmem:s31+$0x100F0] =	vst v3  }
0xf9: {  	[hbm4b:s1+s4] =	stream.linear.scatter [tilespmem:s24], [sflag:$0x4], $0x5000, $0x38;
	[tilespmem:$0x1EC80] =	vst v63  }
.LBB2_8:
0xfa: {  	s31 =	sadd.s32 $0x2, s29  }
0xfb: {  	p2 =	sge.u32 s31, s6  }
.Ltmp7:
0xfc: {  	_ = 	snop;
	(pc) =	sbr.rel @p2 .LBB2_10-.Ltmp7, $1  }
0xfd: {  	_ =	sdelay $0x3  }
0xfe: {  	s1 =	simm.s32 @!p3 $0x6  }
0xff: {  	s8 =	smul.u32 $0x140, s31;
	_ =	swait.ge @!p3 [sflag:s1], $0x5000  }
0x100: {  	[sflag:s1] =	ssyncset.done @!p3 $0x0  }
0x101: {  	[sflag:s1] =	ssyncadd.s32 @!p3 $0xFFFFB000;
	s1 =	sshra.s32 s8, $0x2  }
0x102: {  	v3 =	vld [tilespmem:s1+$0x0];
	_ =	sdelay $0x4  }
0x103: {  	v4 =	vshll.u32 v3, $0x1  }
0x104: {  	v3 =	vand.u32 $0x7, v3;
	v4 =	vand.u32 $0xFFFFFFF0, v4  }
0x105: {  	v3 =	vor.u32 v3, v4  }
0x106: {  	v4 =	vperm.xlane v3, v0;
	_ =	sdelay $0x1  }
0x107: {  	v3 =	vperm.xlane v3, v2;
	v4 =	vadd.s32 v1, v4;
	_ =	sdelay $0x1  }
0x108: {  	v3 =	vadd.s32 v1, v3;
	_ =	sdelay $0x1  }
0x109: {  	s14 =	simm.s32 $0xAC80  }
0x10a: {  	[tilespmem:s14], [sflag:$0x3] =	stream.indirect_vreg.gather [hbm4b:s2+s4], $0x80, v4, vm0, $0xb8;
	[tilespmem:$0x1EC80] =	vst v63  }
0x10b: {  	s15 =	simm.s32 $0xB480  }
0x10c: {  	[tilespmem:s15], [sflag:$0x3] =	stream.indirect_vreg.gather [hbm4b:s2+s4], $0x80, v3, vm0, $0xb8;
	[tilespmem:$0x1EC80] =	vst v63  }
0x10d: {  	v3 =	vld [tilespmem:s1+$0x10];
	_ =	sdelay $0x4  }
0x10e: {  	v60 =	vshll.u32 v3, $0x1  }
0x10f: {  	v3 =	vand.u32 $0x7, v3;
	v4 =	vand.u32 $0xFFFFFFF0, v60  }
0x110: {  	v3 =	vor.u32 v3, v4  }
0x111: {  	v4 =	vperm.xlane v3, v0;
	_ =	sdelay $0x1  }
0x112: {  	v3 =	vperm.xlane v3, v2;
	v4 =	vadd.s32 v1, v4;
	_ =	sdelay $0x1  }
0x113: {  	v3 =	vadd.s32 v1, v3;
	_ =	sdelay $0x1  }
0x114: {  	s9 =	simm.s32 $0xBC80  }
0x115: {  	[tilespmem:s9], [sflag:$0x3] =	stream.indirect_vreg.gather [hbm4b:s2+s4], $0x80, v4, vm0, $0xb8;
	[tilespmem:$0x1EC80] =	vst v63  }
0x116: {  	s14 =	simm.s32 $0xC480  }
0x117: {  	[tilespmem:s14], [sflag:$0x3] =	stream.indirect_vreg.gather [hbm4b:s2+s4], $0x80, v3, vm0, $0xb8;
	[tilespmem:$0x1EC80] =	vst v63  }
0x118: {  	v3 =	vld [tilespmem:s1+$0x20];
	_ =	sdelay $0x4  }
0x119: {  	v61 =	vshll.u32 v3, $0x1  }
0x11a: {  	v3 =	vand.u32 $0x7, v3;
	v4 =	vand.u32 $0xFFFFFFF0, v61  }
0x11b: {  	v3 =	vor.u32 v3, v4  }
0x11c: {  	v4 =	vperm.xlane v3, v0;
	_ =	sdelay $0x1  }
0x11d: {  	v3 =	vperm.xlane v3, v2;
	v4 =	vadd.s32 v1, v4;
	_ =	sdelay $0x1  }
0x11e: {  	v3 =	vadd.s32 v1, v3;
	_ =	sdelay $0x1  }
0x11f: {  	s15 =	simm.s32 $0xCC80  }
0x120: {  	[tilespmem:s15], [sflag:$0x3] =	stream.indirect_vreg.gather [hbm4b:s2+s4], $0x80, v4, vm0, $0xb8;
	[tilespmem:$0x1EC80] =	vst v63  }
0x121: {  	s9 =	simm.s32 $0xD480  }
0x122: {  	[tilespmem:s9], [sflag:$0x3] =	stream.indirect_vreg.gather [hbm4b:s2+s4], $0x80, v3, vm0, $0xb8;
	[tilespmem:$0x1EC80] =	vst v63  }
0x123: {  	v3 =	vld [tilespmem:s1+$0x30];
	_ =	sdelay $0x4  }
0x124: {  	v62 =	vshll.u32 v3, $0x1  }
0x125: {  	v3 =	vand.u32 $0x7, v3;
	v4 =	vand.u32 $0xFFFFFFF0, v62  }
0x126: {  	v3 =	vor.u32 v3, v4  }
0x127: {  	v4 =	vperm.xlane v3, v0;
	_ =	sdelay $0x1  }
0x128: {  	v3 =	vperm.xlane v3, v2;
	v4 =	vadd.s32 v1, v4;
	_ =	sdelay $0x1  }
0x129: {  	v3 =	vadd.s32 v1, v3;
	_ =	sdelay $0x1  }
0x12a: {  	s14 =	simm.s32 $0xDC80  }
0x12b: {  	[tilespmem:s14], [sflag:$0x3] =	stream.indirect_vreg.gather [hbm4b:s2+s4], $0x80, v4, vm0, $0xb8;
	[tilespmem:$0x1EC80] =	vst v63  }
0x12c: {  	s15 =	simm.s32 $0xE480  }
0x12d: {  	[tilespmem:s15], [sflag:$0x3] =	stream.indirect_vreg.gather [hbm4b:s2+s4], $0x80, v3, vm0, $0xb8;
	[tilespmem:$0x1EC80] =	vst v63  }
0x12e: {  	v3 =	vld [tilespmem:s1+$0x40];
	_ =	sdelay $0x4  }
0x12f: {  	v63 =	vshll.u32 v3, $0x1  }
0x130: {  	v3 =	vand.u32 $0x7, v3;
	v4 =	vand.u32 $0xFFFFFFF0, v63  }
0x131: {  	v3 =	vor.u32 v3, v4  }
0x132: {  	v4 =	vperm.xlane v3, v0;
	_ =	sdelay $0x1  }
0x133: {  	v3 =	vperm.xlane v3, v2;
	v4 =	vadd.s32 v1, v4;
	_ =	sdelay $0x1  }
0x134: {  	v3 =	vadd.s32 v1, v3;
	_ =	sdelay $0x1  }
0x135: {  	s9 =	simm.s32 $0xEC80;
	s14 =	sadd.s32 s5, s31  }
0x136: {  	[tilespmem:s9], [sflag:$0x3] =	stream.indirect_vreg.gather [hbm4b:s2+s4], $0x80, v4, vm0, $0xb8;
	[tilespmem:$0x1EC80] =	vst v63  }
0x137: {  	s15 =	simm.s32 $0xF480;
	s1 =	smul.u32 $0xA00, s14  }
0x138: {  	[tilespmem:s15], [sflag:$0x3] =	stream.indirect_vreg.gather [hbm4b:s2+s4], $0x80, v3, vm0, $0xb8;
	[tilespmem:$0x1EC80] =	vst v63  }
0x139: {  	s1 =	sadd.s32 s0, s1  }
0x13a: {  	[tilespmem:s10], [sflag:$0x3] =	stream.linear.gather [hbm4b:s1+s4], $0x5000, $0x38;
	[tilespmem:$0x1EC80] =	vst v63  }
.LBB2_10:
.Ltmp8:
0x13b: {  	(pc) =	sbr.rel @p1 .LBB2_14-.Ltmp8, $1  }
0x13c: {  	_ =	sdelay $0x3  }
0x13d: {  	_ =	swait.ge [sflag:s11], $0x5000  }
0x13e: {  	[sflag:s11] =	ssyncset.done $0x0  }
0x13f: {  	[sflag:s11] =	ssyncadd.s32 $0xFFFFB000  }
0x140: {  	s1 =	simm.s32 $0x0;
	_ =	swait.ge [sflag:s11], $0x5000  }
0x141: {  	s8 =	sand.u32 $0x7800, s1;
	s1 =	sand.u32 $0x380, s1;
	[sflag:s11] =	ssyncset.done $0x0  }
0x142: {  	s1 =	sor.u32 s1, s8;
	[sflag:s11] =	ssyncadd.s32 $0xFFFFB000  }
0x143: {  	v10 =	vld [tilespmem:s1+$0x5C80]  }
0x144: {  	v11 =	vld [tilespmem:s1+$0x5C90]  }
0x145: {  	v12 =	vld [tilespmem:s1+$0x5CA0]  }
0x146: {  	v13 =	vld [tilespmem:s1+$0x5CB0]  }
0x147: {  	v14 =	vld [tilespmem:s1+$0x5CC0]  }
0x148: {  	v15 =	vld [tilespmem:s1+$0x5CD0]  }
0x149: {  	v16 =	vld [tilespmem:s1+$0x5CE0]  }
0x14a: {  	v17 =	vld [tilespmem:s1+$0x5CF0]  }
0x14b: {  	v18 =	vld [tilespmem:s1+$0x6080]  }
0x14c: {  	v9 =	vld [tilespmem:s1+$0x6090]  }
0x14d: {  	v8 =	vld [tilespmem:s1+$0x60A0]  }
0x14e: {  	v7 =	vld [tilespmem:s1+$0x60B0]  }
0x14f: {  	v6 =	vld [tilespmem:s1+$0x60C0]  }
0x150: {  	v5 =	vld [tilespmem:s1+$0x60D0]  }
0x151: {  	v4 =	vld [tilespmem:s1+$0x60E0]  }
0x152: {  	v3 =	vld [tilespmem:s1+$0x60F0]  }
0x153: {  	v19 =	vld [tilespmem:s1+$0x14C80]  }
0x154: {  	v20 =	vld [tilespmem:s1+$0x14C90]  }
0x155: {  	v21 =	vld [tilespmem:s1+$0x14CA0]  }
0x156: {  	v22 =	vld [tilespmem:s1+$0x14CB0]  }
0x157: {  	v23 =	vld [tilespmem:s1+$0x14CC0]  }
0x158: {  	v10 =	vmul.f32 v10, v19;
	v19 =	vld [tilespmem:s1+$0x14CD0]  }
0x159: {  	v61 =	vld [tilespmem:s1+$0x14CE0];
	v11 =	vmul.f32 v11, v20  }
0x15a: {  	v62 =	vld [tilespmem:s1+$0x14CF0];
	[tilespmem:s1+$0x14C80] =	vst v10;
	v10 =	vmul.f32 v12, v21  }
0x15b: {  	v63 =	vld [tilespmem:s1+$0x15080];
	[tilespmem:s1+$0x14C90] =	vst v11;
	v11 =	vmul.f32 v13, v22  }
0x15c: {  	v13 =	vld [tilespmem:s1+$0x15090];
	[tilespmem:s1+$0x14CA0] =	vst v10;
	v10 =	vmul.f32 v14, v23  }
0x15d: {  	v12 =	vld [tilespmem:s1+$0x150A0];
	[tilespmem:s1+$0x14CB0] =	vst v11;
	v11 =	vmul.f32 v15, v19  }
0x15e: {  	v14 =	vmul.f32 v16, v61;
	[tilespmem:s1+$0x14CC0] =	vst v10;
	v10 =	vld [tilespmem:s1+$0x150B0]  }
0x15f: {  	v16 =	vmul.f32 v17, v62;
	[tilespmem:s1+$0x14CD0] =	vst v11;
	v11 =	vld [tilespmem:s1+$0x150C0]  }
0x160: {  	s9 =	simm.s32 $0x100;
	s8 =	simm.s32 $0x80;
	v15 =	vmul.f32 v18, v63;
	[tilespmem:s1+$0x14CE0] =	vst v14;
	v14 =	vld [tilespmem:s1+$0x150D0]  }
.LBB2_12:
0x161: {  	s14 =	sand.u32 $0x7800, s9;
	s15 =	sand.u32 $0x380, s8;
	p1 =	sne.s32 s9, $0x4F00;
	[tilespmem:s1+$0x14CF0] =	vst v16;
	v9 =	vmul.f32 v9, v13;
	v13 =	vld [tilespmem:s1+$0x150E0]  }
0x162: {  	s14 =	sor.u32 s15, s14;
	[tilespmem:s1+$0x15080] =	vst v15;
	v8 =	vmul.f32 v8, v12;
	v12 =	vld [tilespmem:s1+$0x150F0]  }
0x163: {  	v15 =	vld [tilespmem:s14+$0x5C80];
	[tilespmem:s1+$0x15090] =	vst v9;
	v7 =	vmul.f32 v7, v10  }
0x164: {  	v10 =	vld [tilespmem:s14+$0x5C90];
	[tilespmem:s1+$0x150A0] =	vst v8;
	v6 =	vmul.f32 v6, v11  }
0x165: {  	v11 =	vld [tilespmem:s14+$0x5CA0];
	[tilespmem:s1+$0x150B0] =	vst v7;
	v5 =	vmul.f32 v5, v14  }
0x166: {  	v14 =	vld [tilespmem:s14+$0x5CB0];
	[tilespmem:s1+$0x150C0] =	vst v6;
	v4 =	vmul.f32 v4, v13  }
0x167: {  	v13 =	vld [tilespmem:s14+$0x5CC0];
	[tilespmem:s1+$0x150D0] =	vst v5;
	v3 =	vmul.f32 v3, v12  }
0x168: {  	v12 =	vld [tilespmem:s14+$0x5CD0];
	[tilespmem:s1+$0x150E0] =	vst v4  }
0x169: {  	v16 =	vld [tilespmem:s14+$0x5CE0];
	[tilespmem:s1+$0x150F0] =	vst v3;
	s1 =	smov.u32 s14  }
0x16a: {  	v17 =	vld [tilespmem:s1+$0x5CF0]  }
0x16b: {  	v18 =	vld [tilespmem:s1+$0x6080]  }
0x16c: {  	v9 =	vld [tilespmem:s1+$0x6090]  }
0x16d: {  	v8 =	vld [tilespmem:s1+$0x60A0]  }
0x16e: {  	v7 =	vld [tilespmem:s1+$0x60B0]  }
0x16f: {  	v6 =	vld [tilespmem:s1+$0x60C0]  }
0x170: {  	v5 =	vld [tilespmem:s1+$0x60D0]  }
0x171: {  	v4 =	vld [tilespmem:s1+$0x60E0]  }
0x172: {  	v3 =	vld [tilespmem:s1+$0x60F0]  }
0x173: {  	v19 =	vld [tilespmem:s1+$0x14C80]  }
0x174: {  	v20 =	vld [tilespmem:s1+$0x14C90]  }
0x175: {  	v21 =	vld [tilespmem:s1+$0x14CA0]  }
0x176: {  	v22 =	vld [tilespmem:s1+$0x14CB0]  }
0x177: {  	v23 =	vld [tilespmem:s1+$0x14CC0]  }
0x178: {  	v15 =	vmul.f32 v15, v19;
	v19 =	vld [tilespmem:s1+$0x14CD0]  }
0x179: {  	v10 =	vmul.f32 v10, v20;
	v20 =	vld [tilespmem:s1+$0x14CE0]  }
0x17a: {  	[tilespmem:s1+$0x14C80] =	vst v15;
	v11 =	vmul.f32 v11, v21;
	v15 =	vld [tilespmem:s1+$0x14CF0]  }
0x17b: {  	[tilespmem:s1+$0x14C90] =	vst v10;
	v10 =	vmul.f32 v14, v22;
	v14 =	vld [tilespmem:s1+$0x15080]  }
.Ltmp9:
0x17c: {  	[tilespmem:s1+$0x14CA0] =	vst v11;
	v11 =	vmul.f32 v13, v23;
	v13 =	vld [tilespmem:s1+$0x15090];
	(pc) =	sbr.rel @p1 .LBB2_12-.Ltmp9, $4  }
0x17d: {  	[tilespmem:s1+$0x14CB0] =	vst v10;
	v19 =	vmul.f32 v12, v19;
	v12 =	vld [tilespmem:s1+$0x150A0]  }
0x17e: {  	[tilespmem:s1+$0x14CC0] =	vst v11;
	v20 =	vmul.f32 v16, v20;
	v10 =	vld [tilespmem:s1+$0x150B0]  }
0x17f: {  	[tilespmem:s1+$0x14CD0] =	vst v19;
	v16 =	vmul.f32 v17, v15;
	v11 =	vld [tilespmem:s1+$0x150C0]  }
0x180: {  	s8 =	sadd.s32 $0x80, s8;
	s9 =	sadd.s32 $0x100, s9;
	[tilespmem:s1+$0x14CE0] =	vst v20;
	v15 =	vmul.f32 v18, v14;
	v14 =	vld [tilespmem:s1+$0x150D0]  }
0x181: {  	[tilespmem:s1+$0x14CF0] =	vst v16;
	v9 =	vmul.f32 v9, v13;
	v62 =	vld [tilespmem:s1+$0x150E0]  }
0x182: {  	v63 =	vld [tilespmem:s1+$0x150F0];
	[tilespmem:s1+$0x15080] =	vst v15;
	v8 =	vmul.f32 v8, v12  }
0x183: {  	[tilespmem:s1+$0x15090] =	vst v9;
	v7 =	vmul.f32 v7, v10  }
0x184: {  	[tilespmem:s1+$0x150A0] =	vst v8;
	v6 =	vmul.f32 v6, v11  }
0x185: {  	[tilespmem:s1+$0x150B0] =	vst v7;
	v5 =	vmul.f32 v5, v14  }
0x186: {  	s8 =	sadd.s32 s5, s30;
	[tilespmem:s1+$0x150C0] =	vst v6;
	v4 =	vmul.f32 v4, v62  }
0x187: {  	s8 =	smul.u32 $0xA00, s8;
	v3 =	vmul.f32 v3, v63;
	[tilespmem:s1+$0x150D0] =	vst v5  }
0x188: {  	[tilespmem:s1+$0x150E0] =	vst v4  }
0x189: {  	s30 =	sadd.s32 s3, s8;
	[tilespmem:s1+$0x150F0] =	vst v3  }
0x18a: {  	[hbm4b:s30+s4] =	stream.linear.scatter [tilespmem:s7], [sflag:$0x5], $0x5000, $0x38;
	[tilespmem:$0x1EC80] =	vst v63  }
.LBB2_14:
0x18b: {  	s1 =	sadd.s32 $0x3, s29  }
0x18c: {  	p1 =	sge.u32 s1, s6  }
.Ltmp10:
0x18d: {  	_ = 	snop;
	(pc) =	sbr.rel @p1 .LBB2_16-.Ltmp10, $1  }
0x18e: {  	_ =	sdelay $0x3  }
0x18f: {  	_ =	swait.ge [sflag:s12], $0x5000;
	s8 =	smul.u32 $0x140, s1  }
0x190: {  	[sflag:s12] =	ssyncset.done $0x0  }
0x191: {  	[sflag:s12] =	ssyncadd.s32 $0xFFFFB000;
	s8 =	sshra.s32 s8, $0x2  }
0x192: {  	v3 =	vld [tilespmem:s8+$0x0];
	_ =	sdelay $0x4  }
0x193: {  	v4 =	vshll.u32 v3, $0x1  }
0x194: {  	v3 =	vand.u32 $0x7, v3;
	v4 =	vand.u32 $0xFFFFFFF0, v4  }
0x195: {  	v3 =	vor.u32 v3, v4  }
0x196: {  	v4 =	vperm.xlane v3, v0;
	_ =	sdelay $0x1  }
0x197: {  	v3 =	vperm.xlane v3, v2;
	v4 =	vadd.s32 v1, v4;
	_ =	sdelay $0x1  }
0x198: {  	v3 =	vadd.s32 v1, v3;
	_ =	sdelay $0x1  }
0x199: {  	s9 =	simm.s32 $0xC80  }
0x19a: {  	[tilespmem:s9], [sflag:$0x1] =	stream.indirect_vreg.gather [hbm4b:s2+s4], $0x80, v4, vm0, $0xb8;
	[tilespmem:$0x1EC80] =	vst v63  }
0x19b: {  	s29 =	simm.s32 $0x1480  }
0x19c: {  	[tilespmem:s29], [sflag:$0x1] =	stream.indirect_vreg.gather [hbm4b:s2+s4], $0x80, v3, vm0, $0xb8;
	[tilespmem:$0x1EC80] =	vst v63  }
0x19d: {  	v3 =	vld [tilespmem:s8+$0x10];
	_ =	sdelay $0x4  }
0x19e: {  	v60 =	vshll.u32 v3, $0x1  }
0x19f: {  	v3 =	vand.u32 $0x7, v3;
	v4 =	vand.u32 $0xFFFFFFF0, v60  }
0x1a0: {  	v3 =	vor.u32 v3, v4  }
0x1a1: {  	v4 =	vperm.xlane v3, v0;
	_ =	sdelay $0x1  }
0x1a2: {  	v3 =	vperm.xlane v3, v2;
	v4 =	vadd.s32 v1, v4;
	_ =	sdelay $0x1  }
0x1a3: {  	v3 =	vadd.s32 v1, v3;
	_ =	sdelay $0x2  }
0x1a4: {  	[tilespmem:s16], [sflag:$0x1] =	stream.indirect_vreg.gather [hbm4b:s2+s4], $0x80, v4, vm0, $0xb8;
	[tilespmem:$0x1EC80] =	vst v63  }
0x1a5: {  	_ = 	snop  }
0x1a6: {  	[tilespmem:s17], [sflag:$0x1] =	stream.indirect_vreg.gather [hbm4b:s2+s4], $0x80, v3, vm0, $0xb8;
	[tilespmem:$0x1EC80] =	vst v63  }
0x1a7: {  	v3 =	vld [tilespmem:s8+$0x20];
	_ =	sdelay $0x4  }
0x1a8: {  	v61 =	vshll.u32 v3, $0x1  }
0x1a9: {  	v3 =	vand.u32 $0x7, v3;
	v4 =	vand.u32 $0xFFFFFFF0, v61  }
0x1aa: {  	v3 =	vor.u32 v3, v4  }
0x1ab: {  	v4 =	vperm.xlane v3, v0;
	_ =	sdelay $0x1  }
0x1ac: {  	v3 =	vperm.xlane v3, v2;
	v4 =	vadd.s32 v1, v4;
	_ =	sdelay $0x1  }
0x1ad: {  	v3 =	vadd.s32 v1, v3;
	_ =	sdelay $0x2  }
0x1ae: {  	[tilespmem:s18], [sflag:$0x1] =	stream.indirect_vreg.gather [hbm4b:s2+s4], $0x80, v4, vm0, $0xb8;
	[tilespmem:$0x1EC80] =	vst v63  }
0x1af: {  	_ = 	snop  }
0x1b0: {  	[tilespmem:s19], [sflag:$0x1] =	stream.indirect_vreg.gather [hbm4b:s2+s4], $0x80, v3, vm0, $0xb8;
	[tilespmem:$0x1EC80] =	vst v63  }
0x1b1: {  	v3 =	vld [tilespmem:s8+$0x30];
	_ =	sdelay $0x4  }
0x1b2: {  	v62 =	vshll.u32 v3, $0x1  }
0x1b3: {  	v3 =	vand.u32 $0x7, v3;
	v4 =	vand.u32 $0xFFFFFFF0, v62  }
0x1b4: {  	v3 =	vor.u32 v3, v4  }
0x1b5: {  	v4 =	vperm.xlane v3, v0;
	_ =	sdelay $0x1  }
0x1b6: {  	v3 =	vperm.xlane v3, v2;
	v4 =	vadd.s32 v1, v4;
	_ =	sdelay $0x1  }
0x1b7: {  	v3 =	vadd.s32 v1, v3;
	_ =	sdelay $0x2  }
0x1b8: {  	[tilespmem:s20], [sflag:$0x1] =	stream.indirect_vreg.gather [hbm4b:s2+s4], $0x80, v4, vm0, $0xb8;
	[tilespmem:$0x1EC80] =	vst v63  }
0x1b9: {  	_ = 	snop  }
0x1ba: {  	[tilespmem:s21], [sflag:$0x1] =	stream.indirect_vreg.gather [hbm4b:s2+s4], $0x80, v3, vm0, $0xb8;
	[tilespmem:$0x1EC80] =	vst v63  }
0x1bb: {  	v3 =	vld [tilespmem:s8+$0x40];
	_ =	sdelay $0x4  }
0x1bc: {  	v63 =	vshll.u32 v3, $0x1  }
0x1bd: {  	v3 =	vand.u32 $0x7, v3;
	v4 =	vand.u32 $0xFFFFFFF0, v63  }
0x1be: {  	v3 =	vor.u32 v3, v4  }
0x1bf: {  	v4 =	vperm.xlane v3, v0;
	_ =	sdelay $0x1  }
0x1c0: {  	v3 =	vperm.xlane v3, v2;
	v4 =	vadd.s32 v1, v4;
	_ =	sdelay $0x1  }
0x1c1: {  	v3 =	vadd.s32 v1, v3;
	_ =	sdelay $0x1  }
0x1c2: {  	s30 =	sadd.s32 s5, s1  }
0x1c3: {  	[tilespmem:s22], [sflag:$0x1] =	stream.indirect_vreg.gather [hbm4b:s2+s4], $0x80, v4, vm0, $0xb8;
	[tilespmem:$0x1EC80] =	vst v63  }
0x1c4: {  	s1 =	smul.u32 $0xA00, s30  }
0x1c5: {  	[tilespmem:s23], [sflag:$0x1] =	stream.indirect_vreg.gather [hbm4b:s2+s4], $0x80, v3, vm0, $0xb8;
	[tilespmem:$0x1EC80] =	vst v63  }
0x1c6: {  	s1 =	sadd.s32 s0, s1  }
0x1c7: {  	[tilespmem:s24], [sflag:$0x1] =	stream.linear.gather [hbm4b:s1+s4], $0x5000, $0x38;
	[tilespmem:$0x1EC80] =	vst v63  }
.LBB2_16:
.Ltmp11:
0x1c8: {  	(pc) =	sbr.rel @p2 .LBB2_20-.Ltmp11, $1  }
0x1c9: {  	_ =	sdelay $0x3  }
0x1ca: {  	_ =	swait.ge [sflag:s25], $0x5000  }
0x1cb: {  	[sflag:s25] =	ssyncset.done $0x0  }
0x1cc: {  	[sflag:s25] =	ssyncadd.s32 $0xFFFFB000  }
0x1cd: {  	s1 =	simm.s32 $0x0;
	_ =	swait.ge [sflag:s25], $0x5000  }
0x1ce: {  	s8 =	sand.u32 $0x7800, s1;
	s1 =	sand.u32 $0x380, s1;
	[sflag:s25] =	ssyncset.done $0x0  }
0x1cf: {  	s1 =	sor.u32 s1, s8;
	[sflag:s25] =	ssyncadd.s32 $0xFFFFB000  }
0x1d0: {  	v10 =	vld [tilespmem:s1+$0xAC80]  }
0x1d1: {  	v11 =	vld [tilespmem:s1+$0xAC90]  }
0x1d2: {  	v12 =	vld [tilespmem:s1+$0xACA0]  }
0x1d3: {  	v13 =	vld [tilespmem:s1+$0xACB0]  }
0x1d4: {  	v14 =	vld [tilespmem:s1+$0xACC0]  }
0x1d5: {  	v15 =	vld [tilespmem:s1+$0xACD0]  }
0x1d6: {  	v16 =	vld [tilespmem:s1+$0xACE0]  }
0x1d7: {  	v17 =	vld [tilespmem:s1+$0xACF0]  }
0x1d8: {  	v18 =	vld [tilespmem:s1+$0xB080]  }
0x1d9: {  	v9 =	vld [tilespmem:s1+$0xB090]  }
0x1da: {  	v8 =	vld [tilespmem:s1+$0xB0A0]  }
0x1db: {  	v7 =	vld [tilespmem:s1+$0xB0B0]  }
0x1dc: {  	v6 =	vld [tilespmem:s1+$0xB0C0]  }
0x1dd: {  	v5 =	vld [tilespmem:s1+$0xB0D0]  }
0x1de: {  	v4 =	vld [tilespmem:s1+$0xB0E0]  }
0x1df: {  	v3 =	vld [tilespmem:s1+$0xB0F0]  }
0x1e0: {  	v19 =	vld [tilespmem:s1+$0x19C80]  }
0x1e1: {  	v20 =	vld [tilespmem:s1+$0x19C90]  }
0x1e2: {  	v21 =	vld [tilespmem:s1+$0x19CA0]  }
0x1e3: {  	v22 =	vld [tilespmem:s1+$0x19CB0]  }
0x1e4: {  	v23 =	vld [tilespmem:s1+$0x19CC0]  }
0x1e5: {  	v10 =	vmul.f32 v10, v19;
	v19 =	vld [tilespmem:s1+$0x19CD0]  }
0x1e6: {  	v61 =	vld [tilespmem:s1+$0x19CE0];
	v11 =	vmul.f32 v11, v20  }
0x1e7: {  	v62 =	vld [tilespmem:s1+$0x19CF0];
	[tilespmem:s1+$0x19C80] =	vst v10;
	v10 =	vmul.f32 v12, v21  }
0x1e8: {  	v63 =	vld [tilespmem:s1+$0x1A080];
	[tilespmem:s1+$0x19C90] =	vst v11;
	v11 =	vmul.f32 v13, v22  }
0x1e9: {  	v13 =	vld [tilespmem:s1+$0x1A090];
	[tilespmem:s1+$0x19CA0] =	vst v10;
	v10 =	vmul.f32 v14, v23  }
0x1ea: {  	v12 =	vld [tilespmem:s1+$0x1A0A0];
	[tilespmem:s1+$0x19CB0] =	vst v11;
	v11 =	vmul.f32 v15, v19  }
0x1eb: {  	v14 =	vmul.f32 v16, v61;
	[tilespmem:s1+$0x19CC0] =	vst v10;
	v10 =	vld [tilespmem:s1+$0x1A0B0]  }
0x1ec: {  	v16 =	vmul.f32 v17, v62;
	[tilespmem:s1+$0x19CD0] =	vst v11;
	v11 =	vld [tilespmem:s1+$0x1A0C0]  }
0x1ed: {  	s9 =	simm.s32 $0x100;
	s8 =	simm.s32 $0x80;
	v15 =	vmul.f32 v18, v63;
	[tilespmem:s1+$0x19CE0] =	vst v14;
	v14 =	vld [tilespmem:s1+$0x1A0D0]  }
.LBB2_18:
0x1ee: {  	s14 =	sand.u32 $0x7800, s9;
	s15 =	sand.u32 $0x380, s8;
	p1 =	sne.s32 s9, $0x4F00;
	[tilespmem:s1+$0x19CF0] =	vst v16;
	v9 =	vmul.f32 v9, v13;
	v13 =	vld [tilespmem:s1+$0x1A0E0]  }
0x1ef: {  	s14 =	sor.u32 s15, s14;
	[tilespmem:s1+$0x1A080] =	vst v15;
	v8 =	vmul.f32 v8, v12;
	v12 =	vld [tilespmem:s1+$0x1A0F0]  }
0x1f0: {  	v15 =	vld [tilespmem:s14+$0xAC80];
	[tilespmem:s1+$0x1A090] =	vst v9;
	v7 =	vmul.f32 v7, v10  }
0x1f1: {  	v10 =	vld [tilespmem:s14+$0xAC90];
	[tilespmem:s1+$0x1A0A0] =	vst v8;
	v6 =	vmul.f32 v6, v11  }
0x1f2: {  	v11 =	vld [tilespmem:s14+$0xACA0];
	[tilespmem:s1+$0x1A0B0] =	vst v7;
	v5 =	vmul.f32 v5, v14  }
0x1f3: {  	v14 =	vld [tilespmem:s14+$0xACB0];
	[tilespmem:s1+$0x1A0C0] =	vst v6;
	v4 =	vmul.f32 v4, v13  }
0x1f4: {  	v13 =	vld [tilespmem:s14+$0xACC0];
	[tilespmem:s1+$0x1A0D0] =	vst v5;
	v3 =	vmul.f32 v3, v12  }
0x1f5: {  	v12 =	vld [tilespmem:s14+$0xACD0];
	[tilespmem:s1+$0x1A0E0] =	vst v4  }
0x1f6: {  	v16 =	vld [tilespmem:s14+$0xACE0];
	[tilespmem:s1+$0x1A0F0] =	vst v3;
	s1 =	smov.u32 s14  }
0x1f7: {  	v17 =	vld [tilespmem:s1+$0xACF0]  }
0x1f8: {  	v18 =	vld [tilespmem:s1+$0xB080]  }
0x1f9: {  	v9 =	vld [tilespmem:s1+$0xB090]  }
0x1fa: {  	v8 =	vld [tilespmem:s1+$0xB0A0]  }
0x1fb: {  	v7 =	vld [tilespmem:s1+$0xB0B0]  }
0x1fc: {  	v6 =	vld [tilespmem:s1+$0xB0C0]  }
0x1fd: {  	v5 =	vld [tilespmem:s1+$0xB0D0]  }
0x1fe: {  	v4 =	vld [tilespmem:s1+$0xB0E0]  }
0x1ff: {  	v3 =	vld [tilespmem:s1+$0xB0F0]  }
0x200: {  	v19 =	vld [tilespmem:s1+$0x19C80]  }
0x201: {  	v20 =	vld [tilespmem:s1+$0x19C90]  }
0x202: {  	v21 =	vld [tilespmem:s1+$0x19CA0]  }
0x203: {  	v22 =	vld [tilespmem:s1+$0x19CB0]  }
0x204: {  	v23 =	vld [tilespmem:s1+$0x19CC0]  }
0x205: {  	v15 =	vmul.f32 v15, v19;
	v19 =	vld [tilespmem:s1+$0x19CD0]  }
0x206: {  	v10 =	vmul.f32 v10, v20;
	v20 =	vld [tilespmem:s1+$0x19CE0]  }
0x207: {  	[tilespmem:s1+$0x19C80] =	vst v15;
	v11 =	vmul.f32 v11, v21;
	v15 =	vld [tilespmem:s1+$0x19CF0]  }
0x208: {  	[tilespmem:s1+$0x19C90] =	vst v10;
	v10 =	vmul.f32 v14, v22;
	v14 =	vld [tilespmem:s1+$0x1A080]  }
.Ltmp12:
0x209: {  	[tilespmem:s1+$0x19CA0] =	vst v11;
	v11 =	vmul.f32 v13, v23;
	v13 =	vld [tilespmem:s1+$0x1A090];
	(pc) =	sbr.rel @p1 .LBB2_18-.Ltmp12, $4  }
0x20a: {  	[tilespmem:s1+$0x19CB0] =	vst v10;
	v19 =	vmul.f32 v12, v19;
	v12 =	vld [tilespmem:s1+$0x1A0A0]  }
0x20b: {  	[tilespmem:s1+$0x19CC0] =	vst v11;
	v20 =	vmul.f32 v16, v20;
	v10 =	vld [tilespmem:s1+$0x1A0B0]  }
0x20c: {  	[tilespmem:s1+$0x19CD0] =	vst v19;
	v16 =	vmul.f32 v17, v15;
	v11 =	vld [tilespmem:s1+$0x1A0C0]  }
0x20d: {  	s8 =	sadd.s32 $0x80, s8;
	s9 =	sadd.s32 $0x100, s9;
	[tilespmem:s1+$0x19CE0] =	vst v20;
	v15 =	vmul.f32 v18, v14;
	v14 =	vld [tilespmem:s1+$0x1A0D0]  }
0x20e: {  	[tilespmem:s1+$0x19CF0] =	vst v16;
	v9 =	vmul.f32 v9, v13;
	v62 =	vld [tilespmem:s1+$0x1A0E0]  }
0x20f: {  	v63 =	vld [tilespmem:s1+$0x1A0F0];
	[tilespmem:s1+$0x1A080] =	vst v15;
	v8 =	vmul.f32 v8, v12  }
0x210: {  	[tilespmem:s1+$0x1A090] =	vst v9;
	v7 =	vmul.f32 v7, v10  }
0x211: {  	[tilespmem:s1+$0x1A0A0] =	vst v8;
	v6 =	vmul.f32 v6, v11  }
0x212: {  	[tilespmem:s1+$0x1A0B0] =	vst v7;
	v5 =	vmul.f32 v5, v14  }
.Ltmp13:
0x213: {  	s8 =	sadd.s32 s5, s31;
	[tilespmem:s1+$0x1A0C0] =	vst v6;
	v4 =	vmul.f32 v4, v62;
	(pc) =	sbr.rel .LBB2_20-.Ltmp13, $4  }
0x214: {  	s8 =	smul.u32 $0xA00, s8;
	v3 =	vmul.f32 v3, v63;
	[tilespmem:s1+$0x1A0D0] =	vst v5  }
0x215: {  	[tilespmem:s1+$0x1A0E0] =	vst v4  }
0x216: {  	s31 =	sadd.s32 s3, s8;
	[tilespmem:s1+$0x1A0F0] =	vst v3  }
0x217: {  	[hbm4b:s31+s4] =	stream.linear.scatter [tilespmem:s10], [sflag:$0x6], $0x5000, $0x38;
	[tilespmem:$0x1EC80] =	vst v63  }
.LBB2_22:
0x218: {  	_ =	sfence.sel $0x180000  }
0x219: {  	[bflag:$0x0] =	sbarrier.arrive $0xFFFF  }
0x21a: {  	_ =	strace $0x90000047  }
0x21b: {  	[bflag:$0x2] =	sbarrier.arrive $0xFFFF  }
0x21c: {  	s0 =	rddreg [dreg:$0x4]  }
0x21d: {  	s0 =	sadd.s32 @!p0 $0x100000, s0  }
0x21e: {  	[sflag:s0] =	ssyncadd.tile.s32 @!p0 $0x1;
	_ =	shalt  }
.Lfunc_end2:
_tile_overlayer_lowered:
.L_overlay_start_2:
0x21f: {  	(tag) =	ssettag $0x2  }
0x220: {  	s0 =	rddreg [dreg:$0x0];
	s2 =	stileid.u32  }
0x221: {  	s1 =	rddreg [dreg:$0x1];
	p0 =	sne.s32 s2, $0x0  }
0x222: {  	s3 =	rddreg [dreg:$0x2];
	[bflag:$0x3] =	sbarrier.arrive $0xFFFF;
	s2 =	simm.s32 @!p0 $0x1C07  }
0x223: {  	[timem:s3], [sflag:s2] =	dma.local @!p0 [hbm:s0], s1  }
0x224: {  	s0 =	simm.s32 @!p0 $0x7  }
0x225: {  	_ =	swait.ge @!p0 [sflag:s0], s1  }
0x226: {  	s1 =	ssub.s32 @!p0 $0x0, s1;
	[sflag:s0] =	ssyncset.done @!p0 $0x0  }
0x227: {  	[sflag:s0] =	ssyncadd.s32 @!p0 s1  }
0x228: {  	[bflag:$0x3] =	sbarrier.arrive $0xFFFF  }
0x229: {  	_ =	shalt  }

</sc_bundles>
